<compile_context>
chip_gen: v7x
topology: tpu7x:2x2x1
jax: 0.10.2.dev20260603
libtpu: 0.0.44.dev20260713+nightly
codegen_flags: <defaults>
</compile_context>

<pallas_src>
import functools

import jax
import jax.numpy as jnp
from jax import lax
from jax.experimental import pallas as pl
from jax.experimental.pallas import tpu as pltpu
from jax.experimental.pallas import tpu_sc as plsc

_V = 1000000
_D = 32
_B = 4096
_L = 200

_NC = 2
_NS = 16
_NW = _NC * _NS
_BPW = _B // _NW
_LANES = 16

_NSLOTS = 8


def _body(x_hbm, lens_hbm, table_hbm, out_hbm, xblk_v, lens_v, buf_v, out_v, sems):
    wid = lax.axis_index("s") * _NC + lax.axis_index("c")
    base = wid * _BPW

    pltpu.sync_copy(x_hbm.at[pl.ds(base, _BPW)], xblk_v)
    pltpu.sync_copy(lens_hbm.at[pl.ds(base * _LANES, _BPW * _LANES)], lens_v)

    _CHUNKS = ((0, _L),)

    def gather_row(b, slot):
        return tuple(
            pltpu.make_async_copy(
                table_hbm.at[xblk_v.at[b, pl.ds(off, n)]],
                buf_v.at[slot, pl.ds(off, n)],
                sems.at[slot],
            )
            for off, n in _CHUNKS
        )

    def fire(b, slot):
        for h in gather_row(b, slot):
            h.start()

    def drain(b, slot):
        for h in gather_row(b, slot):
            h.wait()

    def accumulate(b, slot):
        def acc_body(i, carry):
            a0, a1 = carry
            t0 = i * 8
            for j in range(8):
                a0 = a0 + buf_v[slot, t0 + j, pl.ds(0, _LANES)]
                a1 = a1 + buf_v[slot, t0 + j, pl.ds(_LANES, _LANES)]
            return (a0, a1)

        zero = jnp.zeros((_LANES,), jnp.float32)
        a0, a1 = lax.fori_loop(0, _L // 8, acc_body, (zero, zero))
        linv = 1.0 / lens_v[pl.ds(b * _LANES, _LANES)]
        out_v[pl.ds(b * _D, _LANES)] = a0 * linv
        out_v[pl.ds(b * _D + _LANES, _LANES)] = a1 * linv

    for s in range(_NSLOTS):
        fire(s, s)

    def group_body(g, _):
        r0 = g * _NSLOTS
        for s in range(_NSLOTS):
            drain(r0 + s, s)
            accumulate(r0 + s, s)

            @pl.when(r0 + s + _NSLOTS < _BPW)
            def _():
                fire(r0 + s + _NSLOTS, s)

        return 0

    lax.fori_loop(0, _BPW // _NSLOTS, group_body, 0)

    pltpu.sync_copy(out_v, out_hbm.at[pl.ds(base * _D, _BPW * _D)])


_wordvec_avg = functools.partial(
    pl.kernel,
    out_type=jax.ShapeDtypeStruct((_B * _D,), jnp.float32),
    mesh=plsc.VectorSubcoreMesh(
        core_axis_name="c", subcore_axis_name="s", num_cores=_NC, num_subcores=_NS
    ),
    scratch_types=[
        pltpu.VMEM((_BPW, _L), jnp.int32),
        pltpu.VMEM((_BPW * _LANES,), jnp.float32),
        pltpu.VMEM((_NSLOTS, _L, _D), jnp.float32),
        pltpu.VMEM((_BPW * _D,), jnp.float32),
        pltpu.SemaphoreType.DMA((_NSLOTS,)),
    ],
    compiler_params=pltpu.CompilerParams(use_tc_tiling_on_sc=False),
)(_body)


def kernel(x, x_lens, table):
    lens_rep = jnp.repeat(x_lens, _LANES)
    return _wordvec_avg(x, lens_rep, table).reshape(_B, _D)

# --- scband reference (transcript-rebuilt; emitter-appended) ---
"""Pipeline reference for scband-word-vec-avg-78073915506742 (READ-ONLY COPY).

The authoritative reference and input builder live on the scoring server;
editing this copy changes nothing except your own understanding.
"""

import jax, jax.numpy as jnp
import numpy as np

V = 1000000
D = 32
B = 4096
L = 200


def setup_inputs(seed: int = 0) -> dict:
    key = jax.random.key(seed)
    k1, k2, k3 = jax.random.split(key, 3)
    # token indices into the embedding table
    x = jax.random.randint(k1, (B, L), 0, V, dtype=jnp.int32)
    # utterance lengths, strictly positive to avoid div-by-zero (torch usage implies valid lengths)
    x_lens = jax.random.randint(k2, (B,), 1, L + 1).astype(jnp.float32)
    # embedding table (learned parameter); padding_idx=0 row is zeros like nn.Embedding(padding_idx=0)
    table = jax.random.normal(k3, (V, D), dtype=jnp.float32)
    table = table.at[0].set(0.0)
    return {"x": x, "x_lens": x_lens, "table": table}


def reference(x, x_lens, table):
    # nn.Embedding lookup -> gather rows
    emb = jnp.take(table, x, axis=0)  # [B, L, D]
    # sum over sequence dim, divide by lengths (broadcast over feature dim)
    out = emb.sum(axis=1) / x_lens[:, None]  # [B, D]
    return out

if __name__ == "__main__":
    import jax
    _d = setup_inputs()
    print(jax.jit(kernel)(*tuple(_d.values())))

</pallas_src>

<mosaic_0001>
#map = affine_map<(d0, d1) -> (0, 0)>
#map1 = affine_map<(d0, d1) -> (0)>
module attributes {stable_mosaic.version = 14 : i64} {
  func.func @_body(%arg0: i32, %arg1: i32, %arg2: memref<4096x200xi32, #tpu.memory_space<hbm>>, %arg3: memref<65536xf32, #tpu.memory_space<hbm>>, %arg4: memref<1000000x32xf32, #tpu.memory_space<hbm>>, %arg5: memref<131072xf32, #tpu.memory_space<hbm>>, %arg6: memref<128x200xi32, #tpu.memory_space<vmem>>, %arg7: memref<2048xf32, #tpu.memory_space<vmem>>, %arg8: memref<8x200x32xf32, #tpu.memory_space<vmem>>, %arg9: memref<4096xf32, #tpu.memory_space<vmem>>, %arg10: memref<8x!tpu.dma_semaphore, #tpu.memory_space<semaphore_mem>>) attributes {dimension_semantics = [#tpu.dimension_semantics<core_parallel>, #tpu.dimension_semantics<subcore_parallel>], iteration_bounds = array<i64: 2, 16>, scalar_prefetch = 0 : i64, scratch_operands = 5 : i64, tpu.core_type = #tpu.core_type<sc_vector_subcore>, window_params = [{transform_indices = #map}, {transform_indices = #map1}, {transform_indices = #map}, {transform_indices = #map1}]} {
    %mul3A = arith.constant 2 : i32
    %mul3A_0 = arith.muli %arg1, %mul3A : i32
    %add3A = arith.addi %mul3A_0, %arg0 : i32
    %mul3A_1 = arith.constant 128 : i32
    %mul3A_2 = arith.muli %add3A, %mul3A_1 : i32
    "tpu.region"() ({
      %run_scoped3A = tpu.sem_alloc : memref<!tpu.dma_semaphore, #tpu.memory_space<semaphore_mem>>
      %dma_start3A_132 = arith.constant 0 : i32
      %dma_start3A_133 = tpu.memref_slice %arg2[%mul3A_2, %dma_start3A_132] : memref<4096x200xi32, #tpu.memory_space<hbm>> -> memref<128x200xi32, #tpu.memory_space<hbm>>
      %dma_start3A_134 = arith.constant 0 : i32
      %dma_start3A_135 = tpu.memref_slice %arg2[%mul3A_2, %dma_start3A_134] : memref<4096x200xi32, #tpu.memory_space<hbm>> -> memref<128x200xi32, #tpu.memory_space<hbm>>
      tpu.enqueue_dma source(%dma_start3A_135 : memref<128x200xi32, #tpu.memory_space<hbm>>) target(%arg6 : memref<128x200xi32, #tpu.memory_space<vmem>>) target_semaphore(%run_scoped3A : memref<!tpu.dma_semaphore, #tpu.memory_space<semaphore_mem>>)
      %dma_wait3A = arith.constant 0 : i32
      %dma_wait3A_136 = tpu.memref_slice %arg2[%mul3A_2, %dma_wait3A] : memref<4096x200xi32, #tpu.memory_space<hbm>> -> memref<128x200xi32, #tpu.memory_space<hbm>>
      %dma_wait3A_137 = arith.constant 0 : i32
      %dma_wait3A_138 = tpu.memref_slice %arg2[%mul3A_2, %dma_wait3A_137] : memref<4096x200xi32, #tpu.memory_space<hbm>> -> memref<128x200xi32, #tpu.memory_space<hbm>>
      tpu.wait_dma2 semaphore(%run_scoped3A : memref<!tpu.dma_semaphore, #tpu.memory_space<semaphore_mem>>) src(%dma_wait3A_138 : memref<128x200xi32, #tpu.memory_space<hbm>>) dst(%arg6 : memref<128x200xi32, #tpu.memory_space<vmem>>)
      tpu.yield
    }) : () -> ()
    %mul3A_3 = arith.constant 16 : i32
    %mul3A_4 = arith.muli %mul3A_2, %mul3A_3 : i32
    "tpu.region"() ({
      %run_scoped3A = tpu.sem_alloc : memref<!tpu.dma_semaphore, #tpu.memory_space<semaphore_mem>>
      %dma_start3A_132 = tpu.memref_slice %arg3[%mul3A_4] : memref<65536xf32, #tpu.memory_space<hbm>> -> memref<2048xf32, #tpu.memory_space<hbm>>
      %dma_start3A_133 = tpu.memref_slice %arg3[%mul3A_4] : memref<65536xf32, #tpu.memory_space<hbm>> -> memref<2048xf32, #tpu.memory_space<hbm>>
      tpu.enqueue_dma source(%dma_start3A_133 : memref<2048xf32, #tpu.memory_space<hbm>>) target(%arg7 : memref<2048xf32, #tpu.memory_space<vmem>>) target_semaphore(%run_scoped3A : memref<!tpu.dma_semaphore, #tpu.memory_space<semaphore_mem>>)
      %dma_wait3A = tpu.memref_slice %arg3[%mul3A_4] : memref<65536xf32, #tpu.memory_space<hbm>> -> memref<2048xf32, #tpu.memory_space<hbm>>
      %dma_wait3A_134 = tpu.memref_slice %arg3[%mul3A_4] : memref<65536xf32, #tpu.memory_space<hbm>> -> memref<2048xf32, #tpu.memory_space<hbm>>
      tpu.wait_dma2 semaphore(%run_scoped3A : memref<!tpu.dma_semaphore, #tpu.memory_space<semaphore_mem>>) src(%dma_wait3A_134 : memref<2048xf32, #tpu.memory_space<hbm>>) dst(%arg7 : memref<2048xf32, #tpu.memory_space<vmem>>)
      tpu.yield
    }) : () -> ()
    %dma_start3A = arith.constant 0 : i32
    %dma_start3A_5 = arith.constant 0 : i32
    %dma_start3A_6 = arith.constant 0 : i32
    %dma_start3A_7 = arith.constant 0 : i32
    %dma_start3A_8 = arith.constant 0 : i32
    %dma_start3A_9 = tpu.memref_slice %arg8[%dma_start3A_5, %dma_start3A_7, %dma_start3A_8] : memref<8x200x32xf32, #tpu.memory_space<vmem>> -> memref<1x200x32xf32, #tpu.memory_space<vmem>>
    %dma_start3A_10 = tpu.memref_squeeze %dma_start3A_9 : memref<1x200x32xf32, #tpu.memory_space<vmem>> -> memref<200x32xf32, #tpu.memory_space<vmem>>
    %dma_start3A_11 = arith.constant 0 : i32
    %dma_start3A_12 = tpu.memref_slice %arg6[%dma_start3A, %dma_start3A_11] : memref<128x200xi32, #tpu.memory_space<vmem>> -> memref<1x200xi32, #tpu.memory_space<vmem>>
    %dma_start3A_13 = tpu.memref_squeeze %dma_start3A_12 : memref<1x200xi32, #tpu.memory_space<vmem>> -> memref<200xi32, #tpu.memory_space<vmem>>
    %dma_start3A_14 = arith.constant 0 : i32
    %dma_start3A_15 = arith.constant 0 : i32
    %dma_start3A_16 = tpu.memref_slice %arg4[%dma_start3A_14, %dma_start3A_15] : memref<1000000x32xf32, #tpu.memory_space<hbm>> -> memref<1000000x32xf32, #tpu.memory_space<hbm>>
    %dma_start3A_17 = tpu.memref_slice %arg10[%dma_start3A_6] : memref<8x!tpu.dma_semaphore, #tpu.memory_space<semaphore_mem>> -> memref<1x!tpu.dma_semaphore, #tpu.memory_space<semaphore_mem>>
    %dma_start3A_18 = tpu.memref_squeeze %dma_start3A_17 : memref<1x!tpu.dma_semaphore, #tpu.memory_space<semaphore_mem>> -> memref<!tpu.dma_semaphore, #tpu.memory_space<semaphore_mem>>
    tpu.enqueue_indirect_dma source(%dma_start3A_16 : memref<1000000x32xf32, #tpu.memory_space<hbm>>) target(%dma_start3A_10 : memref<200x32xf32, #tpu.memory_space<vmem>>) offsets(%dma_start3A_13 : memref<200xi32, #tpu.memory_space<vmem>>) semaphore(%dma_start3A_18 : memref<!tpu.dma_semaphore, #tpu.memory_space<semaphore_mem>>)
    %dma_start3A_19 = arith.constant 1 : i32
    %dma_start3A_20 = arith.constant 1 : i32
    %dma_start3A_21 = arith.constant 1 : i32
    %dma_start3A_22 = arith.constant 0 : i32
    %dma_start3A_23 = arith.constant 0 : i32
    %dma_start3A_24 = tpu.memref_slice %arg8[%dma_start3A_20, %dma_start3A_22, %dma_start3A_23] : memref<8x200x32xf32, #tpu.memory_space<vmem>> -> memref<1x200x32xf32, #tpu.memory_space<vmem>>
    %dma_start3A_25 = tpu.memref_squeeze %dma_start3A_24 : memref<1x200x32xf32, #tpu.memory_space<vmem>> -> memref<200x32xf32, #tpu.memory_space<vmem>>
    %dma_start3A_26 = arith.constant 0 : i32
    %dma_start3A_27 = tpu.memref_slice %arg6[%dma_start3A_19, %dma_start3A_26] : memref<128x200xi32, #tpu.memory_space<vmem>> -> memref<1x200xi32, #tpu.memory_space<vmem>>
    %dma_start3A_28 = tpu.memref_squeeze %dma_start3A_27 : memref<1x200xi32, #tpu.memory_space<vmem>> -> memref<200xi32, #tpu.memory_space<vmem>>
    %dma_start3A_29 = arith.constant 0 : i32
    %dma_start3A_30 = arith.constant 0 : i32
    %dma_start3A_31 = tpu.memref_slice %arg4[%dma_start3A_29, %dma_start3A_30] : memref<1000000x32xf32, #tpu.memory_space<hbm>> -> memref<1000000x32xf32, #tpu.memory_space<hbm>>
    %dma_start3A_32 = tpu.memref_slice %arg10[%dma_start3A_21] : memref<8x!tpu.dma_semaphore, #tpu.memory_space<semaphore_mem>> -> memref<1x!tpu.dma_semaphore, #tpu.memory_space<semaphore_mem>>
    %dma_start3A_33 = tpu.memref_squeeze %dma_start3A_32 : memref<1x!tpu.dma_semaphore, #tpu.memory_space<semaphore_mem>> -> memref<!tpu.dma_semaphore, #tpu.memory_space<semaphore_mem>>
    tpu.enqueue_indirect_dma source(%dma_start3A_31 : memref<1000000x32xf32, #tpu.memory_space<hbm>>) target(%dma_start3A_25 : memref<200x32xf32, #tpu.memory_space<vmem>>) offsets(%dma_start3A_28 : memref<200xi32, #tpu.memory_space<vmem>>) semaphore(%dma_start3A_33 : memref<!tpu.dma_semaphore, #tpu.memory_space<semaphore_mem>>)
    %dma_start3A_34 = arith.constant 2 : i32
    %dma_start3A_35 = arith.constant 2 : i32
    %dma_start3A_36 = arith.constant 2 : i32
    %dma_start3A_37 = arith.constant 0 : i32
    %dma_start3A_38 = arith.constant 0 : i32
    %dma_start3A_39 = tpu.memref_slice %arg8[%dma_start3A_35, %dma_start3A_37, %dma_start3A_38] : memref<8x200x32xf32, #tpu.memory_space<vmem>> -> memref<1x200x32xf32, #tpu.memory_space<vmem>>
    %dma_start3A_40 = tpu.memref_squeeze %dma_start3A_39 : memref<1x200x32xf32, #tpu.memory_space<vmem>> -> memref<200x32xf32, #tpu.memory_space<vmem>>
    %dma_start3A_41 = arith.constant 0 : i32
    %dma_start3A_42 = tpu.memref_slice %arg6[%dma_start3A_34, %dma_start3A_41] : memref<128x200xi32, #tpu.memory_space<vmem>> -> memref<1x200xi32, #tpu.memory_space<vmem>>
    %dma_start3A_43 = tpu.memref_squeeze %dma_start3A_42 : memref<1x200xi32, #tpu.memory_space<vmem>> -> memref<200xi32, #tpu.memory_space<vmem>>
    %dma_start3A_44 = arith.constant 0 : i32
    %dma_start3A_45 = arith.constant 0 : i32
    %dma_start3A_46 = tpu.memref_slice %arg4[%dma_start3A_44, %dma_start3A_45] : memref<1000000x32xf32, #tpu.memory_space<hbm>> -> memref<1000000x32xf32, #tpu.memory_space<hbm>>
    %dma_start3A_47 = tpu.memref_slice %arg10[%dma_start3A_36] : memref<8x!tpu.dma_semaphore, #tpu.memory_space<semaphore_mem>> -> memref<1x!tpu.dma_semaphore, #tpu.memory_space<semaphore_mem>>
    %dma_start3A_48 = tpu.memref_squeeze %dma_start3A_47 : memref<1x!tpu.dma_semaphore, #tpu.memory_space<semaphore_mem>> -> memref<!tpu.dma_semaphore, #tpu.memory_space<semaphore_mem>>
    tpu.enqueue_indirect_dma source(%dma_start3A_46 : memref<1000000x32xf32, #tpu.memory_space<hbm>>) target(%dma_start3A_40 : memref<200x32xf32, #tpu.memory_space<vmem>>) offsets(%dma_start3A_43 : memref<200xi32, #tpu.memory_space<vmem>>) semaphore(%dma_start3A_48 : memref<!tpu.dma_semaphore, #tpu.memory_space<semaphore_mem>>)
    %dma_start3A_49 = arith.constant 3 : i32
    %dma_start3A_50 = arith.constant 3 : i32
    %dma_start3A_51 = arith.constant 3 : i32
    %dma_start3A_52 = arith.constant 0 : i32
    %dma_start3A_53 = arith.constant 0 : i32
    %dma_start3A_54 = tpu.memref_slice %arg8[%dma_start3A_50, %dma_start3A_52, %dma_start3A_53] : memref<8x200x32xf32, #tpu.memory_space<vmem>> -> memref<1x200x32xf32, #tpu.memory_space<vmem>>
    %dma_start3A_55 = tpu.memref_squeeze %dma_start3A_54 : memref<1x200x32xf32, #tpu.memory_space<vmem>> -> memref<200x32xf32, #tpu.memory_space<vmem>>
    %dma_start3A_56 = arith.constant 0 : i32
    %dma_start3A_57 = tpu.memref_slice %arg6[%dma_start3A_49, %dma_start3A_56] : memref<128x200xi32, #tpu.memory_space<vmem>> -> memref<1x200xi32, #tpu.memory_space<vmem>>
    %dma_start3A_58 = tpu.memref_squeeze %dma_start3A_57 : memref<1x200xi32, #tpu.memory_space<vmem>> -> memref<200xi32, #tpu.memory_space<vmem>>
    %dma_start3A_59 = arith.constant 0 : i32
    %dma_start3A_60 = arith.constant 0 : i32
    %dma_start3A_61 = tpu.memref_slice %arg4[%dma_start3A_59, %dma_start3A_60] : memref<1000000x32xf32, #tpu.memory_space<hbm>> -> memref<1000000x32xf32, #tpu.memory_space<hbm>>
    %dma_start3A_62 = tpu.memref_slice %arg10[%dma_start3A_51] : memref<8x!tpu.dma_semaphore, #tpu.memory_space<semaphore_mem>> -> memref<1x!tpu.dma_semaphore, #tpu.memory_space<semaphore_mem>>
    %dma_start3A_63 = tpu.memref_squeeze %dma_start3A_62 : memref<1x!tpu.dma_semaphore, #tpu.memory_space<semaphore_mem>> -> memref<!tpu.dma_semaphore, #tpu.memory_space<semaphore_mem>>
    tpu.enqueue_indirect_dma source(%dma_start3A_61 : memref<1000000x32xf32, #tpu.memory_space<hbm>>) target(%dma_start3A_55 : memref<200x32xf32, #tpu.memory_space<vmem>>) offsets(%dma_start3A_58 : memref<200xi32, #tpu.memory_space<vmem>>) semaphore(%dma_start3A_63 : memref<!tpu.dma_semaphore, #tpu.memory_space<semaphore_mem>>)
    %dma_start3A_64 = arith.constant 4 : i32
    %dma_start3A_65 = arith.constant 4 : i32
    %dma_start3A_66 = arith.constant 4 : i32
    %dma_start3A_67 = arith.constant 0 : i32
    %dma_start3A_68 = arith.constant 0 : i32
    %dma_start3A_69 = tpu.memref_slice %arg8[%dma_start3A_65, %dma_start3A_67, %dma_start3A_68] : memref<8x200x32xf32, #tpu.memory_space<vmem>> -> memref<1x200x32xf32, #tpu.memory_space<vmem>>
    %dma_start3A_70 = tpu.memref_squeeze %dma_start3A_69 : memref<1x200x32xf32, #tpu.memory_space<vmem>> -> memref<200x32xf32, #tpu.memory_space<vmem>>
    %dma_start3A_71 = arith.constant 0 : i32
    %dma_start3A_72 = tpu.memref_slice %arg6[%dma_start3A_64, %dma_start3A_71] : memref<128x200xi32, #tpu.memory_space<vmem>> -> memref<1x200xi32, #tpu.memory_space<vmem>>
    %dma_start3A_73 = tpu.memref_squeeze %dma_start3A_72 : memref<1x200xi32, #tpu.memory_space<vmem>> -> memref<200xi32, #tpu.memory_space<vmem>>
    %dma_start3A_74 = arith.constant 0 : i32
    %dma_start3A_75 = arith.constant 0 : i32
    %dma_start3A_76 = tpu.memref_slice %arg4[%dma_start3A_74, %dma_start3A_75] : memref<1000000x32xf32, #tpu.memory_space<hbm>> -> memref<1000000x32xf32, #tpu.memory_space<hbm>>
    %dma_start3A_77 = tpu.memref_slice %arg10[%dma_start3A_66] : memref<8x!tpu.dma_semaphore, #tpu.memory_space<semaphore_mem>> -> memref<1x!tpu.dma_semaphore, #tpu.memory_space<semaphore_mem>>
    %dma_start3A_78 = tpu.memref_squeeze %dma_start3A_77 : memref<1x!tpu.dma_semaphore, #tpu.memory_space<semaphore_mem>> -> memref<!tpu.dma_semaphore, #tpu.memory_space<semaphore_mem>>
    tpu.enqueue_indirect_dma source(%dma_start3A_76 : memref<1000000x32xf32, #tpu.memory_space<hbm>>) target(%dma_start3A_70 : memref<200x32xf32, #tpu.memory_space<vmem>>) offsets(%dma_start3A_73 : memref<200xi32, #tpu.memory_space<vmem>>) semaphore(%dma_start3A_78 : memref<!tpu.dma_semaphore, #tpu.memory_space<semaphore_mem>>)
    %dma_start3A_79 = arith.constant 5 : i32
    %dma_start3A_80 = arith.constant 5 : i32
    %dma_start3A_81 = arith.constant 5 : i32
    %dma_start3A_82 = arith.constant 0 : i32
    %dma_start3A_83 = arith.constant 0 : i32
    %dma_start3A_84 = tpu.memref_slice %arg8[%dma_start3A_80, %dma_start3A_82, %dma_start3A_83] : memref<8x200x32xf32, #tpu.memory_space<vmem>> -> memref<1x200x32xf32, #tpu.memory_space<vmem>>
    %dma_start3A_85 = tpu.memref_squeeze %dma_start3A_84 : memref<1x200x32xf32, #tpu.memory_space<vmem>> -> memref<200x32xf32, #tpu.memory_space<vmem>>
    %dma_start3A_86 = arith.constant 0 : i32
    %dma_start3A_87 = tpu.memref_slice %arg6[%dma_start3A_79, %dma_start3A_86] : memref<128x200xi32, #tpu.memory_space<vmem>> -> memref<1x200xi32, #tpu.memory_space<vmem>>
    %dma_start3A_88 = tpu.memref_squeeze %dma_start3A_87 : memref<1x200xi32, #tpu.memory_space<vmem>> -> memref<200xi32, #tpu.memory_space<vmem>>
    %dma_start3A_89 = arith.constant 0 : i32
    %dma_start3A_90 = arith.constant 0 : i32
    %dma_start3A_91 = tpu.memref_slice %arg4[%dma_start3A_89, %dma_start3A_90] : memref<1000000x32xf32, #tpu.memory_space<hbm>> -> memref<1000000x32xf32, #tpu.memory_space<hbm>>
    %dma_start3A_92 = tpu.memref_slice %arg10[%dma_start3A_81] : memref<8x!tpu.dma_semaphore, #tpu.memory_space<semaphore_mem>> -> memref<1x!tpu.dma_semaphore, #tpu.memory_space<semaphore_mem>>
    %dma_start3A_93 = tpu.memref_squeeze %dma_start3A_92 : memref<1x!tpu.dma_semaphore, #tpu.memory_space<semaphore_mem>> -> memref<!tpu.dma_semaphore, #tpu.memory_space<semaphore_mem>>
    tpu.enqueue_indirect_dma source(%dma_start3A_91 : memref<1000000x32xf32, #tpu.memory_space<hbm>>) target(%dma_start3A_85 : memref<200x32xf32, #tpu.memory_space<vmem>>) offsets(%dma_start3A_88 : memref<200xi32, #tpu.memory_space<vmem>>) semaphore(%dma_start3A_93 : memref<!tpu.dma_semaphore, #tpu.memory_space<semaphore_mem>>)
    %dma_start3A_94 = arith.constant 6 : i32
    %dma_start3A_95 = arith.constant 6 : i32
    %dma_start3A_96 = arith.constant 6 : i32
    %dma_start3A_97 = arith.constant 0 : i32
    %dma_start3A_98 = arith.constant 0 : i32
    %dma_start3A_99 = tpu.memref_slice %arg8[%dma_start3A_95, %dma_start3A_97, %dma_start3A_98] : memref<8x200x32xf32, #tpu.memory_space<vmem>> -> memref<1x200x32xf32, #tpu.memory_space<vmem>>
    %dma_start3A_100 = tpu.memref_squeeze %dma_start3A_99 : memref<1x200x32xf32, #tpu.memory_space<vmem>> -> memref<200x32xf32, #tpu.memory_space<vmem>>
    %dma_start3A_101 = arith.constant 0 : i32
    %dma_start3A_102 = tpu.memref_slice %arg6[%dma_start3A_94, %dma_start3A_101] : memref<128x200xi32, #tpu.memory_space<vmem>> -> memref<1x200xi32, #tpu.memory_space<vmem>>
    %dma_start3A_103 = tpu.memref_squeeze %dma_start3A_102 : memref<1x200xi32, #tpu.memory_space<vmem>> -> memref<200xi32, #tpu.memory_space<vmem>>
    %dma_start3A_104 = arith.constant 0 : i32
    %dma_start3A_105 = arith.constant 0 : i32
    %dma_start3A_106 = tpu.memref_slice %arg4[%dma_start3A_104, %dma_start3A_105] : memref<1000000x32xf32, #tpu.memory_space<hbm>> -> memref<1000000x32xf32, #tpu.memory_space<hbm>>
    %dma_start3A_107 = tpu.memref_slice %arg10[%dma_start3A_96] : memref<8x!tpu.dma_semaphore, #tpu.memory_space<semaphore_mem>> -> memref<1x!tpu.dma_semaphore, #tpu.memory_space<semaphore_mem>>
    %dma_start3A_108 = tpu.memref_squeeze %dma_start3A_107 : memref<1x!tpu.dma_semaphore, #tpu.memory_space<semaphore_mem>> -> memref<!tpu.dma_semaphore, #tpu.memory_space<semaphore_mem>>
    tpu.enqueue_indirect_dma source(%dma_start3A_106 : memref<1000000x32xf32, #tpu.memory_space<hbm>>) target(%dma_start3A_100 : memref<200x32xf32, #tpu.memory_space<vmem>>) offsets(%dma_start3A_103 : memref<200xi32, #tpu.memory_space<vmem>>) semaphore(%dma_start3A_108 : memref<!tpu.dma_semaphore, #tpu.memory_space<semaphore_mem>>)
    %dma_start3A_109 = arith.constant 7 : i32
    %dma_start3A_110 = arith.constant 7 : i32
    %dma_start3A_111 = arith.constant 7 : i32
    %dma_start3A_112 = arith.constant 0 : i32
    %dma_start3A_113 = arith.constant 0 : i32
    %dma_start3A_114 = tpu.memref_slice %arg8[%dma_start3A_110, %dma_start3A_112, %dma_start3A_113] : memref<8x200x32xf32, #tpu.memory_space<vmem>> -> memref<1x200x32xf32, #tpu.memory_space<vmem>>
    %dma_start3A_115 = tpu.memref_squeeze %dma_start3A_114 : memref<1x200x32xf32, #tpu.memory_space<vmem>> -> memref<200x32xf32, #tpu.memory_space<vmem>>
    %dma_start3A_116 = arith.constant 0 : i32
    %dma_start3A_117 = tpu.memref_slice %arg6[%dma_start3A_109, %dma_start3A_116] : memref<128x200xi32, #tpu.memory_space<vmem>> -> memref<1x200xi32, #tpu.memory_space<vmem>>
    %dma_start3A_118 = tpu.memref_squeeze %dma_start3A_117 : memref<1x200xi32, #tpu.memory_space<vmem>> -> memref<200xi32, #tpu.memory_space<vmem>>
    %dma_start3A_119 = arith.constant 0 : i32
    %dma_start3A_120 = arith.constant 0 : i32
    %dma_start3A_121 = tpu.memref_slice %arg4[%dma_start3A_119, %dma_start3A_120] : memref<1000000x32xf32, #tpu.memory_space<hbm>> -> memref<1000000x32xf32, #tpu.memory_space<hbm>>
    %dma_start3A_122 = tpu.memref_slice %arg10[%dma_start3A_111] : memref<8x!tpu.dma_semaphore, #tpu.memory_space<semaphore_mem>> -> memref<1x!tpu.dma_semaphore, #tpu.memory_space<semaphore_mem>>
    %dma_start3A_123 = tpu.memref_squeeze %dma_start3A_122 : memref<1x!tpu.dma_semaphore, #tpu.memory_space<semaphore_mem>> -> memref<!tpu.dma_semaphore, #tpu.memory_space<semaphore_mem>>
    tpu.enqueue_indirect_dma source(%dma_start3A_121 : memref<1000000x32xf32, #tpu.memory_space<hbm>>) target(%dma_start3A_115 : memref<200x32xf32, #tpu.memory_space<vmem>>) offsets(%dma_start3A_118 : memref<200xi32, #tpu.memory_space<vmem>>) semaphore(%dma_start3A_123 : memref<!tpu.dma_semaphore, #tpu.memory_space<semaphore_mem>>)
    %scan3A = arith.constant 0 : i32
    %scan3A_124 = arith.constant 0 : i32
    %scan3A_125 = arith.constant 16 : i32
    %scan3A_126 = arith.addi %scan3A_124, %scan3A_125 : i32
    %scan3A_127 = arith.constant 1 : i32
    %scan3A_128 = scf.for %scan3A_132 = %scan3A_124 to %scan3A_126 step %scan3A_127 iter_args(%scan3A_133 = %scan3A) -> (i32)  : i32 {
      %mul3A_134 = arith.constant 8 : i32
      %mul3A_135 = arith.muli %scan3A_132, %mul3A_134 : i32
      %add3A_136 = arith.constant 0 : i32
      %add3A_137 = arith.addi %mul3A_135, %add3A_136 : i32
      %dma_wait3A = arith.constant 0 : i32
      %dma_wait3A_138 = arith.constant 0 : i32
      %dma_wait3A_139 = arith.constant 0 : i32
      %dma_wait3A_140 = arith.constant 0 : i32
      %dma_wait3A_141 = tpu.memref_slice %arg8[%dma_wait3A, %dma_wait3A_139, %dma_wait3A_140] : memref<8x200x32xf32, #tpu.memory_space<vmem>> -> memref<1x200x32xf32, #tpu.memory_space<vmem>>
      %dma_wait3A_142 = tpu.memref_squeeze %dma_wait3A_141 : memref<1x200x32xf32, #tpu.memory_space<vmem>> -> memref<200x32xf32, #tpu.memory_space<vmem>>
      %dma_wait3A_143 = arith.constant 0 : i32
      %dma_wait3A_144 = tpu.memref_slice %arg6[%add3A_137, %dma_wait3A_143] : memref<128x200xi32, #tpu.memory_space<vmem>> -> memref<1x200xi32, #tpu.memory_space<vmem>>
      %dma_wait3A_145 = tpu.memref_squeeze %dma_wait3A_144 : memref<1x200xi32, #tpu.memory_space<vmem>> -> memref<200xi32, #tpu.memory_space<vmem>>
      %dma_wait3A_146 = arith.constant 0 : i32
      %dma_wait3A_147 = arith.constant 0 : i32
      %dma_wait3A_148 = tpu.memref_slice %arg4[%dma_wait3A_146, %dma_wait3A_147] : memref<1000000x32xf32, #tpu.memory_space<hbm>> -> memref<1000000x32xf32, #tpu.memory_space<hbm>>
      %dma_wait3A_149 = tpu.memref_slice %arg10[%dma_wait3A_138] : memref<8x!tpu.dma_semaphore, #tpu.memory_space<semaphore_mem>> -> memref<1x!tpu.dma_semaphore, #tpu.memory_space<semaphore_mem>>
      %dma_wait3A_150 = tpu.memref_squeeze %dma_wait3A_149 : memref<1x!tpu.dma_semaphore, #tpu.memory_space<semaphore_mem>> -> memref<!tpu.dma_semaphore, #tpu.memory_space<semaphore_mem>>
      tpu.wait_indirect_dma semaphore(%dma_wait3A_150 : memref<!tpu.dma_semaphore, #tpu.memory_space<semaphore_mem>>) src(%dma_wait3A_148 : memref<1000000x32xf32, #tpu.memory_space<hbm>>) dst(%dma_wait3A_142 : memref<200x32xf32, #tpu.memory_space<vmem>>)
      %add3A_151 = arith.constant 0 : i32
      %add3A_152 = arith.addi %mul3A_135, %add3A_151 : i32
      %broadcast_in_dim3A = arith.constant 0.000000e+00 : f32
      %broadcast_in_dim3A_153 = vector.broadcast %broadcast_in_dim3A : f32 to vector<16xf32>
      %scan3A_154 = arith.constant 0 : i32
      %scan3A_155 = arith.constant 25 : i32
      %scan3A_156 = arith.addi %scan3A_154, %scan3A_155 : i32
      %scan3A_157 = arith.constant 1 : i32
      %scan3A_158:2 = scf.for %scan3A_601 = %scan3A_154 to %scan3A_156 step %scan3A_157 iter_args(%scan3A_602 = %broadcast_in_dim3A_153, %scan3A_603 = %broadcast_in_dim3A_153) -> (vector<16xf32>, vector<16xf32>)  : i32 {
        %mul3A_604 = arith.constant 8 : i32
        %mul3A_605 = arith.muli %scan3A_601, %mul3A_604 : i32
        %add3A_606 = arith.constant 0 : i32
        %add3A_607 = arith.addi %mul3A_605, %add3A_606 : i32
        %get3A_608 = arith.constant 0 : i32
        %get3A_609 = arith.index_cast %get3A_608 : i32 to index
        %get3A_610 = arith.index_cast %add3A_607 : i32 to index
        %get3A_611 = arith.constant 0 : index
        %get3A_612 = tpu.vector_load %arg8[%get3A_609, %get3A_610, %get3A_611] {strides = array<i32>} : memref<8x200x32xf32, #tpu.memory_space<vmem>>, vector<1x1x16xf32>,
        %get3A_613 = vector.shape_cast %get3A_612 : vector<1x1x16xf32> to vector<16xf32>
        %add3A_614 = arith.addf %scan3A_602, %get3A_613 : vector<16xf32>
        %add3A_615 = arith.constant 0 : i32
        %add3A_616 = arith.addi %mul3A_605, %add3A_615 : i32
        %get3A_617 = arith.constant 0 : i32
        %get3A_618 = arith.index_cast %get3A_617 : i32 to index
        %get3A_619 = arith.index_cast %add3A_616 : i32 to index
        %get3A_620 = arith.constant 16 : index
        %get3A_621 = tpu.vector_load %arg8[%get3A_618, %get3A_619, %get3A_620] {strides = array<i32>} : memref<8x200x32xf32, #tpu.memory_space<vmem>>, vector<1x1x16xf32>,
        %get3A_622 = vector.shape_cast %get3A_621 : vector<1x1x16xf32> to vector<16xf32>
        %add3A_623 = arith.addf %scan3A_603, %get3A_622 : vector<16xf32>
        %add3A_624 = arith.constant 1 : i32
        %add3A_625 = arith.addi %mul3A_605, %add3A_624 : i32
        %get3A_626 = arith.constant 0 : i32
        %get3A_627 = arith.index_cast %get3A_626 : i32 to index
        %get3A_628 = arith.index_cast %add3A_625 : i32 to index
        %get3A_629 = arith.constant 0 : index
        %get3A_630 = tpu.vector_load %arg8[%get3A_627, %get3A_628, %get3A_629] {strides = array<i32>} : memref<8x200x32xf32, #tpu.memory_space<vmem>>, vector<1x1x16xf32>,
        %get3A_631 = vector.shape_cast %get3A_630 : vector<1x1x16xf32> to vector<16xf32>
        %add3A_632 = arith.addf %add3A_614, %get3A_631 : vector<16xf32>
        %add3A_633 = arith.constant 1 : i32
        %add3A_634 = arith.addi %mul3A_605, %add3A_633 : i32
        %get3A_635 = arith.constant 0 : i32
        %get3A_636 = arith.index_cast %get3A_635 : i32 to index
        %get3A_637 = arith.index_cast %add3A_634 : i32 to index
        %get3A_638 = arith.constant 16 : index
        %get3A_639 = tpu.vector_load %arg8[%get3A_636, %get3A_637, %get3A_638] {strides = array<i32>} : memref<8x200x32xf32, #tpu.memory_space<vmem>>, vector<1x1x16xf32>,
        %get3A_640 = vector.shape_cast %get3A_639 : vector<1x1x16xf32> to vector<16xf32>
        %add3A_641 = arith.addf %add3A_623, %get3A_640 : vector<16xf32>
        %add3A_642 = arith.constant 2 : i32
        %add3A_643 = arith.addi %mul3A_605, %add3A_642 : i32
        %get3A_644 = arith.constant 0 : i32
        %get3A_645 = arith.index_cast %get3A_644 : i32 to index
        %get3A_646 = arith.index_cast %add3A_643 : i32 to index
        %get3A_647 = arith.constant 0 : index
        %get3A_648 = tpu.vector_load %arg8[%get3A_645, %get3A_646, %get3A_647] {strides = array<i32>} : memref<8x200x32xf32, #tpu.memory_space<vmem>>, vector<1x1x16xf32>,
        %get3A_649 = vector.shape_cast %get3A_648 : vector<1x1x16xf32> to vector<16xf32>
        %add3A_650 = arith.addf %add3A_632, %get3A_649 : vector<16xf32>
        %add3A_651 = arith.constant 2 : i32
        %add3A_652 = arith.addi %mul3A_605, %add3A_651 : i32
        %get3A_653 = arith.constant 0 : i32
        %get3A_654 = arith.index_cast %get3A_653 : i32 to index
        %get3A_655 = arith.index_cast %add3A_652 : i32 to index
        %get3A_656 = arith.constant 16 : index
        %get3A_657 = tpu.vector_load %arg8[%get3A_654, %get3A_655, %get3A_656] {strides = array<i32>} : memref<8x200x32xf32, #tpu.memory_space<vmem>>, vector<1x1x16xf32>,
        %get3A_658 = vector.shape_cast %get3A_657 : vector<1x1x16xf32> to vector<16xf32>
        %add3A_659 = arith.addf %add3A_641, %get3A_658 : vector<16xf32>
        %add3A_660 = arith.constant 3 : i32
        %add3A_661 = arith.addi %mul3A_605, %add3A_660 : i32
        %get3A_662 = arith.constant 0 : i32
        %get3A_663 = arith.index_cast %get3A_662 : i32 to index
        %get3A_664 = arith.index_cast %add3A_661 : i32 to index
        %get3A_665 = arith.constant 0 : index
        %get3A_666 = tpu.vector_load %arg8[%get3A_663, %get3A_664, %get3A_665] {strides = array<i32>} : memref<8x200x32xf32, #tpu.memory_space<vmem>>, vector<1x1x16xf32>,
        %get3A_667 = vector.shape_cast %get3A_666 : vector<1x1x16xf32> to vector<16xf32>
        %add3A_668 = arith.addf %add3A_650, %get3A_667 : vector<16xf32>
        %add3A_669 = arith.constant 3 : i32
        %add3A_670 = arith.addi %mul3A_605, %add3A_669 : i32
        %get3A_671 = arith.constant 0 : i32
        %get3A_672 = arith.index_cast %get3A_671 : i32 to index
        %get3A_673 = arith.index_cast %add3A_670 : i32 to index
        %get3A_674 = arith.constant 16 : index
        %get3A_675 = tpu.vector_load %arg8[%get3A_672, %get3A_673, %get3A_674] {strides = array<i32>} : memref<8x200x32xf32, #tpu.memory_space<vmem>>, vector<1x1x16xf32>,
        %get3A_676 = vector.shape_cast %get3A_675 : vector<1x1x16xf32> to vector<16xf32>
        %add3A_677 = arith.addf %add3A_659, %get3A_676 : vector<16xf32>
        %add3A_678 = arith.constant 4 : i32
        %add3A_679 = arith.addi %mul3A_605, %add3A_678 : i32
        %get3A_680 = arith.constant 0 : i32
        %get3A_681 = arith.index_cast %get3A_680 : i32 to index
        %get3A_682 = arith.index_cast %add3A_679 : i32 to index
        %get3A_683 = arith.constant 0 : index
        %get3A_684 = tpu.vector_load %arg8[%get3A_681, %get3A_682, %get3A_683] {strides = array<i32>} : memref<8x200x32xf32, #tpu.memory_space<vmem>>, vector<1x1x16xf32>,
        %get3A_685 = vector.shape_cast %get3A_684 : vector<1x1x16xf32> to vector<16xf32>
        %add3A_686 = arith.addf %add3A_668, %get3A_685 : vector<16xf32>
        %add3A_687 = arith.constant 4 : i32
        %add3A_688 = arith.addi %mul3A_605, %add3A_687 : i32
        %get3A_689 = arith.constant 0 : i32
        %get3A_690 = arith.index_cast %get3A_689 : i32 to index
        %get3A_691 = arith.index_cast %add3A_688 : i32 to index
        %get3A_692 = arith.constant 16 : index
        %get3A_693 = tpu.vector_load %arg8[%get3A_690, %get3A_691, %get3A_692] {strides = array<i32>} : memref<8x200x32xf32, #tpu.memory_space<vmem>>, vector<1x1x16xf32>,
        %get3A_694 = vector.shape_cast %get3A_693 : vector<1x1x16xf32> to vector<16xf32>
        %add3A_695 = arith.addf %add3A_677, %get3A_694 : vector<16xf32>
        %add3A_696 = arith.constant 5 : i32
        %add3A_697 = arith.addi %mul3A_605, %add3A_696 : i32
        %get3A_698 = arith.constant 0 : i32
        %get3A_699 = arith.index_cast %get3A_698 : i32 to index
        %get3A_700 = arith.index_cast %add3A_697 : i32 to index
        %get3A_701 = arith.constant 0 : index
        %get3A_702 = tpu.vector_load %arg8[%get3A_699, %get3A_700, %get3A_701] {strides = array<i32>} : memref<8x200x32xf32, #tpu.memory_space<vmem>>, vector<1x1x16xf32>,
        %get3A_703 = vector.shape_cast %get3A_702 : vector<1x1x16xf32> to vector<16xf32>
        %add3A_704 = arith.addf %add3A_686, %get3A_703 : vector<16xf32>
        %add3A_705 = arith.constant 5 : i32
        %add3A_706 = arith.addi %mul3A_605, %add3A_705 : i32
        %get3A_707 = arith.constant 0 : i32
        %get3A_708 = arith.index_cast %get3A_707 : i32 to index
        %get3A_709 = arith.index_cast %add3A_706 : i32 to index
        %get3A_710 = arith.constant 16 : index
        %get3A_711 = tpu.vector_load %arg8[%get3A_708, %get3A_709, %get3A_710] {strides = array<i32>} : memref<8x200x32xf32, #tpu.memory_space<vmem>>, vector<1x1x16xf32>,
        %get3A_712 = vector.shape_cast %get3A_711 : vector<1x1x16xf32> to vector<16xf32>
        %add3A_713 = arith.addf %add3A_695, %get3A_712 : vector<16xf32>
        %add3A_714 = arith.constant 6 : i32
        %add3A_715 = arith.addi %mul3A_605, %add3A_714 : i32
        %get3A_716 = arith.constant 0 : i32
        %get3A_717 = arith.index_cast %get3A_716 : i32 to index
        %get3A_718 = arith.index_cast %add3A_715 : i32 to index
        %get3A_719 = arith.constant 0 : index
        %get3A_720 = tpu.vector_load %arg8[%get3A_717, %get3A_718, %get3A_719] {strides = array<i32>} : memref<8x200x32xf32, #tpu.memory_space<vmem>>, vector<1x1x16xf32>,
        %get3A_721 = vector.shape_cast %get3A_720 : vector<1x1x16xf32> to vector<16xf32>
        %add3A_722 = arith.addf %add3A_704, %get3A_721 : vector<16xf32>
        %add3A_723 = arith.constant 6 : i32
        %add3A_724 = arith.addi %mul3A_605, %add3A_723 : i32
        %get3A_725 = arith.constant 0 : i32
        %get3A_726 = arith.index_cast %get3A_725 : i32 to index
        %get3A_727 = arith.index_cast %add3A_724 : i32 to index
        %get3A_728 = arith.constant 16 : index
        %get3A_729 = tpu.vector_load %arg8[%get3A_726, %get3A_727, %get3A_728] {strides = array<i32>} : memref<8x200x32xf32, #tpu.memory_space<vmem>>, vector<1x1x16xf32>,
        %get3A_730 = vector.shape_cast %get3A_729 : vector<1x1x16xf32> to vector<16xf32>
        %add3A_731 = arith.addf %add3A_713, %get3A_730 : vector<16xf32>
        %add3A_732 = arith.constant 7 : i32
        %add3A_733 = arith.addi %mul3A_605, %add3A_732 : i32
        %get3A_734 = arith.constant 0 : i32
        %get3A_735 = arith.index_cast %get3A_734 : i32 to index
        %get3A_736 = arith.index_cast %add3A_733 : i32 to index
        %get3A_737 = arith.constant 0 : index
        %get3A_738 = tpu.vector_load %arg8[%get3A_735, %get3A_736, %get3A_737] {strides = array<i32>} : memref<8x200x32xf32, #tpu.memory_space<vmem>>, vector<1x1x16xf32>,
        %get3A_739 = vector.shape_cast %get3A_738 : vector<1x1x16xf32> to vector<16xf32>
        %add3A_740 = arith.addf %add3A_722, %get3A_739 : vector<16xf32>
        %add3A_741 = arith.constant 7 : i32
        %add3A_742 = arith.addi %mul3A_605, %add3A_741 : i32
        %get3A_743 = arith.constant 0 : i32
        %get3A_744 = arith.index_cast %get3A_743 : i32 to index
        %get3A_745 = arith.index_cast %add3A_742 : i32 to index
        %get3A_746 = arith.constant 16 : index
        %get3A_747 = tpu.vector_load %arg8[%get3A_744, %get3A_745, %get3A_746] {strides = array<i32>} : memref<8x200x32xf32, #tpu.memory_space<vmem>>, vector<1x1x16xf32>,
        %get3A_748 = vector.shape_cast %get3A_747 : vector<1x1x16xf32> to vector<16xf32>
        %add3A_749 = arith.addf %add3A_731, %get3A_748 : vector<16xf32>
        scf.yield %add3A_740, %add3A_749 : vector<16xf32>, vector<16xf32>
      }
      %scan3A_159 = arith.constant 25 : i32
      %mul3A_160 = arith.constant 16 : i32
      %mul3A_161 = arith.muli %add3A_152, %mul3A_160 : i32
      %get3A = arith.index_cast %mul3A_161 : i32 to index
      %get3A_162 = tpu.vector_load %arg7[%get3A] {strides = array<i32>} : memref<2048xf32, #tpu.memory_space<vmem>>, vector<16xf32>,
      %get3A_163 = vector.shape_cast %get3A_162 : vector<16xf32> to vector<16xf32>
      %div3A = arith.constant 1.000000e+00 : f32
      %div3A_164 = vector.broadcast %div3A : f32 to vector<16xf32>
      %div3A_165 = arith.divf %div3A_164, %get3A_163 : vector<16xf32>
      %mul3A_166 = arith.mulf %scan3A_158#0, %div3A_165 : vector<16xf32>
      %mul3A_167 = arith.constant 32 : i32
      %mul3A_168 = arith.muli %add3A_152, %mul3A_167 : i32
      %swap3A = arith.index_cast %mul3A_168 : i32 to index
      %swap3A_169 = tpu.vector_load %arg9[%swap3A] {strides = array<i32>} : memref<4096xf32, #tpu.memory_space<vmem>>, vector<16xf32>,
      %swap3A_170 = vector.shape_cast %swap3A_169 : vector<16xf32> to vector<16xf32>
      %swap3A_171 = vector.shape_cast %mul3A_166 : vector<16xf32> to vector<16xf32>
      tpu.vector_store %arg9[%swap3A], %swap3A_171 {strides = array<i32>} : memref<4096xf32, #tpu.memory_space<vmem>>, vector<16xf32>,
      %mul3A_172 = arith.mulf %scan3A_158#1, %div3A_165 : vector<16xf32>
      %mul3A_173 = arith.constant 32 : i32
      %mul3A_174 = arith.muli %add3A_152, %mul3A_173 : i32
      %add3A_175 = arith.constant 16 : i32
      %add3A_176 = arith.addi %mul3A_174, %add3A_175 : i32
      %swap3A_177 = arith.index_cast %add3A_176 : i32 to index
      %swap3A_178 = tpu.vector_load %arg9[%swap3A_177] {strides = array<i32>} : memref<4096xf32, #tpu.memory_space<vmem>>, vector<16xf32>,
      %swap3A_179 = vector.shape_cast %swap3A_178 : vector<16xf32> to vector<16xf32>
      %swap3A_180 = vector.shape_cast %mul3A_172 : vector<16xf32> to vector<16xf32>
      tpu.vector_store %arg9[%swap3A_177], %swap3A_180 {strides = array<i32>} : memref<4096xf32, #tpu.memory_space<vmem>>, vector<16xf32>,
      %add3A_181 = arith.constant 0 : i32
      %add3A_182 = arith.addi %mul3A_135, %add3A_181 : i32
      %add3A_183 = arith.constant 8 : i32
      %add3A_184 = arith.addi %add3A_182, %add3A_183 : i32
      %lt3A = arith.constant 128 : i32
      %lt3A_185 = arith.cmpi slt, %add3A_184, %lt3A : i32
      %convert_element_type3A = arith.extui %lt3A_185 : i1 to i32
      %cond3A = arith.constant 0 : i32
      %cond3A_186 = arith.cmpi ne, %convert_element_type3A, %cond3A : i32
      scf.if %cond3A_186 {
        %add3A_601 = arith.constant 0 : i32
        %add3A_602 = arith.addi %mul3A_135, %add3A_601 : i32
        %add3A_603 = arith.constant 8 : i32
        %add3A_604 = arith.addi %add3A_602, %add3A_603 : i32
        %dma_start3A_605 = arith.constant 0 : i32
        %dma_start3A_606 = arith.constant 0 : i32
        %dma_start3A_607 = arith.constant 0 : i32
        %dma_start3A_608 = arith.constant 0 : i32
        %dma_start3A_609 = tpu.memref_slice %arg8[%dma_start3A_605, %dma_start3A_607, %dma_start3A_608] : memref<8x200x32xf32, #tpu.memory_space<vmem>> -> memref<1x200x32xf32, #tpu.memory_space<vmem>>
        %dma_start3A_610 = tpu.memref_squeeze %dma_start3A_609 : memref<1x200x32xf32, #tpu.memory_space<vmem>> -> memref<200x32xf32, #tpu.memory_space<vmem>>
        %dma_start3A_611 = arith.constant 0 : i32
        %dma_start3A_612 = tpu.memref_slice %arg6[%add3A_604, %dma_start3A_611] : memref<128x200xi32, #tpu.memory_space<vmem>> -> memref<1x200xi32, #tpu.memory_space<vmem>>
        %dma_start3A_613 = tpu.memref_squeeze %dma_start3A_612 : memref<1x200xi32, #tpu.memory_space<vmem>> -> memref<200xi32, #tpu.memory_space<vmem>>
        %dma_start3A_614 = arith.constant 0 : i32
        %dma_start3A_615 = arith.constant 0 : i32
        %dma_start3A_616 = tpu.memref_slice %arg4[%dma_start3A_614, %dma_start3A_615] : memref<1000000x32xf32, #tpu.memory_space<hbm>> -> memref<1000000x32xf32, #tpu.memory_space<hbm>>
        %dma_start3A_617 = tpu.memref_slice %arg10[%dma_start3A_606] : memref<8x!tpu.dma_semaphore, #tpu.memory_space<semaphore_mem>> -> memref<1x!tpu.dma_semaphore, #tpu.memory_space<semaphore_mem>>
        %dma_start3A_618 = tpu.memref_squeeze %dma_start3A_617 : memref<1x!tpu.dma_semaphore, #tpu.memory_space<semaphore_mem>> -> memref<!tpu.dma_semaphore, #tpu.memory_space<semaphore_mem>>
        tpu.enqueue_indirect_dma source(%dma_start3A_616 : memref<1000000x32xf32, #tpu.memory_space<hbm>>) target(%dma_start3A_610 : memref<200x32xf32, #tpu.memory_space<vmem>>) offsets(%dma_start3A_613 : memref<200xi32, #tpu.memory_space<vmem>>) semaphore(%dma_start3A_618 : memref<!tpu.dma_semaphore, #tpu.memory_space<semaphore_mem>>)
      } else {
      }
      %add3A_187 = arith.constant 1 : i32
      %add3A_188 = arith.addi %mul3A_135, %add3A_187 : i32
      %dma_wait3A_189 = arith.constant 1 : i32
      %dma_wait3A_190 = arith.constant 1 : i32
      %dma_wait3A_191 = arith.constant 0 : i32
      %dma_wait3A_192 = arith.constant 0 : i32
      %dma_wait3A_193 = tpu.memref_slice %arg8[%dma_wait3A_189, %dma_wait3A_191, %dma_wait3A_192] : memref<8x200x32xf32, #tpu.memory_space<vmem>> -> memref<1x200x32xf32, #tpu.memory_space<vmem>>
      %dma_wait3A_194 = tpu.memref_squeeze %dma_wait3A_193 : memref<1x200x32xf32, #tpu.memory_space<vmem>> -> memref<200x32xf32, #tpu.memory_space<vmem>>
      %dma_wait3A_195 = arith.constant 0 : i32
      %dma_wait3A_196 = tpu.memref_slice %arg6[%add3A_188, %dma_wait3A_195] : memref<128x200xi32, #tpu.memory_space<vmem>> -> memref<1x200xi32, #tpu.memory_space<vmem>>
      %dma_wait3A_197 = tpu.memref_squeeze %dma_wait3A_196 : memref<1x200xi32, #tpu.memory_space<vmem>> -> memref<200xi32, #tpu.memory_space<vmem>>
      %dma_wait3A_198 = arith.constant 0 : i32
      %dma_wait3A_199 = arith.constant 0 : i32
      %dma_wait3A_200 = tpu.memref_slice %arg4[%dma_wait3A_198, %dma_wait3A_199] : memref<1000000x32xf32, #tpu.memory_space<hbm>> -> memref<1000000x32xf32, #tpu.memory_space<hbm>>
      %dma_wait3A_201 = tpu.memref_slice %arg10[%dma_wait3A_190] : memref<8x!tpu.dma_semaphore, #tpu.memory_space<semaphore_mem>> -> memref<1x!tpu.dma_semaphore, #tpu.memory_space<semaphore_mem>>
      %dma_wait3A_202 = tpu.memref_squeeze %dma_wait3A_201 : memref<1x!tpu.dma_semaphore, #tpu.memory_space<semaphore_mem>> -> memref<!tpu.dma_semaphore, #tpu.memory_space<semaphore_mem>>
      tpu.wait_indirect_dma semaphore(%dma_wait3A_202 : memref<!tpu.dma_semaphore, #tpu.memory_space<semaphore_mem>>) src(%dma_wait3A_200 : memref<1000000x32xf32, #tpu.memory_space<hbm>>) dst(%dma_wait3A_194 : memref<200x32xf32, #tpu.memory_space<vmem>>)
      %add3A_203 = arith.constant 1 : i32
      %add3A_204 = arith.addi %mul3A_135, %add3A_203 : i32
      %broadcast_in_dim3A_205 = arith.constant 0.000000e+00 : f32
      %broadcast_in_dim3A_206 = vector.broadcast %broadcast_in_dim3A_205 : f32 to vector<16xf32>
      %scan3A_207 = arith.constant 0 : i32
      %scan3A_208 = arith.constant 25 : i32
      %scan3A_209 = arith.addi %scan3A_207, %scan3A_208 : i32
      %scan3A_210 = arith.constant 1 : i32
      %scan3A_211:2 = scf.for %scan3A_601 = %scan3A_207 to %scan3A_209 step %scan3A_210 iter_args(%scan3A_602 = %broadcast_in_dim3A_206, %scan3A_603 = %broadcast_in_dim3A_206) -> (vector<16xf32>, vector<16xf32>)  : i32 {
        %mul3A_604 = arith.constant 8 : i32
        %mul3A_605 = arith.muli %scan3A_601, %mul3A_604 : i32
        %add3A_606 = arith.constant 0 : i32
        %add3A_607 = arith.addi %mul3A_605, %add3A_606 : i32
        %get3A_608 = arith.constant 1 : i32
        %get3A_609 = arith.index_cast %get3A_608 : i32 to index
        %get3A_610 = arith.index_cast %add3A_607 : i32 to index
        %get3A_611 = arith.constant 0 : index
        %get3A_612 = tpu.vector_load %arg8[%get3A_609, %get3A_610, %get3A_611] {strides = array<i32>} : memref<8x200x32xf32, #tpu.memory_space<vmem>>, vector<1x1x16xf32>,
        %get3A_613 = vector.shape_cast %get3A_612 : vector<1x1x16xf32> to vector<16xf32>
        %add3A_614 = arith.addf %scan3A_602, %get3A_613 : vector<16xf32>
        %add3A_615 = arith.constant 0 : i32
        %add3A_616 = arith.addi %mul3A_605, %add3A_615 : i32
        %get3A_617 = arith.constant 1 : i32
        %get3A_618 = arith.index_cast %get3A_617 : i32 to index
        %get3A_619 = arith.index_cast %add3A_616 : i32 to index
        %get3A_620 = arith.constant 16 : index
        %get3A_621 = tpu.vector_load %arg8[%get3A_618, %get3A_619, %get3A_620] {strides = array<i32>} : memref<8x200x32xf32, #tpu.memory_space<vmem>>, vector<1x1x16xf32>,
        %get3A_622 = vector.shape_cast %get3A_621 : vector<1x1x16xf32> to vector<16xf32>
        %add3A_623 = arith.addf %scan3A_603, %get3A_622 : vector<16xf32>
        %add3A_624 = arith.constant 1 : i32
        %add3A_625 = arith.addi %mul3A_605, %add3A_624 : i32
        %get3A_626 = arith.constant 1 : i32
        %get3A_627 = arith.index_cast %get3A_626 : i32 to index
        %get3A_628 = arith.index_cast %add3A_625 : i32 to index
        %get3A_629 = arith.constant 0 : index
        %get3A_630 = tpu.vector_load %arg8[%get3A_627, %get3A_628, %get3A_629] {strides = array<i32>} : memref<8x200x32xf32, #tpu.memory_space<vmem>>, vector<1x1x16xf32>,
        %get3A_631 = vector.shape_cast %get3A_630 : vector<1x1x16xf32> to vector<16xf32>
        %add3A_632 = arith.addf %add3A_614, %get3A_631 : vector<16xf32>
        %add3A_633 = arith.constant 1 : i32
        %add3A_634 = arith.addi %mul3A_605, %add3A_633 : i32
        %get3A_635 = arith.constant 1 : i32
        %get3A_636 = arith.index_cast %get3A_635 : i32 to index
        %get3A_637 = arith.index_cast %add3A_634 : i32 to index
        %get3A_638 = arith.constant 16 : index
        %get3A_639 = tpu.vector_load %arg8[%get3A_636, %get3A_637, %get3A_638] {strides = array<i32>} : memref<8x200x32xf32, #tpu.memory_space<vmem>>, vector<1x1x16xf32>,
        %get3A_640 = vector.shape_cast %get3A_639 : vector<1x1x16xf32> to vector<16xf32>
        %add3A_641 = arith.addf %add3A_623, %get3A_640 : vector<16xf32>
        %add3A_642 = arith.constant 2 : i32
        %add3A_643 = arith.addi %mul3A_605, %add3A_642 : i32
        %get3A_644 = arith.constant 1 : i32
        %get3A_645 = arith.index_cast %get3A_644 : i32 to index
        %get3A_646 = arith.index_cast %add3A_643 : i32 to index
        %get3A_647 = arith.constant 0 : index
        %get3A_648 = tpu.vector_load %arg8[%get3A_645, %get3A_646, %get3A_647] {strides = array<i32>} : memref<8x200x32xf32, #tpu.memory_space<vmem>>, vector<1x1x16xf32>,
        %get3A_649 = vector.shape_cast %get3A_648 : vector<1x1x16xf32> to vector<16xf32>
        %add3A_650 = arith.addf %add3A_632, %get3A_649 : vector<16xf32>
        %add3A_651 = arith.constant 2 : i32
        %add3A_652 = arith.addi %mul3A_605, %add3A_651 : i32
        %get3A_653 = arith.constant 1 : i32
        %get3A_654 = arith.index_cast %get3A_653 : i32 to index
        %get3A_655 = arith.index_cast %add3A_652 : i32 to index
        %get3A_656 = arith.constant 16 : index
        %get3A_657 = tpu.vector_load %arg8[%get3A_654, %get3A_655, %get3A_656] {strides = array<i32>} : memref<8x200x32xf32, #tpu.memory_space<vmem>>, vector<1x1x16xf32>,
        %get3A_658 = vector.shape_cast %get3A_657 : vector<1x1x16xf32> to vector<16xf32>
        %add3A_659 = arith.addf %add3A_641, %get3A_658 : vector<16xf32>
        %add3A_660 = arith.constant 3 : i32
        %add3A_661 = arith.addi %mul3A_605, %add3A_660 : i32
        %get3A_662 = arith.constant 1 : i32
        %get3A_663 = arith.index_cast %get3A_662 : i32 to index
        %get3A_664 = arith.index_cast %add3A_661 : i32 to index
        %get3A_665 = arith.constant 0 : index
        %get3A_666 = tpu.vector_load %arg8[%get3A_663, %get3A_664, %get3A_665] {strides = array<i32>} : memref<8x200x32xf32, #tpu.memory_space<vmem>>, vector<1x1x16xf32>,
        %get3A_667 = vector.shape_cast %get3A_666 : vector<1x1x16xf32> to vector<16xf32>
        %add3A_668 = arith.addf %add3A_650, %get3A_667 : vector<16xf32>
        %add3A_669 = arith.constant 3 : i32
        %add3A_670 = arith.addi %mul3A_605, %add3A_669 : i32
        %get3A_671 = arith.constant 1 : i32
        %get3A_672 = arith.index_cast %get3A_671 : i32 to index
        %get3A_673 = arith.index_cast %add3A_670 : i32 to index
        %get3A_674 = arith.constant 16 : index
        %get3A_675 = tpu.vector_load %arg8[%get3A_672, %get3A_673, %get3A_674] {strides = array<i32>} : memref<8x200x32xf32, #tpu.memory_space<vmem>>, vector<1x1x16xf32>,
        %get3A_676 = vector.shape_cast %get3A_675 : vector<1x1x16xf32> to vector<16xf32>
        %add3A_677 = arith.addf %add3A_659, %get3A_676 : vector<16xf32>
        %add3A_678 = arith.constant 4 : i32
        %add3A_679 = arith.addi %mul3A_605, %add3A_678 : i32
        %get3A_680 = arith.constant 1 : i32
        %get3A_681 = arith.index_cast %get3A_680 : i32 to index
        %get3A_682 = arith.index_cast %add3A_679 : i32 to index
        %get3A_683 = arith.constant 0 : index
        %get3A_684 = tpu.vector_load %arg8[%get3A_681, %get3A_682, %get3A_683] {strides = array<i32>} : memref<8x200x32xf32, #tpu.memory_space<vmem>>, vector<1x1x16xf32>,
        %get3A_685 = vector.shape_cast %get3A_684 : vector<1x1x16xf32> to vector<16xf32>
        %add3A_686 = arith.addf %add3A_668, %get3A_685 : vector<16xf32>
        %add3A_687 = arith.constant 4 : i32
        %add3A_688 = arith.addi %mul3A_605, %add3A_687 : i32
        %get3A_689 = arith.constant 1 : i32
        %get3A_690 = arith.index_cast %get3A_689 : i32 to index
        %get3A_691 = arith.index_cast %add3A_688 : i32 to index
        %get3A_692 = arith.constant 16 : index
        %get3A_693 = tpu.vector_load %arg8[%get3A_690, %get3A_691, %get3A_692] {strides = array<i32>} : memref<8x200x32xf32, #tpu.memory_space<vmem>>, vector<1x1x16xf32>,
        %get3A_694 = vector.shape_cast %get3A_693 : vector<1x1x16xf32> to vector<16xf32>
        %add3A_695 = arith.addf %add3A_677, %get3A_694 : vector<16xf32>
        %add3A_696 = arith.constant 5 : i32
        %add3A_697 = arith.addi %mul3A_605, %add3A_696 : i32
        %get3A_698 = arith.constant 1 : i32
        %get3A_699 = arith.index_cast %get3A_698 : i32 to index
        %get3A_700 = arith.index_cast %add3A_697 : i32 to index
        %get3A_701 = arith.constant 0 : index
        %get3A_702 = tpu.vector_load %arg8[%get3A_699, %get3A_700, %get3A_701] {strides = array<i32>} : memref<8x200x32xf32, #tpu.memory_space<vmem>>, vector<1x1x16xf32>,
        %get3A_703 = vector.shape_cast %get3A_702 : vector<1x1x16xf32> to vector<16xf32>
        %add3A_704 = arith.addf %add3A_686, %get3A_703 : vector<16xf32>
        %add3A_705 = arith.constant 5 : i32
        %add3A_706 = arith.addi %mul3A_605, %add3A_705 : i32
        %get3A_707 = arith.constant 1 : i32
        %get3A_708 = arith.index_cast %get3A_707 : i32 to index
        %get3A_709 = arith.index_cast %add3A_706 : i32 to index
        %get3A_710 = arith.constant 16 : index
        %get3A_711 = tpu.vector_load %arg8[%get3A_708, %get3A_709, %get3A_710] {strides = array<i32>} : memref<8x200x32xf32, #tpu.memory_space<vmem>>, vector<1x1x16xf32>,
        %get3A_712 = vector.shape_cast %get3A_711 : vector<1x1x16xf32> to vector<16xf32>
        %add3A_713 = arith.addf %add3A_695, %get3A_712 : vector<16xf32>
        %add3A_714 = arith.constant 6 : i32
        %add3A_715 = arith.addi %mul3A_605, %add3A_714 : i32
        %get3A_716 = arith.constant 1 : i32
        %get3A_717 = arith.index_cast %get3A_716 : i32 to index
        %get3A_718 = arith.index_cast %add3A_715 : i32 to index
        %get3A_719 = arith.constant 0 : index
        %get3A_720 = tpu.vector_load %arg8[%get3A_717, %get3A_718, %get3A_719] {strides = array<i32>} : memref<8x200x32xf32, #tpu.memory_space<vmem>>, vector<1x1x16xf32>,
        %get3A_721 = vector.shape_cast %get3A_720 : vector<1x1x16xf32> to vector<16xf32>
        %add3A_722 = arith.addf %add3A_704, %get3A_721 : vector<16xf32>
        %add3A_723 = arith.constant 6 : i32
        %add3A_724 = arith.addi %mul3A_605, %add3A_723 : i32
        %get3A_725 = arith.constant 1 : i32
        %get3A_726 = arith.index_cast %get3A_725 : i32 to index
        %get3A_727 = arith.index_cast %add3A_724 : i32 to index
        %get3A_728 = arith.constant 16 : index
        %get3A_729 = tpu.vector_load %arg8[%get3A_726, %get3A_727, %get3A_728] {strides = array<i32>} : memref<8x200x32xf32, #tpu.memory_space<vmem>>, vector<1x1x16xf32>,
        %get3A_730 = vector.shape_cast %get3A_729 : vector<1x1x16xf32> to vector<16xf32>
        %add3A_731 = arith.addf %add3A_713, %get3A_730 : vector<16xf32>
        %add3A_732 = arith.constant 7 : i32
        %add3A_733 = arith.addi %mul3A_605, %add3A_732 : i32
        %get3A_734 = arith.constant 1 : i32
        %get3A_735 = arith.index_cast %get3A_734 : i32 to index
        %get3A_736 = arith.index_cast %add3A_733 : i32 to index
        %get3A_737 = arith.constant 0 : index
        %get3A_738 = tpu.vector_load %arg8[%get3A_735, %get3A_736, %get3A_737] {strides = array<i32>} : memref<8x200x32xf32, #tpu.memory_space<vmem>>, vector<1x1x16xf32>,
        %get3A_739 = vector.shape_cast %get3A_738 : vector<1x1x16xf32> to vector<16xf32>
        %add3A_740 = arith.addf %add3A_722, %get3A_739 : vector<16xf32>
        %add3A_741 = arith.constant 7 : i32
        %add3A_742 = arith.addi %mul3A_605, %add3A_741 : i32
        %get3A_743 = arith.constant 1 : i32
        %get3A_744 = arith.index_cast %get3A_743 : i32 to index
        %get3A_745 = arith.index_cast %add3A_742 : i32 to index
        %get3A_746 = arith.constant 16 : index
        %get3A_747 = tpu.vector_load %arg8[%get3A_744, %get3A_745, %get3A_746] {strides = array<i32>} : memref<8x200x32xf32, #tpu.memory_space<vmem>>, vector<1x1x16xf32>,
        %get3A_748 = vector.shape_cast %get3A_747 : vector<1x1x16xf32> to vector<16xf32>
        %add3A_749 = arith.addf %add3A_731, %get3A_748 : vector<16xf32>
        scf.yield %add3A_740, %add3A_749 : vector<16xf32>, vector<16xf32>
      }
      %scan3A_212 = arith.constant 25 : i32
      %mul3A_213 = arith.constant 16 : i32
      %mul3A_214 = arith.muli %add3A_204, %mul3A_213 : i32
      %get3A_215 = arith.index_cast %mul3A_214 : i32 to index
      %get3A_216 = tpu.vector_load %arg7[%get3A_215] {strides = array<i32>} : memref<2048xf32, #tpu.memory_space<vmem>>, vector<16xf32>,
      %get3A_217 = vector.shape_cast %get3A_216 : vector<16xf32> to vector<16xf32>
      %div3A_218 = arith.constant 1.000000e+00 : f32
      %div3A_219 = vector.broadcast %div3A_218 : f32 to vector<16xf32>
      %div3A_220 = arith.divf %div3A_219, %get3A_217 : vector<16xf32>
      %mul3A_221 = arith.mulf %scan3A_211#0, %div3A_220 : vector<16xf32>
      %mul3A_222 = arith.constant 32 : i32
      %mul3A_223 = arith.muli %add3A_204, %mul3A_222 : i32
      %swap3A_224 = arith.index_cast %mul3A_223 : i32 to index
      %swap3A_225 = tpu.vector_load %arg9[%swap3A_224] {strides = array<i32>} : memref<4096xf32, #tpu.memory_space<vmem>>, vector<16xf32>,
      %swap3A_226 = vector.shape_cast %swap3A_225 : vector<16xf32> to vector<16xf32>
      %swap3A_227 = vector.shape_cast %mul3A_221 : vector<16xf32> to vector<16xf32>
      tpu.vector_store %arg9[%swap3A_224], %swap3A_227 {strides = array<i32>} : memref<4096xf32, #tpu.memory_space<vmem>>, vector<16xf32>,
      %mul3A_228 = arith.mulf %scan3A_211#1, %div3A_220 : vector<16xf32>
      %mul3A_229 = arith.constant 32 : i32
      %mul3A_230 = arith.muli %add3A_204, %mul3A_229 : i32
      %add3A_231 = arith.constant 16 : i32
      %add3A_232 = arith.addi %mul3A_230, %add3A_231 : i32
      %swap3A_233 = arith.index_cast %add3A_232 : i32 to index
      %swap3A_234 = tpu.vector_load %arg9[%swap3A_233] {strides = array<i32>} : memref<4096xf32, #tpu.memory_space<vmem>>, vector<16xf32>,
      %swap3A_235 = vector.shape_cast %swap3A_234 : vector<16xf32> to vector<16xf32>
      %swap3A_236 = vector.shape_cast %mul3A_228 : vector<16xf32> to vector<16xf32>
      tpu.vector_store %arg9[%swap3A_233], %swap3A_236 {strides = array<i32>} : memref<4096xf32, #tpu.memory_space<vmem>>, vector<16xf32>,
      %add3A_237 = arith.constant 1 : i32
      %add3A_238 = arith.addi %mul3A_135, %add3A_237 : i32
      %add3A_239 = arith.constant 8 : i32
      %add3A_240 = arith.addi %add3A_238, %add3A_239 : i32
      %lt3A_241 = arith.constant 128 : i32
      %lt3A_242 = arith.cmpi slt, %add3A_240, %lt3A_241 : i32
      %convert_element_type3A_243 = arith.extui %lt3A_242 : i1 to i32
      %cond3A_244 = arith.constant 0 : i32
      %cond3A_245 = arith.cmpi ne, %convert_element_type3A_243, %cond3A_244 : i32
      scf.if %cond3A_245 {
        %add3A_601 = arith.constant 1 : i32
        %add3A_602 = arith.addi %mul3A_135, %add3A_601 : i32
        %add3A_603 = arith.constant 8 : i32
        %add3A_604 = arith.addi %add3A_602, %add3A_603 : i32
        %dma_start3A_605 = arith.constant 1 : i32
        %dma_start3A_606 = arith.constant 1 : i32
        %dma_start3A_607 = arith.constant 0 : i32
        %dma_start3A_608 = arith.constant 0 : i32
        %dma_start3A_609 = tpu.memref_slice %arg8[%dma_start3A_605, %dma_start3A_607, %dma_start3A_608] : memref<8x200x32xf32, #tpu.memory_space<vmem>> -> memref<1x200x32xf32, #tpu.memory_space<vmem>>
        %dma_start3A_610 = tpu.memref_squeeze %dma_start3A_609 : memref<1x200x32xf32, #tpu.memory_space<vmem>> -> memref<200x32xf32, #tpu.memory_space<vmem>>
        %dma_start3A_611 = arith.constant 0 : i32
        %dma_start3A_612 = tpu.memref_slice %arg6[%add3A_604, %dma_start3A_611] : memref<128x200xi32, #tpu.memory_space<vmem>> -> memref<1x200xi32, #tpu.memory_space<vmem>>
        %dma_start3A_613 = tpu.memref_squeeze %dma_start3A_612 : memref<1x200xi32, #tpu.memory_space<vmem>> -> memref<200xi32, #tpu.memory_space<vmem>>
        %dma_start3A_614 = arith.constant 0 : i32
        %dma_start3A_615 = arith.constant 0 : i32
        %dma_start3A_616 = tpu.memref_slice %arg4[%dma_start3A_614, %dma_start3A_615] : memref<1000000x32xf32, #tpu.memory_space<hbm>> -> memref<1000000x32xf32, #tpu.memory_space<hbm>>
        %dma_start3A_617 = tpu.memref_slice %arg10[%dma_start3A_606] : memref<8x!tpu.dma_semaphore, #tpu.memory_space<semaphore_mem>> -> memref<1x!tpu.dma_semaphore, #tpu.memory_space<semaphore_mem>>
        %dma_start3A_618 = tpu.memref_squeeze %dma_start3A_617 : memref<1x!tpu.dma_semaphore, #tpu.memory_space<semaphore_mem>> -> memref<!tpu.dma_semaphore, #tpu.memory_space<semaphore_mem>>
        tpu.enqueue_indirect_dma source(%dma_start3A_616 : memref<1000000x32xf32, #tpu.memory_space<hbm>>) target(%dma_start3A_610 : memref<200x32xf32, #tpu.memory_space<vmem>>) offsets(%dma_start3A_613 : memref<200xi32, #tpu.memory_space<vmem>>) semaphore(%dma_start3A_618 : memref<!tpu.dma_semaphore, #tpu.memory_space<semaphore_mem>>)
      } else {
      }
      %add3A_246 = arith.constant 2 : i32
      %add3A_247 = arith.addi %mul3A_135, %add3A_246 : i32
      %dma_wait3A_248 = arith.constant 2 : i32
      %dma_wait3A_249 = arith.constant 2 : i32
      %dma_wait3A_250 = arith.constant 0 : i32
      %dma_wait3A_251 = arith.constant 0 : i32
      %dma_wait3A_252 = tpu.memref_slice %arg8[%dma_wait3A_248, %dma_wait3A_250, %dma_wait3A_251] : memref<8x200x32xf32, #tpu.memory_space<vmem>> -> memref<1x200x32xf32, #tpu.memory_space<vmem>>
      %dma_wait3A_253 = tpu.memref_squeeze %dma_wait3A_252 : memref<1x200x32xf32, #tpu.memory_space<vmem>> -> memref<200x32xf32, #tpu.memory_space<vmem>>
      %dma_wait3A_254 = arith.constant 0 : i32
      %dma_wait3A_255 = tpu.memref_slice %arg6[%add3A_247, %dma_wait3A_254] : memref<128x200xi32, #tpu.memory_space<vmem>> -> memref<1x200xi32, #tpu.memory_space<vmem>>
      %dma_wait3A_256 = tpu.memref_squeeze %dma_wait3A_255 : memref<1x200xi32, #tpu.memory_space<vmem>> -> memref<200xi32, #tpu.memory_space<vmem>>
      %dma_wait3A_257 = arith.constant 0 : i32
      %dma_wait3A_258 = arith.constant 0 : i32
      %dma_wait3A_259 = tpu.memref_slice %arg4[%dma_wait3A_257, %dma_wait3A_258] : memref<1000000x32xf32, #tpu.memory_space<hbm>> -> memref<1000000x32xf32, #tpu.memory_space<hbm>>
      %dma_wait3A_260 = tpu.memref_slice %arg10[%dma_wait3A_249] : memref<8x!tpu.dma_semaphore, #tpu.memory_space<semaphore_mem>> -> memref<1x!tpu.dma_semaphore, #tpu.memory_space<semaphore_mem>>
      %dma_wait3A_261 = tpu.memref_squeeze %dma_wait3A_260 : memref<1x!tpu.dma_semaphore, #tpu.memory_space<semaphore_mem>> -> memref<!tpu.dma_semaphore, #tpu.memory_space<semaphore_mem>>
      tpu.wait_indirect_dma semaphore(%dma_wait3A_261 : memref<!tpu.dma_semaphore, #tpu.memory_space<semaphore_mem>>) src(%dma_wait3A_259 : memref<1000000x32xf32, #tpu.memory_space<hbm>>) dst(%dma_wait3A_253 : memref<200x32xf32, #tpu.memory_space<vmem>>)
      %add3A_262 = arith.constant 2 : i32
      %add3A_263 = arith.addi %mul3A_135, %add3A_262 : i32
      %broadcast_in_dim3A_264 = arith.constant 0.000000e+00 : f32
      %broadcast_in_dim3A_265 = vector.broadcast %broadcast_in_dim3A_264 : f32 to vector<16xf32>
      %scan3A_266 = arith.constant 0 : i32
      %scan3A_267 = arith.constant 25 : i32
      %scan3A_268 = arith.addi %scan3A_266, %scan3A_267 : i32
      %scan3A_269 = arith.constant 1 : i32
      %scan3A_270:2 = scf.for %scan3A_601 = %scan3A_266 to %scan3A_268 step %scan3A_269 iter_args(%scan3A_602 = %broadcast_in_dim3A_265, %scan3A_603 = %broadcast_in_dim3A_265) -> (vector<16xf32>, vector<16xf32>)  : i32 {
        %mul3A_604 = arith.constant 8 : i32
        %mul3A_605 = arith.muli %scan3A_601, %mul3A_604 : i32
        %add3A_606 = arith.constant 0 : i32
        %add3A_607 = arith.addi %mul3A_605, %add3A_606 : i32
        %get3A_608 = arith.constant 2 : i32
        %get3A_609 = arith.index_cast %get3A_608 : i32 to index
        %get3A_610 = arith.index_cast %add3A_607 : i32 to index
        %get3A_611 = arith.constant 0 : index
        %get3A_612 = tpu.vector_load %arg8[%get3A_609, %get3A_610, %get3A_611] {strides = array<i32>} : memref<8x200x32xf32, #tpu.memory_space<vmem>>, vector<1x1x16xf32>,
        %get3A_613 = vector.shape_cast %get3A_612 : vector<1x1x16xf32> to vector<16xf32>
        %add3A_614 = arith.addf %scan3A_602, %get3A_613 : vector<16xf32>
        %add3A_615 = arith.constant 0 : i32
        %add3A_616 = arith.addi %mul3A_605, %add3A_615 : i32
        %get3A_617 = arith.constant 2 : i32
        %get3A_618 = arith.index_cast %get3A_617 : i32 to index
        %get3A_619 = arith.index_cast %add3A_616 : i32 to index
        %get3A_620 = arith.constant 16 : index
        %get3A_621 = tpu.vector_load %arg8[%get3A_618, %get3A_619, %get3A_620] {strides = array<i32>} : memref<8x200x32xf32, #tpu.memory_space<vmem>>, vector<1x1x16xf32>,
        %get3A_622 = vector.shape_cast %get3A_621 : vector<1x1x16xf32> to vector<16xf32>
        %add3A_623 = arith.addf %scan3A_603, %get3A_622 : vector<16xf32>
        %add3A_624 = arith.constant 1 : i32
        %add3A_625 = arith.addi %mul3A_605, %add3A_624 : i32
        %get3A_626 = arith.constant 2 : i32
        %get3A_627 = arith.index_cast %get3A_626 : i32 to index
        %get3A_628 = arith.index_cast %add3A_625 : i32 to index
        %get3A_629 = arith.constant 0 : index
        %get3A_630 = tpu.vector_load %arg8[%get3A_627, %get3A_628, %get3A_629] {strides = array<i32>} : memref<8x200x32xf32, #tpu.memory_space<vmem>>, vector<1x1x16xf32>,
        %get3A_631 = vector.shape_cast %get3A_630 : vector<1x1x16xf32> to vector<16xf32>
        %add3A_632 = arith.addf %add3A_614, %get3A_631 : vector<16xf32>
        %add3A_633 = arith.constant 1 : i32
        %add3A_634 = arith.addi %mul3A_605, %add3A_633 : i32
        %get3A_635 = arith.constant 2 : i32
        %get3A_636 = arith.index_cast %get3A_635 : i32 to index
        %get3A_637 = arith.index_cast %add3A_634 : i32 to index
        %get3A_638 = arith.constant 16 : index
        %get3A_639 = tpu.vector_load %arg8[%get3A_636, %get3A_637, %get3A_638] {strides = array<i32>} : memref<8x200x32xf32, #tpu.memory_space<vmem>>, vector<1x1x16xf32>,
        %get3A_640 = vector.shape_cast %get3A_639 : vector<1x1x16xf32> to vector<16xf32>
        %add3A_641 = arith.addf %add3A_623, %get3A_640 : vector<16xf32>
        %add3A_642 = arith.constant 2 : i32
        %add3A_643 = arith.addi %mul3A_605, %add3A_642 : i32
        %get3A_644 = arith.constant 2 : i32
        %get3A_645 = arith.index_cast %get3A_644 : i32 to index
        %get3A_646 = arith.index_cast %add3A_643 : i32 to index
        %get3A_647 = arith.constant 0 : index
        %get3A_648 = tpu.vector_load %arg8[%get3A_645, %get3A_646, %get3A_647] {strides = array<i32>} : memref<8x200x32xf32, #tpu.memory_space<vmem>>, vector<1x1x16xf32>,
        %get3A_649 = vector.shape_cast %get3A_648 : vector<1x1x16xf32> to vector<16xf32>
        %add3A_650 = arith.addf %add3A_632, %get3A_649 : vector<16xf32>
        %add3A_651 = arith.constant 2 : i32
        %add3A_652 = arith.addi %mul3A_605, %add3A_651 : i32
        %get3A_653 = arith.constant 2 : i32
        %get3A_654 = arith.index_cast %get3A_653 : i32 to index
        %get3A_655 = arith.index_cast %add3A_652 : i32 to index
        %get3A_656 = arith.constant 16 : index
        %get3A_657 = tpu.vector_load %arg8[%get3A_654, %get3A_655, %get3A_656] {strides = array<i32>} : memref<8x200x32xf32, #tpu.memory_space<vmem>>, vector<1x1x16xf32>,
        %get3A_658 = vector.shape_cast %get3A_657 : vector<1x1x16xf32> to vector<16xf32>
        %add3A_659 = arith.addf %add3A_641, %get3A_658 : vector<16xf32>
        %add3A_660 = arith.constant 3 : i32
        %add3A_661 = arith.addi %mul3A_605, %add3A_660 : i32
        %get3A_662 = arith.constant 2 : i32
        %get3A_663 = arith.index_cast %get3A_662 : i32 to index
        %get3A_664 = arith.index_cast %add3A_661 : i32 to index
        %get3A_665 = arith.constant 0 : index
        %get3A_666 = tpu.vector_load %arg8[%get3A_663, %get3A_664, %get3A_665] {strides = array<i32>} : memref<8x200x32xf32, #tpu.memory_space<vmem>>, vector<1x1x16xf32>,
        %get3A_667 = vector.shape_cast %get3A_666 : vector<1x1x16xf32> to vector<16xf32>
        %add3A_668 = arith.addf %add3A_650, %get3A_667 : vector<16xf32>
        %add3A_669 = arith.constant 3 : i32
        %add3A_670 = arith.addi %mul3A_605, %add3A_669 : i32
        %get3A_671 = arith.constant 2 : i32
        %get3A_672 = arith.index_cast %get3A_671 : i32 to index
        %get3A_673 = arith.index_cast %add3A_670 : i32 to index
        %get3A_674 = arith.constant 16 : index
        %get3A_675 = tpu.vector_load %arg8[%get3A_672, %get3A_673, %get3A_674] {strides = array<i32>} : memref<8x200x32xf32, #tpu.memory_space<vmem>>, vector<1x1x16xf32>,
        %get3A_676 = vector.shape_cast %get3A_675 : vector<1x1x16xf32> to vector<16xf32>
        %add3A_677 = arith.addf %add3A_659, %get3A_676 : vector<16xf32>
        %add3A_678 = arith.constant 4 : i32
        %add3A_679 = arith.addi %mul3A_605, %add3A_678 : i32
        %get3A_680 = arith.constant 2 : i32
        %get3A_681 = arith.index_cast %get3A_680 : i32 to index
        %get3A_682 = arith.index_cast %add3A_679 : i32 to index
        %get3A_683 = arith.constant 0 : index
        %get3A_684 = tpu.vector_load %arg8[%get3A_681, %get3A_682, %get3A_683] {strides = array<i32>} : memref<8x200x32xf32, #tpu.memory_space<vmem>>, vector<1x1x16xf32>,
        %get3A_685 = vector.shape_cast %get3A_684 : vector<1x1x16xf32> to vector<16xf32>
        %add3A_686 = arith.addf %add3A_668, %get3A_685 : vector<16xf32>
        %add3A_687 = arith.constant 4 : i32
        %add3A_688 = arith.addi %mul3A_605, %add3A_687 : i32
        %get3A_689 = arith.constant 2 : i32
        %get3A_690 = arith.index_cast %get3A_689 : i32 to index
        %get3A_691 = arith.index_cast %add3A_688 : i32 to index
        %get3A_692 = arith.constant 16 : index
        %get3A_693 = tpu.vector_load %arg8[%get3A_690, %get3A_691, %get3A_692] {strides = array<i32>} : memref<8x200x32xf32, #tpu.memory_space<vmem>>, vector<1x1x16xf32>,
        %get3A_694 = vector.shape_cast %get3A_693 : vector<1x1x16xf32> to vector<16xf32>
        %add3A_695 = arith.addf %add3A_677, %get3A_694 : vector<16xf32>
        %add3A_696 = arith.constant 5 : i32
        %add3A_697 = arith.addi %mul3A_605, %add3A_696 : i32
        %get3A_698 = arith.constant 2 : i32
        %get3A_699 = arith.index_cast %get3A_698 : i32 to index
        %get3A_700 = arith.index_cast %add3A_697 : i32 to index
        %get3A_701 = arith.constant 0 : index
        %get3A_702 = tpu.vector_load %arg8[%get3A_699, %get3A_700, %get3A_701] {strides = array<i32>} : memref<8x200x32xf32, #tpu.memory_space<vmem>>, vector<1x1x16xf32>,
        %get3A_703 = vector.shape_cast %get3A_702 : vector<1x1x16xf32> to vector<16xf32>
        %add3A_704 = arith.addf %add3A_686, %get3A_703 : vector<16xf32>
        %add3A_705 = arith.constant 5 : i32
        %add3A_706 = arith.addi %mul3A_605, %add3A_705 : i32
        %get3A_707 = arith.constant 2 : i32
        %get3A_708 = arith.index_cast %get3A_707 : i32 to index
        %get3A_709 = arith.index_cast %add3A_706 : i32 to index
        %get3A_710 = arith.constant 16 : index
        %get3A_711 = tpu.vector_load %arg8[%get3A_708, %get3A_709, %get3A_710] {strides = array<i32>} : memref<8x200x32xf32, #tpu.memory_space<vmem>>, vector<1x1x16xf32>,
        %get3A_712 = vector.shape_cast %get3A_711 : vector<1x1x16xf32> to vector<16xf32>
        %add3A_713 = arith.addf %add3A_695, %get3A_712 : vector<16xf32>
        %add3A_714 = arith.constant 6 : i32
        %add3A_715 = arith.addi %mul3A_605, %add3A_714 : i32
        %get3A_716 = arith.constant 2 : i32
        %get3A_717 = arith.index_cast %get3A_716 : i32 to index
        %get3A_718 = arith.index_cast %add3A_715 : i32 to index
        %get3A_719 = arith.constant 0 : index
        %get3A_720 = tpu.vector_load %arg8[%get3A_717, %get3A_718, %get3A_719] {strides = array<i32>} : memref<8x200x32xf32, #tpu.memory_space<vmem>>, vector<1x1x16xf32>,
        %get3A_721 = vector.shape_cast %get3A_720 : vector<1x1x16xf32> to vector<16xf32>
        %add3A_722 = arith.addf %add3A_704, %get3A_721 : vector<16xf32>
        %add3A_723 = arith.constant 6 : i32
        %add3A_724 = arith.addi %mul3A_605, %add3A_723 : i32
        %get3A_725 = arith.constant 2 : i32
        %get3A_726 = arith.index_cast %get3A_725 : i32 to index
        %get3A_727 = arith.index_cast %add3A_724 : i32 to index
        %get3A_728 = arith.constant 16 : index
        %get3A_729 = tpu.vector_load %arg8[%get3A_726, %get3A_727, %get3A_728] {strides = array<i32>} : memref<8x200x32xf32, #tpu.memory_space<vmem>>, vector<1x1x16xf32>,
        %get3A_730 = vector.shape_cast %get3A_729 : vector<1x1x16xf32> to vector<16xf32>
        %add3A_731 = arith.addf %add3A_713, %get3A_730 : vector<16xf32>
        %add3A_732 = arith.constant 7 : i32
        %add3A_733 = arith.addi %mul3A_605, %add3A_732 : i32
        %get3A_734 = arith.constant 2 : i32
        %get3A_735 = arith.index_cast %get3A_734 : i32 to index
        %get3A_736 = arith.index_cast %add3A_733 : i32 to index
        %get3A_737 = arith.constant 0 : index
        %get3A_738 = tpu.vector_load %arg8[%get3A_735, %get3A_736, %get3A_737] {strides = array<i32>} : memref<8x200x32xf32, #tpu.memory_space<vmem>>, vector<1x1x16xf32>,
        %get3A_739 = vector.shape_cast %get3A_738 : vector<1x1x16xf32> to vector<16xf32>
        %add3A_740 = arith.addf %add3A_722, %get3A_739 : vector<16xf32>
        %add3A_741 = arith.constant 7 : i32
        %add3A_742 = arith.addi %mul3A_605, %add3A_741 : i32
        %get3A_743 = arith.constant 2 : i32
        %get3A_744 = arith.index_cast %get3A_743 : i32 to index
        %get3A_745 = arith.index_cast %add3A_742 : i32 to index
        %get3A_746 = arith.constant 16 : index
        %get3A_747 = tpu.vector_load %arg8[%get3A_744, %get3A_745, %get3A_746] {strides = array<i32>} : memref<8x200x32xf32, #tpu.memory_space<vmem>>, vector<1x1x16xf32>,
        %get3A_748 = vector.shape_cast %get3A_747 : vector<1x1x16xf32> to vector<16xf32>
        %add3A_749 = arith.addf %add3A_731, %get3A_748 : vector<16xf32>
        scf.yield %add3A_740, %add3A_749 : vector<16xf32>, vector<16xf32>
      }
      %scan3A_271 = arith.constant 25 : i32
      %mul3A_272 = arith.constant 16 : i32
      %mul3A_273 = arith.muli %add3A_263, %mul3A_272 : i32
      %get3A_274 = arith.index_cast %mul3A_273 : i32 to index
      %get3A_275 = tpu.vector_load %arg7[%get3A_274] {strides = array<i32>} : memref<2048xf32, #tpu.memory_space<vmem>>, vector<16xf32>,
      %get3A_276 = vector.shape_cast %get3A_275 : vector<16xf32> to vector<16xf32>
      %div3A_277 = arith.constant 1.000000e+00 : f32
      %div3A_278 = vector.broadcast %div3A_277 : f32 to vector<16xf32>
      %div3A_279 = arith.divf %div3A_278, %get3A_276 : vector<16xf32>
      %mul3A_280 = arith.mulf %scan3A_270#0, %div3A_279 : vector<16xf32>
      %mul3A_281 = arith.constant 32 : i32
      %mul3A_282 = arith.muli %add3A_263, %mul3A_281 : i32
      %swap3A_283 = arith.index_cast %mul3A_282 : i32 to index
      %swap3A_284 = tpu.vector_load %arg9[%swap3A_283] {strides = array<i32>} : memref<4096xf32, #tpu.memory_space<vmem>>, vector<16xf32>,
      %swap3A_285 = vector.shape_cast %swap3A_284 : vector<16xf32> to vector<16xf32>
      %swap3A_286 = vector.shape_cast %mul3A_280 : vector<16xf32> to vector<16xf32>
      tpu.vector_store %arg9[%swap3A_283], %swap3A_286 {strides = array<i32>} : memref<4096xf32, #tpu.memory_space<vmem>>, vector<16xf32>,
      %mul3A_287 = arith.mulf %scan3A_270#1, %div3A_279 : vector<16xf32>
      %mul3A_288 = arith.constant 32 : i32
      %mul3A_289 = arith.muli %add3A_263, %mul3A_288 : i32
      %add3A_290 = arith.constant 16 : i32
      %add3A_291 = arith.addi %mul3A_289, %add3A_290 : i32
      %swap3A_292 = arith.index_cast %add3A_291 : i32 to index
      %swap3A_293 = tpu.vector_load %arg9[%swap3A_292] {strides = array<i32>} : memref<4096xf32, #tpu.memory_space<vmem>>, vector<16xf32>,
      %swap3A_294 = vector.shape_cast %swap3A_293 : vector<16xf32> to vector<16xf32>
      %swap3A_295 = vector.shape_cast %mul3A_287 : vector<16xf32> to vector<16xf32>
      tpu.vector_store %arg9[%swap3A_292], %swap3A_295 {strides = array<i32>} : memref<4096xf32, #tpu.memory_space<vmem>>, vector<16xf32>,
      %add3A_296 = arith.constant 2 : i32
      %add3A_297 = arith.addi %mul3A_135, %add3A_296 : i32
      %add3A_298 = arith.constant 8 : i32
      %add3A_299 = arith.addi %add3A_297, %add3A_298 : i32
      %lt3A_300 = arith.constant 128 : i32
      %lt3A_301 = arith.cmpi slt, %add3A_299, %lt3A_300 : i32
      %convert_element_type3A_302 = arith.extui %lt3A_301 : i1 to i32
      %cond3A_303 = arith.constant 0 : i32
      %cond3A_304 = arith.cmpi ne, %convert_element_type3A_302, %cond3A_303 : i32
      scf.if %cond3A_304 {
        %add3A_601 = arith.constant 2 : i32
        %add3A_602 = arith.addi %mul3A_135, %add3A_601 : i32
        %add3A_603 = arith.constant 8 : i32
        %add3A_604 = arith.addi %add3A_602, %add3A_603 : i32
        %dma_start3A_605 = arith.constant 2 : i32
        %dma_start3A_606 = arith.constant 2 : i32
        %dma_start3A_607 = arith.constant 0 : i32
        %dma_start3A_608 = arith.constant 0 : i32
        %dma_start3A_609 = tpu.memref_slice %arg8[%dma_start3A_605, %dma_start3A_607, %dma_start3A_608] : memref<8x200x32xf32, #tpu.memory_space<vmem>> -> memref<1x200x32xf32, #tpu.memory_space<vmem>>
        %dma_start3A_610 = tpu.memref_squeeze %dma_start3A_609 : memref<1x200x32xf32, #tpu.memory_space<vmem>> -> memref<200x32xf32, #tpu.memory_space<vmem>>
        %dma_start3A_611 = arith.constant 0 : i32
        %dma_start3A_612 = tpu.memref_slice %arg6[%add3A_604, %dma_start3A_611] : memref<128x200xi32, #tpu.memory_space<vmem>> -> memref<1x200xi32, #tpu.memory_space<vmem>>
        %dma_start3A_613 = tpu.memref_squeeze %dma_start3A_612 : memref<1x200xi32, #tpu.memory_space<vmem>> -> memref<200xi32, #tpu.memory_space<vmem>>
        %dma_start3A_614 = arith.constant 0 : i32
        %dma_start3A_615 = arith.constant 0 : i32
        %dma_start3A_616 = tpu.memref_slice %arg4[%dma_start3A_614, %dma_start3A_615] : memref<1000000x32xf32, #tpu.memory_space<hbm>> -> memref<1000000x32xf32, #tpu.memory_space<hbm>>
        %dma_start3A_617 = tpu.memref_slice %arg10[%dma_start3A_606] : memref<8x!tpu.dma_semaphore, #tpu.memory_space<semaphore_mem>> -> memref<1x!tpu.dma_semaphore, #tpu.memory_space<semaphore_mem>>
        %dma_start3A_618 = tpu.memref_squeeze %dma_start3A_617 : memref<1x!tpu.dma_semaphore, #tpu.memory_space<semaphore_mem>> -> memref<!tpu.dma_semaphore, #tpu.memory_space<semaphore_mem>>
        tpu.enqueue_indirect_dma source(%dma_start3A_616 : memref<1000000x32xf32, #tpu.memory_space<hbm>>) target(%dma_start3A_610 : memref<200x32xf32, #tpu.memory_space<vmem>>) offsets(%dma_start3A_613 : memref<200xi32, #tpu.memory_space<vmem>>) semaphore(%dma_start3A_618 : memref<!tpu.dma_semaphore, #tpu.memory_space<semaphore_mem>>)
      } else {
      }
      %add3A_305 = arith.constant 3 : i32
      %add3A_306 = arith.addi %mul3A_135, %add3A_305 : i32
      %dma_wait3A_307 = arith.constant 3 : i32
      %dma_wait3A_308 = arith.constant 3 : i32
      %dma_wait3A_309 = arith.constant 0 : i32
      %dma_wait3A_310 = arith.constant 0 : i32
      %dma_wait3A_311 = tpu.memref_slice %arg8[%dma_wait3A_307, %dma_wait3A_309, %dma_wait3A_310] : memref<8x200x32xf32, #tpu.memory_space<vmem>> -> memref<1x200x32xf32, #tpu.memory_space<vmem>>
      %dma_wait3A_312 = tpu.memref_squeeze %dma_wait3A_311 : memref<1x200x32xf32, #tpu.memory_space<vmem>> -> memref<200x32xf32, #tpu.memory_space<vmem>>
      %dma_wait3A_313 = arith.constant 0 : i32
      %dma_wait3A_314 = tpu.memref_slice %arg6[%add3A_306, %dma_wait3A_313] : memref<128x200xi32, #tpu.memory_space<vmem>> -> memref<1x200xi32, #tpu.memory_space<vmem>>
      %dma_wait3A_315 = tpu.memref_squeeze %dma_wait3A_314 : memref<1x200xi32, #tpu.memory_space<vmem>> -> memref<200xi32, #tpu.memory_space<vmem>>
      %dma_wait3A_316 = arith.constant 0 : i32
      %dma_wait3A_317 = arith.constant 0 : i32
      %dma_wait3A_318 = tpu.memref_slice %arg4[%dma_wait3A_316, %dma_wait3A_317] : memref<1000000x32xf32, #tpu.memory_space<hbm>> -> memref<1000000x32xf32, #tpu.memory_space<hbm>>
      %dma_wait3A_319 = tpu.memref_slice %arg10[%dma_wait3A_308] : memref<8x!tpu.dma_semaphore, #tpu.memory_space<semaphore_mem>> -> memref<1x!tpu.dma_semaphore, #tpu.memory_space<semaphore_mem>>
      %dma_wait3A_320 = tpu.memref_squeeze %dma_wait3A_319 : memref<1x!tpu.dma_semaphore, #tpu.memory_space<semaphore_mem>> -> memref<!tpu.dma_semaphore, #tpu.memory_space<semaphore_mem>>
      tpu.wait_indirect_dma semaphore(%dma_wait3A_320 : memref<!tpu.dma_semaphore, #tpu.memory_space<semaphore_mem>>) src(%dma_wait3A_318 : memref<1000000x32xf32, #tpu.memory_space<hbm>>) dst(%dma_wait3A_312 : memref<200x32xf32, #tpu.memory_space<vmem>>)
      %add3A_321 = arith.constant 3 : i32
      %add3A_322 = arith.addi %mul3A_135, %add3A_321 : i32
      %broadcast_in_dim3A_323 = arith.constant 0.000000e+00 : f32
      %broadcast_in_dim3A_324 = vector.broadcast %broadcast_in_dim3A_323 : f32 to vector<16xf32>
      %scan3A_325 = arith.constant 0 : i32
      %scan3A_326 = arith.constant 25 : i32
      %scan3A_327 = arith.addi %scan3A_325, %scan3A_326 : i32
      %scan3A_328 = arith.constant 1 : i32
      %scan3A_329:2 = scf.for %scan3A_601 = %scan3A_325 to %scan3A_327 step %scan3A_328 iter_args(%scan3A_602 = %broadcast_in_dim3A_324, %scan3A_603 = %broadcast_in_dim3A_324) -> (vector<16xf32>, vector<16xf32>)  : i32 {
        %mul3A_604 = arith.constant 8 : i32
        %mul3A_605 = arith.muli %scan3A_601, %mul3A_604 : i32
        %add3A_606 = arith.constant 0 : i32
        %add3A_607 = arith.addi %mul3A_605, %add3A_606 : i32
        %get3A_608 = arith.constant 3 : i32
        %get3A_609 = arith.index_cast %get3A_608 : i32 to index
        %get3A_610 = arith.index_cast %add3A_607 : i32 to index
        %get3A_611 = arith.constant 0 : index
        %get3A_612 = tpu.vector_load %arg8[%get3A_609, %get3A_610, %get3A_611] {strides = array<i32>} : memref<8x200x32xf32, #tpu.memory_space<vmem>>, vector<1x1x16xf32>,
        %get3A_613 = vector.shape_cast %get3A_612 : vector<1x1x16xf32> to vector<16xf32>
        %add3A_614 = arith.addf %scan3A_602, %get3A_613 : vector<16xf32>
        %add3A_615 = arith.constant 0 : i32
        %add3A_616 = arith.addi %mul3A_605, %add3A_615 : i32
        %get3A_617 = arith.constant 3 : i32
        %get3A_618 = arith.index_cast %get3A_617 : i32 to index
        %get3A_619 = arith.index_cast %add3A_616 : i32 to index
        %get3A_620 = arith.constant 16 : index
        %get3A_621 = tpu.vector_load %arg8[%get3A_618, %get3A_619, %get3A_620] {strides = array<i32>} : memref<8x200x32xf32, #tpu.memory_space<vmem>>, vector<1x1x16xf32>,
        %get3A_622 = vector.shape_cast %get3A_621 : vector<1x1x16xf32> to vector<16xf32>
        %add3A_623 = arith.addf %scan3A_603, %get3A_622 : vector<16xf32>
        %add3A_624 = arith.constant 1 : i32
        %add3A_625 = arith.addi %mul3A_605, %add3A_624 : i32
        %get3A_626 = arith.constant 3 : i32
        %get3A_627 = arith.index_cast %get3A_626 : i32 to index
        %get3A_628 = arith.index_cast %add3A_625 : i32 to index
        %get3A_629 = arith.constant 0 : index
        %get3A_630 = tpu.vector_load %arg8[%get3A_627, %get3A_628, %get3A_629] {strides = array<i32>} : memref<8x200x32xf32, #tpu.memory_space<vmem>>, vector<1x1x16xf32>,
        %get3A_631 = vector.shape_cast %get3A_630 : vector<1x1x16xf32> to vector<16xf32>
        %add3A_632 = arith.addf %add3A_614, %get3A_631 : vector<16xf32>
        %add3A_633 = arith.constant 1 : i32
        %add3A_634 = arith.addi %mul3A_605, %add3A_633 : i32
        %get3A_635 = arith.constant 3 : i32
        %get3A_636 = arith.index_cast %get3A_635 : i32 to index
        %get3A_637 = arith.index_cast %add3A_634 : i32 to index
        %get3A_638 = arith.constant 16 : index
        %get3A_639 = tpu.vector_load %arg8[%get3A_636, %get3A_637, %get3A_638] {strides = array<i32>} : memref<8x200x32xf32, #tpu.memory_space<vmem>>, vector<1x1x16xf32>,
        %get3A_640 = vector.shape_cast %get3A_639 : vector<1x1x16xf32> to vector<16xf32>
        %add3A_641 = arith.addf %add3A_623, %get3A_640 : vector<16xf32>
        %add3A_642 = arith.constant 2 : i32
        %add3A_643 = arith.addi %mul3A_605, %add3A_642 : i32
        %get3A_644 = arith.constant 3 : i32
        %get3A_645 = arith.index_cast %get3A_644 : i32 to index
        %get3A_646 = arith.index_cast %add3A_643 : i32 to index
        %get3A_647 = arith.constant 0 : index
        %get3A_648 = tpu.vector_load %arg8[%get3A_645, %get3A_646, %get3A_647] {strides = array<i32>} : memref<8x200x32xf32, #tpu.memory_space<vmem>>, vector<1x1x16xf32>,
        %get3A_649 = vector.shape_cast %get3A_648 : vector<1x1x16xf32> to vector<16xf32>
        %add3A_650 = arith.addf %add3A_632, %get3A_649 : vector<16xf32>
        %add3A_651 = arith.constant 2 : i32
        %add3A_652 = arith.addi %mul3A_605, %add3A_651 : i32
        %get3A_653 = arith.constant 3 : i32
        %get3A_654 = arith.index_cast %get3A_653 : i32 to index
        %get3A_655 = arith.index_cast %add3A_652 : i32 to index
        %get3A_656 = arith.constant 16 : index
        %get3A_657 = tpu.vector_load %arg8[%get3A_654, %get3A_655, %get3A_656] {strides = array<i32>} : memref<8x200x32xf32, #tpu.memory_space<vmem>>, vector<1x1x16xf32>,
        %get3A_658 = vector.shape_cast %get3A_657 : vector<1x1x16xf32> to vector<16xf32>
        %add3A_659 = arith.addf %add3A_641, %get3A_658 : vector<16xf32>
        %add3A_660 = arith.constant 3 : i32
        %add3A_661 = arith.addi %mul3A_605, %add3A_660 : i32
        %get3A_662 = arith.constant 3 : i32
        %get3A_663 = arith.index_cast %get3A_662 : i32 to index
        %get3A_664 = arith.index_cast %add3A_661 : i32 to index
        %get3A_665 = arith.constant 0 : index
        %get3A_666 = tpu.vector_load %arg8[%get3A_663, %get3A_664, %get3A_665] {strides = array<i32>} : memref<8x200x32xf32, #tpu.memory_space<vmem>>, vector<1x1x16xf32>,
        %get3A_667 = vector.shape_cast %get3A_666 : vector<1x1x16xf32> to vector<16xf32>
        %add3A_668 = arith.addf %add3A_650, %get3A_667 : vector<16xf32>
        %add3A_669 = arith.constant 3 : i32
        %add3A_670 = arith.addi %mul3A_605, %add3A_669 : i32
        %get3A_671 = arith.constant 3 : i32
        %get3A_672 = arith.index_cast %get3A_671 : i32 to index
        %get3A_673 = arith.index_cast %add3A_670 : i32 to index
        %get3A_674 = arith.constant 16 : index
        %get3A_675 = tpu.vector_load %arg8[%get3A_672, %get3A_673, %get3A_674] {strides = array<i32>} : memref<8x200x32xf32, #tpu.memory_space<vmem>>, vector<1x1x16xf32>,
        %get3A_676 = vector.shape_cast %get3A_675 : vector<1x1x16xf32> to vector<16xf32>
        %add3A_677 = arith.addf %add3A_659, %get3A_676 : vector<16xf32>
        %add3A_678 = arith.constant 4 : i32
        %add3A_679 = arith.addi %mul3A_605, %add3A_678 : i32
        %get3A_680 = arith.constant 3 : i32
        %get3A_681 = arith.index_cast %get3A_680 : i32 to index
        %get3A_682 = arith.index_cast %add3A_679 : i32 to index
        %get3A_683 = arith.constant 0 : index
        %get3A_684 = tpu.vector_load %arg8[%get3A_681, %get3A_682, %get3A_683] {strides = array<i32>} : memref<8x200x32xf32, #tpu.memory_space<vmem>>, vector<1x1x16xf32>,
        %get3A_685 = vector.shape_cast %get3A_684 : vector<1x1x16xf32> to vector<16xf32>
        %add3A_686 = arith.addf %add3A_668, %get3A_685 : vector<16xf32>
        %add3A_687 = arith.constant 4 : i32
        %add3A_688 = arith.addi %mul3A_605, %add3A_687 : i32
        %get3A_689 = arith.constant 3 : i32
        %get3A_690 = arith.index_cast %get3A_689 : i32 to index
        %get3A_691 = arith.index_cast %add3A_688 : i32 to index
        %get3A_692 = arith.constant 16 : index
        %get3A_693 = tpu.vector_load %arg8[%get3A_690, %get3A_691, %get3A_692] {strides = array<i32>} : memref<8x200x32xf32, #tpu.memory_space<vmem>>, vector<1x1x16xf32>,
        %get3A_694 = vector.shape_cast %get3A_693 : vector<1x1x16xf32> to vector<16xf32>
        %add3A_695 = arith.addf %add3A_677, %get3A_694 : vector<16xf32>
        %add3A_696 = arith.constant 5 : i32
        %add3A_697 = arith.addi %mul3A_605, %add3A_696 : i32
        %get3A_698 = arith.constant 3 : i32
        %get3A_699 = arith.index_cast %get3A_698 : i32 to index
        %get3A_700 = arith.index_cast %add3A_697 : i32 to index
        %get3A_701 = arith.constant 0 : index
        %get3A_702 = tpu.vector_load %arg8[%get3A_699, %get3A_700, %get3A_701] {strides = array<i32>} : memref<8x200x32xf32, #tpu.memory_space<vmem>>, vector<1x1x16xf32>,
        %get3A_703 = vector.shape_cast %get3A_702 : vector<1x1x16xf32> to vector<16xf32>
        %add3A_704 = arith.addf %add3A_686, %get3A_703 : vector<16xf32>
        %add3A_705 = arith.constant 5 : i32
        %add3A_706 = arith.addi %mul3A_605, %add3A_705 : i32
        %get3A_707 = arith.constant 3 : i32
        %get3A_708 = arith.index_cast %get3A_707 : i32 to index
        %get3A_709 = arith.index_cast %add3A_706 : i32 to index
        %get3A_710 = arith.constant 16 : index
        %get3A_711 = tpu.vector_load %arg8[%get3A_708, %get3A_709, %get3A_710] {strides = array<i32>} : memref<8x200x32xf32, #tpu.memory_space<vmem>>, vector<1x1x16xf32>,
        %get3A_712 = vector.shape_cast %get3A_711 : vector<1x1x16xf32> to vector<16xf32>
        %add3A_713 = arith.addf %add3A_695, %get3A_712 : vector<16xf32>
        %add3A_714 = arith.constant 6 : i32
        %add3A_715 = arith.addi %mul3A_605, %add3A_714 : i32
        %get3A_716 = arith.constant 3 : i32
        %get3A_717 = arith.index_cast %get3A_716 : i32 to index
        %get3A_718 = arith.index_cast %add3A_715 : i32 to index
        %get3A_719 = arith.constant 0 : index
        %get3A_720 = tpu.vector_load %arg8[%get3A_717, %get3A_718, %get3A_719] {strides = array<i32>} : memref<8x200x32xf32, #tpu.memory_space<vmem>>, vector<1x1x16xf32>,
        %get3A_721 = vector.shape_cast %get3A_720 : vector<1x1x16xf32> to vector<16xf32>
        %add3A_722 = arith.addf %add3A_704, %get3A_721 : vector<16xf32>
        %add3A_723 = arith.constant 6 : i32
        %add3A_724 = arith.addi %mul3A_605, %add3A_723 : i32
        %get3A_725 = arith.constant 3 : i32
        %get3A_726 = arith.index_cast %get3A_725 : i32 to index
        %get3A_727 = arith.index_cast %add3A_724 : i32 to index
        %get3A_728 = arith.constant 16 : index
        %get3A_729 = tpu.vector_load %arg8[%get3A_726, %get3A_727, %get3A_728] {strides = array<i32>} : memref<8x200x32xf32, #tpu.memory_space<vmem>>, vector<1x1x16xf32>,
        %get3A_730 = vector.shape_cast %get3A_729 : vector<1x1x16xf32> to vector<16xf32>
        %add3A_731 = arith.addf %add3A_713, %get3A_730 : vector<16xf32>
        %add3A_732 = arith.constant 7 : i32
        %add3A_733 = arith.addi %mul3A_605, %add3A_732 : i32
        %get3A_734 = arith.constant 3 : i32
        %get3A_735 = arith.index_cast %get3A_734 : i32 to index
        %get3A_736 = arith.index_cast %add3A_733 : i32 to index
        %get3A_737 = arith.constant 0 : index
        %get3A_738 = tpu.vector_load %arg8[%get3A_735, %get3A_736, %get3A_737] {strides = array<i32>} : memref<8x200x32xf32, #tpu.memory_space<vmem>>, vector<1x1x16xf32>,
        %get3A_739 = vector.shape_cast %get3A_738 : vector<1x1x16xf32> to vector<16xf32>
        %add3A_740 = arith.addf %add3A_722, %get3A_739 : vector<16xf32>
        %add3A_741 = arith.constant 7 : i32
        %add3A_742 = arith.addi %mul3A_605, %add3A_741 : i32
        %get3A_743 = arith.constant 3 : i32
        %get3A_744 = arith.index_cast %get3A_743 : i32 to index
        %get3A_745 = arith.index_cast %add3A_742 : i32 to index
        %get3A_746 = arith.constant 16 : index
        %get3A_747 = tpu.vector_load %arg8[%get3A_744, %get3A_745, %get3A_746] {strides = array<i32>} : memref<8x200x32xf32, #tpu.memory_space<vmem>>, vector<1x1x16xf32>,
        %get3A_748 = vector.shape_cast %get3A_747 : vector<1x1x16xf32> to vector<16xf32>
        %add3A_749 = arith.addf %add3A_731, %get3A_748 : vector<16xf32>
        scf.yield %add3A_740, %add3A_749 : vector<16xf32>, vector<16xf32>
      }
      %scan3A_330 = arith.constant 25 : i32
      %mul3A_331 = arith.constant 16 : i32
      %mul3A_332 = arith.muli %add3A_322, %mul3A_331 : i32
      %get3A_333 = arith.index_cast %mul3A_332 : i32 to index
      %get3A_334 = tpu.vector_load %arg7[%get3A_333] {strides = array<i32>} : memref<2048xf32, #tpu.memory_space<vmem>>, vector<16xf32>,
      %get3A_335 = vector.shape_cast %get3A_334 : vector<16xf32> to vector<16xf32>
      %div3A_336 = arith.constant 1.000000e+00 : f32
      %div3A_337 = vector.broadcast %div3A_336 : f32 to vector<16xf32>
      %div3A_338 = arith.divf %div3A_337, %get3A_335 : vector<16xf32>
      %mul3A_339 = arith.mulf %scan3A_329#0, %div3A_338 : vector<16xf32>
      %mul3A_340 = arith.constant 32 : i32
      %mul3A_341 = arith.muli %add3A_322, %mul3A_340 : i32
      %swap3A_342 = arith.index_cast %mul3A_341 : i32 to index
      %swap3A_343 = tpu.vector_load %arg9[%swap3A_342] {strides = array<i32>} : memref<4096xf32, #tpu.memory_space<vmem>>, vector<16xf32>,
      %swap3A_344 = vector.shape_cast %swap3A_343 : vector<16xf32> to vector<16xf32>
      %swap3A_345 = vector.shape_cast %mul3A_339 : vector<16xf32> to vector<16xf32>
      tpu.vector_store %arg9[%swap3A_342], %swap3A_345 {strides = array<i32>} : memref<4096xf32, #tpu.memory_space<vmem>>, vector<16xf32>,
      %mul3A_346 = arith.mulf %scan3A_329#1, %div3A_338 : vector<16xf32>
      %mul3A_347 = arith.constant 32 : i32
      %mul3A_348 = arith.muli %add3A_322, %mul3A_347 : i32
      %add3A_349 = arith.constant 16 : i32
      %add3A_350 = arith.addi %mul3A_348, %add3A_349 : i32
      %swap3A_351 = arith.index_cast %add3A_350 : i32 to index
      %swap3A_352 = tpu.vector_load %arg9[%swap3A_351] {strides = array<i32>} : memref<4096xf32, #tpu.memory_space<vmem>>, vector<16xf32>,
      %swap3A_353 = vector.shape_cast %swap3A_352 : vector<16xf32> to vector<16xf32>
      %swap3A_354 = vector.shape_cast %mul3A_346 : vector<16xf32> to vector<16xf32>
      tpu.vector_store %arg9[%swap3A_351], %swap3A_354 {strides = array<i32>} : memref<4096xf32, #tpu.memory_space<vmem>>, vector<16xf32>,
      %add3A_355 = arith.constant 3 : i32
      %add3A_356 = arith.addi %mul3A_135, %add3A_355 : i32
      %add3A_357 = arith.constant 8 : i32
      %add3A_358 = arith.addi %add3A_356, %add3A_357 : i32
      %lt3A_359 = arith.constant 128 : i32
      %lt3A_360 = arith.cmpi slt, %add3A_358, %lt3A_359 : i32
      %convert_element_type3A_361 = arith.extui %lt3A_360 : i1 to i32
      %cond3A_362 = arith.constant 0 : i32
      %cond3A_363 = arith.cmpi ne, %convert_element_type3A_361, %cond3A_362 : i32
      scf.if %cond3A_363 {
        %add3A_601 = arith.constant 3 : i32
        %add3A_602 = arith.addi %mul3A_135, %add3A_601 : i32
        %add3A_603 = arith.constant 8 : i32
        %add3A_604 = arith.addi %add3A_602, %add3A_603 : i32
        %dma_start3A_605 = arith.constant 3 : i32
        %dma_start3A_606 = arith.constant 3 : i32
        %dma_start3A_607 = arith.constant 0 : i32
        %dma_start3A_608 = arith.constant 0 : i32
        %dma_start3A_609 = tpu.memref_slice %arg8[%dma_start3A_605, %dma_start3A_607, %dma_start3A_608] : memref<8x200x32xf32, #tpu.memory_space<vmem>> -> memref<1x200x32xf32, #tpu.memory_space<vmem>>
        %dma_start3A_610 = tpu.memref_squeeze %dma_start3A_609 : memref<1x200x32xf32, #tpu.memory_space<vmem>> -> memref<200x32xf32, #tpu.memory_space<vmem>>
        %dma_start3A_611 = arith.constant 0 : i32
        %dma_start3A_612 = tpu.memref_slice %arg6[%add3A_604, %dma_start3A_611] : memref<128x200xi32, #tpu.memory_space<vmem>> -> memref<1x200xi32, #tpu.memory_space<vmem>>
        %dma_start3A_613 = tpu.memref_squeeze %dma_start3A_612 : memref<1x200xi32, #tpu.memory_space<vmem>> -> memref<200xi32, #tpu.memory_space<vmem>>
        %dma_start3A_614 = arith.constant 0 : i32
        %dma_start3A_615 = arith.constant 0 : i32
        %dma_start3A_616 = tpu.memref_slice %arg4[%dma_start3A_614, %dma_start3A_615] : memref<1000000x32xf32, #tpu.memory_space<hbm>> -> memref<1000000x32xf32, #tpu.memory_space<hbm>>
        %dma_start3A_617 = tpu.memref_slice %arg10[%dma_start3A_606] : memref<8x!tpu.dma_semaphore, #tpu.memory_space<semaphore_mem>> -> memref<1x!tpu.dma_semaphore, #tpu.memory_space<semaphore_mem>>
        %dma_start3A_618 = tpu.memref_squeeze %dma_start3A_617 : memref<1x!tpu.dma_semaphore, #tpu.memory_space<semaphore_mem>> -> memref<!tpu.dma_semaphore, #tpu.memory_space<semaphore_mem>>
        tpu.enqueue_indirect_dma source(%dma_start3A_616 : memref<1000000x32xf32, #tpu.memory_space<hbm>>) target(%dma_start3A_610 : memref<200x32xf32, #tpu.memory_space<vmem>>) offsets(%dma_start3A_613 : memref<200xi32, #tpu.memory_space<vmem>>) semaphore(%dma_start3A_618 : memref<!tpu.dma_semaphore, #tpu.memory_space<semaphore_mem>>)
      } else {
      }
      %add3A_364 = arith.constant 4 : i32
      %add3A_365 = arith.addi %mul3A_135, %add3A_364 : i32
      %dma_wait3A_366 = arith.constant 4 : i32
      %dma_wait3A_367 = arith.constant 4 : i32
      %dma_wait3A_368 = arith.constant 0 : i32
      %dma_wait3A_369 = arith.constant 0 : i32
      %dma_wait3A_370 = tpu.memref_slice %arg8[%dma_wait3A_366, %dma_wait3A_368, %dma_wait3A_369] : memref<8x200x32xf32, #tpu.memory_space<vmem>> -> memref<1x200x32xf32, #tpu.memory_space<vmem>>
      %dma_wait3A_371 = tpu.memref_squeeze %dma_wait3A_370 : memref<1x200x32xf32, #tpu.memory_space<vmem>> -> memref<200x32xf32, #tpu.memory_space<vmem>>
      %dma_wait3A_372 = arith.constant 0 : i32
      %dma_wait3A_373 = tpu.memref_slice %arg6[%add3A_365, %dma_wait3A_372] : memref<128x200xi32, #tpu.memory_space<vmem>> -> memref<1x200xi32, #tpu.memory_space<vmem>>
      %dma_wait3A_374 = tpu.memref_squeeze %dma_wait3A_373 : memref<1x200xi32, #tpu.memory_space<vmem>> -> memref<200xi32, #tpu.memory_space<vmem>>
      %dma_wait3A_375 = arith.constant 0 : i32
      %dma_wait3A_376 = arith.constant 0 : i32
      %dma_wait3A_377 = tpu.memref_slice %arg4[%dma_wait3A_375, %dma_wait3A_376] : memref<1000000x32xf32, #tpu.memory_space<hbm>> -> memref<1000000x32xf32, #tpu.memory_space<hbm>>
      %dma_wait3A_378 = tpu.memref_slice %arg10[%dma_wait3A_367] : memref<8x!tpu.dma_semaphore, #tpu.memory_space<semaphore_mem>> -> memref<1x!tpu.dma_semaphore, #tpu.memory_space<semaphore_mem>>
      %dma_wait3A_379 = tpu.memref_squeeze %dma_wait3A_378 : memref<1x!tpu.dma_semaphore, #tpu.memory_space<semaphore_mem>> -> memref<!tpu.dma_semaphore, #tpu.memory_space<semaphore_mem>>
      tpu.wait_indirect_dma semaphore(%dma_wait3A_379 : memref<!tpu.dma_semaphore, #tpu.memory_space<semaphore_mem>>) src(%dma_wait3A_377 : memref<1000000x32xf32, #tpu.memory_space<hbm>>) dst(%dma_wait3A_371 : memref<200x32xf32, #tpu.memory_space<vmem>>)
      %add3A_380 = arith.constant 4 : i32
      %add3A_381 = arith.addi %mul3A_135, %add3A_380 : i32
      %broadcast_in_dim3A_382 = arith.constant 0.000000e+00 : f32
      %broadcast_in_dim3A_383 = vector.broadcast %broadcast_in_dim3A_382 : f32 to vector<16xf32>
      %scan3A_384 = arith.constant 0 : i32
      %scan3A_385 = arith.constant 25 : i32
      %scan3A_386 = arith.addi %scan3A_384, %scan3A_385 : i32
      %scan3A_387 = arith.constant 1 : i32
      %scan3A_388:2 = scf.for %scan3A_601 = %scan3A_384 to %scan3A_386 step %scan3A_387 iter_args(%scan3A_602 = %broadcast_in_dim3A_383, %scan3A_603 = %broadcast_in_dim3A_383) -> (vector<16xf32>, vector<16xf32>)  : i32 {
        %mul3A_604 = arith.constant 8 : i32
        %mul3A_605 = arith.muli %scan3A_601, %mul3A_604 : i32
        %add3A_606 = arith.constant 0 : i32
        %add3A_607 = arith.addi %mul3A_605, %add3A_606 : i32
        %get3A_608 = arith.constant 4 : i32
        %get3A_609 = arith.index_cast %get3A_608 : i32 to index
        %get3A_610 = arith.index_cast %add3A_607 : i32 to index
        %get3A_611 = arith.constant 0 : index
        %get3A_612 = tpu.vector_load %arg8[%get3A_609, %get3A_610, %get3A_611] {strides = array<i32>} : memref<8x200x32xf32, #tpu.memory_space<vmem>>, vector<1x1x16xf32>,
        %get3A_613 = vector.shape_cast %get3A_612 : vector<1x1x16xf32> to vector<16xf32>
        %add3A_614 = arith.addf %scan3A_602, %get3A_613 : vector<16xf32>
        %add3A_615 = arith.constant 0 : i32
        %add3A_616 = arith.addi %mul3A_605, %add3A_615 : i32
        %get3A_617 = arith.constant 4 : i32
        %get3A_618 = arith.index_cast %get3A_617 : i32 to index
        %get3A_619 = arith.index_cast %add3A_616 : i32 to index
        %get3A_620 = arith.constant 16 : index
        %get3A_621 = tpu.vector_load %arg8[%get3A_618, %get3A_619, %get3A_620] {strides = array<i32>} : memref<8x200x32xf32, #tpu.memory_space<vmem>>, vector<1x1x16xf32>,
        %get3A_622 = vector.shape_cast %get3A_621 : vector<1x1x16xf32> to vector<16xf32>
        %add3A_623 = arith.addf %scan3A_603, %get3A_622 : vector<16xf32>
        %add3A_624 = arith.constant 1 : i32
        %add3A_625 = arith.addi %mul3A_605, %add3A_624 : i32
        %get3A_626 = arith.constant 4 : i32
        %get3A_627 = arith.index_cast %get3A_626 : i32 to index
        %get3A_628 = arith.index_cast %add3A_625 : i32 to index
        %get3A_629 = arith.constant 0 : index
        %get3A_630 = tpu.vector_load %arg8[%get3A_627, %get3A_628, %get3A_629] {strides = array<i32>} : memref<8x200x32xf32, #tpu.memory_space<vmem>>, vector<1x1x16xf32>,
        %get3A_631 = vector.shape_cast %get3A_630 : vector<1x1x16xf32> to vector<16xf32>
        %add3A_632 = arith.addf %add3A_614, %get3A_631 : vector<16xf32>
        %add3A_633 = arith.constant 1 : i32
        %add3A_634 = arith.addi %mul3A_605, %add3A_633 : i32
        %get3A_635 = arith.constant 4 : i32
        %get3A_636 = arith.index_cast %get3A_635 : i32 to index
        %get3A_637 = arith.index_cast %add3A_634 : i32 to index
        %get3A_638 = arith.constant 16 : index
        %get3A_639 = tpu.vector_load %arg8[%get3A_636, %get3A_637, %get3A_638] {strides = array<i32>} : memref<8x200x32xf32, #tpu.memory_space<vmem>>, vector<1x1x16xf32>,
        %get3A_640 = vector.shape_cast %get3A_639 : vector<1x1x16xf32> to vector<16xf32>
        %add3A_641 = arith.addf %add3A_623, %get3A_640 : vector<16xf32>
        %add3A_642 = arith.constant 2 : i32
        %add3A_643 = arith.addi %mul3A_605, %add3A_642 : i32
        %get3A_644 = arith.constant 4 : i32
        %get3A_645 = arith.index_cast %get3A_644 : i32 to index
        %get3A_646 = arith.index_cast %add3A_643 : i32 to index
        %get3A_647 = arith.constant 0 : index
        %get3A_648 = tpu.vector_load %arg8[%get3A_645, %get3A_646, %get3A_647] {strides = array<i32>} : memref<8x200x32xf32, #tpu.memory_space<vmem>>, vector<1x1x16xf32>,
        %get3A_649 = vector.shape_cast %get3A_648 : vector<1x1x16xf32> to vector<16xf32>
        %add3A_650 = arith.addf %add3A_632, %get3A_649 : vector<16xf32>
        %add3A_651 = arith.constant 2 : i32
        %add3A_652 = arith.addi %mul3A_605, %add3A_651 : i32
        %get3A_653 = arith.constant 4 : i32
        %get3A_654 = arith.index_cast %get3A_653 : i32 to index
        %get3A_655 = arith.index_cast %add3A_652 : i32 to index
        %get3A_656 = arith.constant 16 : index
        %get3A_657 = tpu.vector_load %arg8[%get3A_654, %get3A_655, %get3A_656] {strides = array<i32>} : memref<8x200x32xf32, #tpu.memory_space<vmem>>, vector<1x1x16xf32>,
        %get3A_658 = vector.shape_cast %get3A_657 : vector<1x1x16xf32> to vector<16xf32>
        %add3A_659 = arith.addf %add3A_641, %get3A_658 : vector<16xf32>
        %add3A_660 = arith.constant 3 : i32
        %add3A_661 = arith.addi %mul3A_605, %add3A_660 : i32
        %get3A_662 = arith.constant 4 : i32
        %get3A_663 = arith.index_cast %get3A_662 : i32 to index
        %get3A_664 = arith.index_cast %add3A_661 : i32 to index
        %get3A_665 = arith.constant 0 : index
        %get3A_666 = tpu.vector_load %arg8[%get3A_663, %get3A_664, %get3A_665] {strides = array<i32>} : memref<8x200x32xf32, #tpu.memory_space<vmem>>, vector<1x1x16xf32>,
        %get3A_667 = vector.shape_cast %get3A_666 : vector<1x1x16xf32> to vector<16xf32>
        %add3A_668 = arith.addf %add3A_650, %get3A_667 : vector<16xf32>
        %add3A_669 = arith.constant 3 : i32
        %add3A_670 = arith.addi %mul3A_605, %add3A_669 : i32
        %get3A_671 = arith.constant 4 : i32
        %get3A_672 = arith.index_cast %get3A_671 : i32 to index
        %get3A_673 = arith.index_cast %add3A_670 : i32 to index
        %get3A_674 = arith.constant 16 : index
        %get3A_675 = tpu.vector_load %arg8[%get3A_672, %get3A_673, %get3A_674] {strides = array<i32>} : memref<8x200x32xf32, #tpu.memory_space<vmem>>, vector<1x1x16xf32>,
        %get3A_676 = vector.shape_cast %get3A_675 : vector<1x1x16xf32> to vector<16xf32>
        %add3A_677 = arith.addf %add3A_659, %get3A_676 : vector<16xf32>
        %add3A_678 = arith.constant 4 : i32
        %add3A_679 = arith.addi %mul3A_605, %add3A_678 : i32
        %get3A_680 = arith.constant 4 : i32
        %get3A_681 = arith.index_cast %get3A_680 : i32 to index
        %get3A_682 = arith.index_cast %add3A_679 : i32 to index
        %get3A_683 = arith.constant 0 : index
        %get3A_684 = tpu.vector_load %arg8[%get3A_681, %get3A_682, %get3A_683] {strides = array<i32>} : memref<8x200x32xf32, #tpu.memory_space<vmem>>, vector<1x1x16xf32>,
        %get3A_685 = vector.shape_cast %get3A_684 : vector<1x1x16xf32> to vector<16xf32>
        %add3A_686 = arith.addf %add3A_668, %get3A_685 : vector<16xf32>
        %add3A_687 = arith.constant 4 : i32
        %add3A_688 = arith.addi %mul3A_605, %add3A_687 : i32
        %get3A_689 = arith.constant 4 : i32
        %get3A_690 = arith.index_cast %get3A_689 : i32 to index
        %get3A_691 = arith.index_cast %add3A_688 : i32 to index
        %get3A_692 = arith.constant 16 : index
        %get3A_693 = tpu.vector_load %arg8[%get3A_690, %get3A_691, %get3A_692] {strides = array<i32>} : memref<8x200x32xf32, #tpu.memory_space<vmem>>, vector<1x1x16xf32>,
        %get3A_694 = vector.shape_cast %get3A_693 : vector<1x1x16xf32> to vector<16xf32>
        %add3A_695 = arith.addf %add3A_677, %get3A_694 : vector<16xf32>
        %add3A_696 = arith.constant 5 : i32
        %add3A_697 = arith.addi %mul3A_605, %add3A_696 : i32
        %get3A_698 = arith.constant 4 : i32
        %get3A_699 = arith.index_cast %get3A_698 : i32 to index
        %get3A_700 = arith.index_cast %add3A_697 : i32 to index
        %get3A_701 = arith.constant 0 : index
        %get3A_702 = tpu.vector_load %arg8[%get3A_699, %get3A_700, %get3A_701] {strides = array<i32>} : memref<8x200x32xf32, #tpu.memory_space<vmem>>, vector<1x1x16xf32>,
        %get3A_703 = vector.shape_cast %get3A_702 : vector<1x1x16xf32> to vector<16xf32>
        %add3A_704 = arith.addf %add3A_686, %get3A_703 : vector<16xf32>
        %add3A_705 = arith.constant 5 : i32
        %add3A_706 = arith.addi %mul3A_605, %add3A_705 : i32
        %get3A_707 = arith.constant 4 : i32
        %get3A_708 = arith.index_cast %get3A_707 : i32 to index
        %get3A_709 = arith.index_cast %add3A_706 : i32 to index
        %get3A_710 = arith.constant 16 : index
        %get3A_711 = tpu.vector_load %arg8[%get3A_708, %get3A_709, %get3A_710] {strides = array<i32>} : memref<8x200x32xf32, #tpu.memory_space<vmem>>, vector<1x1x16xf32>,
        %get3A_712 = vector.shape_cast %get3A_711 : vector<1x1x16xf32> to vector<16xf32>
        %add3A_713 = arith.addf %add3A_695, %get3A_712 : vector<16xf32>
        %add3A_714 = arith.constant 6 : i32
        %add3A_715 = arith.addi %mul3A_605, %add3A_714 : i32
        %get3A_716 = arith.constant 4 : i32
        %get3A_717 = arith.index_cast %get3A_716 : i32 to index
        %get3A_718 = arith.index_cast %add3A_715 : i32 to index
        %get3A_719 = arith.constant 0 : index
        %get3A_720 = tpu.vector_load %arg8[%get3A_717, %get3A_718, %get3A_719] {strides = array<i32>} : memref<8x200x32xf32, #tpu.memory_space<vmem>>, vector<1x1x16xf32>,
        %get3A_721 = vector.shape_cast %get3A_720 : vector<1x1x16xf32> to vector<16xf32>
        %add3A_722 = arith.addf %add3A_704, %get3A_721 : vector<16xf32>
        %add3A_723 = arith.constant 6 : i32
        %add3A_724 = arith.addi %mul3A_605, %add3A_723 : i32
        %get3A_725 = arith.constant 4 : i32
        %get3A_726 = arith.index_cast %get3A_725 : i32 to index
        %get3A_727 = arith.index_cast %add3A_724 : i32 to index
        %get3A_728 = arith.constant 16 : index
        %get3A_729 = tpu.vector_load %arg8[%get3A_726, %get3A_727, %get3A_728] {strides = array<i32>} : memref<8x200x32xf32, #tpu.memory_space<vmem>>, vector<1x1x16xf32>,
        %get3A_730 = vector.shape_cast %get3A_729 : vector<1x1x16xf32> to vector<16xf32>
        %add3A_731 = arith.addf %add3A_713, %get3A_730 : vector<16xf32>
        %add3A_732 = arith.constant 7 : i32
        %add3A_733 = arith.addi %mul3A_605, %add3A_732 : i32
        %get3A_734 = arith.constant 4 : i32
        %get3A_735 = arith.index_cast %get3A_734 : i32 to index
        %get3A_736 = arith.index_cast %add3A_733 : i32 to index
        %get3A_737 = arith.constant 0 : index
        %get3A_738 = tpu.vector_load %arg8[%get3A_735, %get3A_736, %get3A_737] {strides = array<i32>} : memref<8x200x32xf32, #tpu.memory_space<vmem>>, vector<1x1x16xf32>,
        %get3A_739 = vector.shape_cast %get3A_738 : vector<1x1x16xf32> to vector<16xf32>
        %add3A_740 = arith.addf %add3A_722, %get3A_739 : vector<16xf32>
        %add3A_741 = arith.constant 7 : i32
        %add3A_742 = arith.addi %mul3A_605, %add3A_741 : i32
        %get3A_743 = arith.constant 4 : i32
        %get3A_744 = arith.index_cast %get3A_743 : i32 to index
        %get3A_745 = arith.index_cast %add3A_742 : i32 to index
        %get3A_746 = arith.constant 16 : index
        %get3A_747 = tpu.vector_load %arg8[%get3A_744, %get3A_745, %get3A_746] {strides = array<i32>} : memref<8x200x32xf32, #tpu.memory_space<vmem>>, vector<1x1x16xf32>,
        %get3A_748 = vector.shape_cast %get3A_747 : vector<1x1x16xf32> to vector<16xf32>
        %add3A_749 = arith.addf %add3A_731, %get3A_748 : vector<16xf32>
        scf.yield %add3A_740, %add3A_749 : vector<16xf32>, vector<16xf32>
      }
      %scan3A_389 = arith.constant 25 : i32
      %mul3A_390 = arith.constant 16 : i32
      %mul3A_391 = arith.muli %add3A_381, %mul3A_390 : i32
      %get3A_392 = arith.index_cast %mul3A_391 : i32 to index
      %get3A_393 = tpu.vector_load %arg7[%get3A_392] {strides = array<i32>} : memref<2048xf32, #tpu.memory_space<vmem>>, vector<16xf32>,
      %get3A_394 = vector.shape_cast %get3A_393 : vector<16xf32> to vector<16xf32>
      %div3A_395 = arith.constant 1.000000e+00 : f32
      %div3A_396 = vector.broadcast %div3A_395 : f32 to vector<16xf32>
      %div3A_397 = arith.divf %div3A_396, %get3A_394 : vector<16xf32>
      %mul3A_398 = arith.mulf %scan3A_388#0, %div3A_397 : vector<16xf32>
      %mul3A_399 = arith.constant 32 : i32
      %mul3A_400 = arith.muli %add3A_381, %mul3A_399 : i32
      %swap3A_401 = arith.index_cast %mul3A_400 : i32 to index
      %swap3A_402 = tpu.vector_load %arg9[%swap3A_401] {strides = array<i32>} : memref<4096xf32, #tpu.memory_space<vmem>>, vector<16xf32>,
      %swap3A_403 = vector.shape_cast %swap3A_402 : vector<16xf32> to vector<16xf32>
      %swap3A_404 = vector.shape_cast %mul3A_398 : vector<16xf32> to vector<16xf32>
      tpu.vector_store %arg9[%swap3A_401], %swap3A_404 {strides = array<i32>} : memref<4096xf32, #tpu.memory_space<vmem>>, vector<16xf32>,
      %mul3A_405 = arith.mulf %scan3A_388#1, %div3A_397 : vector<16xf32>
      %mul3A_406 = arith.constant 32 : i32
      %mul3A_407 = arith.muli %add3A_381, %mul3A_406 : i32
      %add3A_408 = arith.constant 16 : i32
      %add3A_409 = arith.addi %mul3A_407, %add3A_408 : i32
      %swap3A_410 = arith.index_cast %add3A_409 : i32 to index
      %swap3A_411 = tpu.vector_load %arg9[%swap3A_410] {strides = array<i32>} : memref<4096xf32, #tpu.memory_space<vmem>>, vector<16xf32>,
      %swap3A_412 = vector.shape_cast %swap3A_411 : vector<16xf32> to vector<16xf32>
      %swap3A_413 = vector.shape_cast %mul3A_405 : vector<16xf32> to vector<16xf32>
      tpu.vector_store %arg9[%swap3A_410], %swap3A_413 {strides = array<i32>} : memref<4096xf32, #tpu.memory_space<vmem>>, vector<16xf32>,
      %add3A_414 = arith.constant 4 : i32
      %add3A_415 = arith.addi %mul3A_135, %add3A_414 : i32
      %add3A_416 = arith.constant 8 : i32
      %add3A_417 = arith.addi %add3A_415, %add3A_416 : i32
      %lt3A_418 = arith.constant 128 : i32
      %lt3A_419 = arith.cmpi slt, %add3A_417, %lt3A_418 : i32
      %convert_element_type3A_420 = arith.extui %lt3A_419 : i1 to i32
      %cond3A_421 = arith.constant 0 : i32
      %cond3A_422 = arith.cmpi ne, %convert_element_type3A_420, %cond3A_421 : i32
      scf.if %cond3A_422 {
        %add3A_601 = arith.constant 4 : i32
        %add3A_602 = arith.addi %mul3A_135, %add3A_601 : i32
        %add3A_603 = arith.constant 8 : i32
        %add3A_604 = arith.addi %add3A_602, %add3A_603 : i32
        %dma_start3A_605 = arith.constant 4 : i32
        %dma_start3A_606 = arith.constant 4 : i32
        %dma_start3A_607 = arith.constant 0 : i32
        %dma_start3A_608 = arith.constant 0 : i32
        %dma_start3A_609 = tpu.memref_slice %arg8[%dma_start3A_605, %dma_start3A_607, %dma_start3A_608] : memref<8x200x32xf32, #tpu.memory_space<vmem>> -> memref<1x200x32xf32, #tpu.memory_space<vmem>>
        %dma_start3A_610 = tpu.memref_squeeze %dma_start3A_609 : memref<1x200x32xf32, #tpu.memory_space<vmem>> -> memref<200x32xf32, #tpu.memory_space<vmem>>
        %dma_start3A_611 = arith.constant 0 : i32
        %dma_start3A_612 = tpu.memref_slice %arg6[%add3A_604, %dma_start3A_611] : memref<128x200xi32, #tpu.memory_space<vmem>> -> memref<1x200xi32, #tpu.memory_space<vmem>>
        %dma_start3A_613 = tpu.memref_squeeze %dma_start3A_612 : memref<1x200xi32, #tpu.memory_space<vmem>> -> memref<200xi32, #tpu.memory_space<vmem>>
        %dma_start3A_614 = arith.constant 0 : i32
        %dma_start3A_615 = arith.constant 0 : i32
        %dma_start3A_616 = tpu.memref_slice %arg4[%dma_start3A_614, %dma_start3A_615] : memref<1000000x32xf32, #tpu.memory_space<hbm>> -> memref<1000000x32xf32, #tpu.memory_space<hbm>>
        %dma_start3A_617 = tpu.memref_slice %arg10[%dma_start3A_606] : memref<8x!tpu.dma_semaphore, #tpu.memory_space<semaphore_mem>> -> memref<1x!tpu.dma_semaphore, #tpu.memory_space<semaphore_mem>>
        %dma_start3A_618 = tpu.memref_squeeze %dma_start3A_617 : memref<1x!tpu.dma_semaphore, #tpu.memory_space<semaphore_mem>> -> memref<!tpu.dma_semaphore, #tpu.memory_space<semaphore_mem>>
        tpu.enqueue_indirect_dma source(%dma_start3A_616 : memref<1000000x32xf32, #tpu.memory_space<hbm>>) target(%dma_start3A_610 : memref<200x32xf32, #tpu.memory_space<vmem>>) offsets(%dma_start3A_613 : memref<200xi32, #tpu.memory_space<vmem>>) semaphore(%dma_start3A_618 : memref<!tpu.dma_semaphore, #tpu.memory_space<semaphore_mem>>)
      } else {
      }
      %add3A_423 = arith.constant 5 : i32
      %add3A_424 = arith.addi %mul3A_135, %add3A_423 : i32
      %dma_wait3A_425 = arith.constant 5 : i32
      %dma_wait3A_426 = arith.constant 5 : i32
      %dma_wait3A_427 = arith.constant 0 : i32
      %dma_wait3A_428 = arith.constant 0 : i32
      %dma_wait3A_429 = tpu.memref_slice %arg8[%dma_wait3A_425, %dma_wait3A_427, %dma_wait3A_428] : memref<8x200x32xf32, #tpu.memory_space<vmem>> -> memref<1x200x32xf32, #tpu.memory_space<vmem>>
      %dma_wait3A_430 = tpu.memref_squeeze %dma_wait3A_429 : memref<1x200x32xf32, #tpu.memory_space<vmem>> -> memref<200x32xf32, #tpu.memory_space<vmem>>
      %dma_wait3A_431 = arith.constant 0 : i32
      %dma_wait3A_432 = tpu.memref_slice %arg6[%add3A_424, %dma_wait3A_431] : memref<128x200xi32, #tpu.memory_space<vmem>> -> memref<1x200xi32, #tpu.memory_space<vmem>>
      %dma_wait3A_433 = tpu.memref_squeeze %dma_wait3A_432 : memref<1x200xi32, #tpu.memory_space<vmem>> -> memref<200xi32, #tpu.memory_space<vmem>>
      %dma_wait3A_434 = arith.constant 0 : i32
      %dma_wait3A_435 = arith.constant 0 : i32
      %dma_wait3A_436 = tpu.memref_slice %arg4[%dma_wait3A_434, %dma_wait3A_435] : memref<1000000x32xf32, #tpu.memory_space<hbm>> -> memref<1000000x32xf32, #tpu.memory_space<hbm>>
      %dma_wait3A_437 = tpu.memref_slice %arg10[%dma_wait3A_426] : memref<8x!tpu.dma_semaphore, #tpu.memory_space<semaphore_mem>> -> memref<1x!tpu.dma_semaphore, #tpu.memory_space<semaphore_mem>>
      %dma_wait3A_438 = tpu.memref_squeeze %dma_wait3A_437 : memref<1x!tpu.dma_semaphore, #tpu.memory_space<semaphore_mem>> -> memref<!tpu.dma_semaphore, #tpu.memory_space<semaphore_mem>>
      tpu.wait_indirect_dma semaphore(%dma_wait3A_438 : memref<!tpu.dma_semaphore, #tpu.memory_space<semaphore_mem>>) src(%dma_wait3A_436 : memref<1000000x32xf32, #tpu.memory_space<hbm>>) dst(%dma_wait3A_430 : memref<200x32xf32, #tpu.memory_space<vmem>>)
      %add3A_439 = arith.constant 5 : i32
      %add3A_440 = arith.addi %mul3A_135, %add3A_439 : i32
      %broadcast_in_dim3A_441 = arith.constant 0.000000e+00 : f32
      %broadcast_in_dim3A_442 = vector.broadcast %broadcast_in_dim3A_441 : f32 to vector<16xf32>
      %scan3A_443 = arith.constant 0 : i32
      %scan3A_444 = arith.constant 25 : i32
      %scan3A_445 = arith.addi %scan3A_443, %scan3A_444 : i32
      %scan3A_446 = arith.constant 1 : i32
      %scan3A_447:2 = scf.for %scan3A_601 = %scan3A_443 to %scan3A_445 step %scan3A_446 iter_args(%scan3A_602 = %broadcast_in_dim3A_442, %scan3A_603 = %broadcast_in_dim3A_442) -> (vector<16xf32>, vector<16xf32>)  : i32 {
        %mul3A_604 = arith.constant 8 : i32
        %mul3A_605 = arith.muli %scan3A_601, %mul3A_604 : i32
        %add3A_606 = arith.constant 0 : i32
        %add3A_607 = arith.addi %mul3A_605, %add3A_606 : i32
        %get3A_608 = arith.constant 5 : i32
        %get3A_609 = arith.index_cast %get3A_608 : i32 to index
        %get3A_610 = arith.index_cast %add3A_607 : i32 to index
        %get3A_611 = arith.constant 0 : index
        %get3A_612 = tpu.vector_load %arg8[%get3A_609, %get3A_610, %get3A_611] {strides = array<i32>} : memref<8x200x32xf32, #tpu.memory_space<vmem>>, vector<1x1x16xf32>,
        %get3A_613 = vector.shape_cast %get3A_612 : vector<1x1x16xf32> to vector<16xf32>
        %add3A_614 = arith.addf %scan3A_602, %get3A_613 : vector<16xf32>
        %add3A_615 = arith.constant 0 : i32
        %add3A_616 = arith.addi %mul3A_605, %add3A_615 : i32
        %get3A_617 = arith.constant 5 : i32
        %get3A_618 = arith.index_cast %get3A_617 : i32 to index
        %get3A_619 = arith.index_cast %add3A_616 : i32 to index
        %get3A_620 = arith.constant 16 : index
        %get3A_621 = tpu.vector_load %arg8[%get3A_618, %get3A_619, %get3A_620] {strides = array<i32>} : memref<8x200x32xf32, #tpu.memory_space<vmem>>, vector<1x1x16xf32>,
        %get3A_622 = vector.shape_cast %get3A_621 : vector<1x1x16xf32> to vector<16xf32>
        %add3A_623 = arith.addf %scan3A_603, %get3A_622 : vector<16xf32>
        %add3A_624 = arith.constant 1 : i32
        %add3A_625 = arith.addi %mul3A_605, %add3A_624 : i32
        %get3A_626 = arith.constant 5 : i32
        %get3A_627 = arith.index_cast %get3A_626 : i32 to index
        %get3A_628 = arith.index_cast %add3A_625 : i32 to index
        %get3A_629 = arith.constant 0 : index
        %get3A_630 = tpu.vector_load %arg8[%get3A_627, %get3A_628, %get3A_629] {strides = array<i32>} : memref<8x200x32xf32, #tpu.memory_space<vmem>>, vector<1x1x16xf32>,
        %get3A_631 = vector.shape_cast %get3A_630 : vector<1x1x16xf32> to vector<16xf32>
        %add3A_632 = arith.addf %add3A_614, %get3A_631 : vector<16xf32>
        %add3A_633 = arith.constant 1 : i32
        %add3A_634 = arith.addi %mul3A_605, %add3A_633 : i32
        %get3A_635 = arith.constant 5 : i32
        %get3A_636 = arith.index_cast %get3A_635 : i32 to index
        %get3A_637 = arith.index_cast %add3A_634 : i32 to index
        %get3A_638 = arith.constant 16 : index
        %get3A_639 = tpu.vector_load %arg8[%get3A_636, %get3A_637, %get3A_638] {strides = array<i32>} : memref<8x200x32xf32, #tpu.memory_space<vmem>>, vector<1x1x16xf32>,
        %get3A_640 = vector.shape_cast %get3A_639 : vector<1x1x16xf32> to vector<16xf32>
        %add3A_641 = arith.addf %add3A_623, %get3A_640 : vector<16xf32>
        %add3A_642 = arith.constant 2 : i32
        %add3A_643 = arith.addi %mul3A_605, %add3A_642 : i32
        %get3A_644 = arith.constant 5 : i32
        %get3A_645 = arith.index_cast %get3A_644 : i32 to index
        %get3A_646 = arith.index_cast %add3A_643 : i32 to index
        %get3A_647 = arith.constant 0 : index
        %get3A_648 = tpu.vector_load %arg8[%get3A_645, %get3A_646, %get3A_647] {strides = array<i32>} : memref<8x200x32xf32, #tpu.memory_space<vmem>>, vector<1x1x16xf32>,
        %get3A_649 = vector.shape_cast %get3A_648 : vector<1x1x16xf32> to vector<16xf32>
        %add3A_650 = arith.addf %add3A_632, %get3A_649 : vector<16xf32>
        %add3A_651 = arith.constant 2 : i32
        %add3A_652 = arith.addi %mul3A_605, %add3A_651 : i32
        %get3A_653 = arith.constant 5 : i32
        %get3A_654 = arith.index_cast %get3A_653 : i32 to index
        %get3A_655 = arith.index_cast %add3A_652 : i32 to index
        %get3A_656 = arith.constant 16 : index
        %get3A_657 = tpu.vector_load %arg8[%get3A_654, %get3A_655, %get3A_656] {strides = array<i32>} : memref<8x200x32xf32, #tpu.memory_space<vmem>>, vector<1x1x16xf32>,
        %get3A_658 = vector.shape_cast %get3A_657 : vector<1x1x16xf32> to vector<16xf32>
        %add3A_659 = arith.addf %add3A_641, %get3A_658 : vector<16xf32>
        %add3A_660 = arith.constant 3 : i32
        %add3A_661 = arith.addi %mul3A_605, %add3A_660 : i32
        %get3A_662 = arith.constant 5 : i32
        %get3A_663 = arith.index_cast %get3A_662 : i32 to index
        %get3A_664 = arith.index_cast %add3A_661 : i32 to index
        %get3A_665 = arith.constant 0 : index
        %get3A_666 = tpu.vector_load %arg8[%get3A_663, %get3A_664, %get3A_665] {strides = array<i32>} : memref<8x200x32xf32, #tpu.memory_space<vmem>>, vector<1x1x16xf32>,
        %get3A_667 = vector.shape_cast %get3A_666 : vector<1x1x16xf32> to vector<16xf32>
        %add3A_668 = arith.addf %add3A_650, %get3A_667 : vector<16xf32>
        %add3A_669 = arith.constant 3 : i32
        %add3A_670 = arith.addi %mul3A_605, %add3A_669 : i32
        %get3A_671 = arith.constant 5 : i32
        %get3A_672 = arith.index_cast %get3A_671 : i32 to index
        %get3A_673 = arith.index_cast %add3A_670 : i32 to index
        %get3A_674 = arith.constant 16 : index
        %get3A_675 = tpu.vector_load %arg8[%get3A_672, %get3A_673, %get3A_674] {strides = array<i32>} : memref<8x200x32xf32, #tpu.memory_space<vmem>>, vector<1x1x16xf32>,
        %get3A_676 = vector.shape_cast %get3A_675 : vector<1x1x16xf32> to vector<16xf32>
        %add3A_677 = arith.addf %add3A_659, %get3A_676 : vector<16xf32>
        %add3A_678 = arith.constant 4 : i32
        %add3A_679 = arith.addi %mul3A_605, %add3A_678 : i32
        %get3A_680 = arith.constant 5 : i32
        %get3A_681 = arith.index_cast %get3A_680 : i32 to index
        %get3A_682 = arith.index_cast %add3A_679 : i32 to index
        %get3A_683 = arith.constant 0 : index
        %get3A_684 = tpu.vector_load %arg8[%get3A_681, %get3A_682, %get3A_683] {strides = array<i32>} : memref<8x200x32xf32, #tpu.memory_space<vmem>>, vector<1x1x16xf32>,
        %get3A_685 = vector.shape_cast %get3A_684 : vector<1x1x16xf32> to vector<16xf32>
        %add3A_686 = arith.addf %add3A_668, %get3A_685 : vector<16xf32>
        %add3A_687 = arith.constant 4 : i32
        %add3A_688 = arith.addi %mul3A_605, %add3A_687 : i32
        %get3A_689 = arith.constant 5 : i32
        %get3A_690 = arith.index_cast %get3A_689 : i32 to index
        %get3A_691 = arith.index_cast %add3A_688 : i32 to index
        %get3A_692 = arith.constant 16 : index
        %get3A_693 = tpu.vector_load %arg8[%get3A_690, %get3A_691, %get3A_692] {strides = array<i32>} : memref<8x200x32xf32, #tpu.memory_space<vmem>>, vector<1x1x16xf32>,
        %get3A_694 = vector.shape_cast %get3A_693 : vector<1x1x16xf32> to vector<16xf32>
        %add3A_695 = arith.addf %add3A_677, %get3A_694 : vector<16xf32>
        %add3A_696 = arith.constant 5 : i32
        %add3A_697 = arith.addi %mul3A_605, %add3A_696 : i32
        %get3A_698 = arith.constant 5 : i32
        %get3A_699 = arith.index_cast %get3A_698 : i32 to index
        %get3A_700 = arith.index_cast %add3A_697 : i32 to index
        %get3A_701 = arith.constant 0 : index
        %get3A_702 = tpu.vector_load %arg8[%get3A_699, %get3A_700, %get3A_701] {strides = array<i32>} : memref<8x200x32xf32, #tpu.memory_space<vmem>>, vector<1x1x16xf32>,
        %get3A_703 = vector.shape_cast %get3A_702 : vector<1x1x16xf32> to vector<16xf32>
        %add3A_704 = arith.addf %add3A_686, %get3A_703 : vector<16xf32>
        %add3A_705 = arith.constant 5 : i32
        %add3A_706 = arith.addi %mul3A_605, %add3A_705 : i32
        %get3A_707 = arith.constant 5 : i32
        %get3A_708 = arith.index_cast %get3A_707 : i32 to index
        %get3A_709 = arith.index_cast %add3A_706 : i32 to index
        %get3A_710 = arith.constant 16 : index
        %get3A_711 = tpu.vector_load %arg8[%get3A_708, %get3A_709, %get3A_710] {strides = array<i32>} : memref<8x200x32xf32, #tpu.memory_space<vmem>>, vector<1x1x16xf32>,
        %get3A_712 = vector.shape_cast %get3A_711 : vector<1x1x16xf32> to vector<16xf32>
        %add3A_713 = arith.addf %add3A_695, %get3A_712 : vector<16xf32>
        %add3A_714 = arith.constant 6 : i32
        %add3A_715 = arith.addi %mul3A_605, %add3A_714 : i32
        %get3A_716 = arith.constant 5 : i32
        %get3A_717 = arith.index_cast %get3A_716 : i32 to index
        %get3A_718 = arith.index_cast %add3A_715 : i32 to index
        %get3A_719 = arith.constant 0 : index
        %get3A_720 = tpu.vector_load %arg8[%get3A_717, %get3A_718, %get3A_719] {strides = array<i32>} : memref<8x200x32xf32, #tpu.memory_space<vmem>>, vector<1x1x16xf32>,
        %get3A_721 = vector.shape_cast %get3A_720 : vector<1x1x16xf32> to vector<16xf32>
        %add3A_722 = arith.addf %add3A_704, %get3A_721 : vector<16xf32>
        %add3A_723 = arith.constant 6 : i32
        %add3A_724 = arith.addi %mul3A_605, %add3A_723 : i32
        %get3A_725 = arith.constant 5 : i32
        %get3A_726 = arith.index_cast %get3A_725 : i32 to index
        %get3A_727 = arith.index_cast %add3A_724 : i32 to index
        %get3A_728 = arith.constant 16 : index
        %get3A_729 = tpu.vector_load %arg8[%get3A_726, %get3A_727, %get3A_728] {strides = array<i32>} : memref<8x200x32xf32, #tpu.memory_space<vmem>>, vector<1x1x16xf32>,
        %get3A_730 = vector.shape_cast %get3A_729 : vector<1x1x16xf32> to vector<16xf32>
        %add3A_731 = arith.addf %add3A_713, %get3A_730 : vector<16xf32>
        %add3A_732 = arith.constant 7 : i32
        %add3A_733 = arith.addi %mul3A_605, %add3A_732 : i32
        %get3A_734 = arith.constant 5 : i32
        %get3A_735 = arith.index_cast %get3A_734 : i32 to index
        %get3A_736 = arith.index_cast %add3A_733 : i32 to index
        %get3A_737 = arith.constant 0 : index
        %get3A_738 = tpu.vector_load %arg8[%get3A_735, %get3A_736, %get3A_737] {strides = array<i32>} : memref<8x200x32xf32, #tpu.memory_space<vmem>>, vector<1x1x16xf32>,
        %get3A_739 = vector.shape_cast %get3A_738 : vector<1x1x16xf32> to vector<16xf32>
        %add3A_740 = arith.addf %add3A_722, %get3A_739 : vector<16xf32>
        %add3A_741 = arith.constant 7 : i32
        %add3A_742 = arith.addi %mul3A_605, %add3A_741 : i32
        %get3A_743 = arith.constant 5 : i32
        %get3A_744 = arith.index_cast %get3A_743 : i32 to index
        %get3A_745 = arith.index_cast %add3A_742 : i32 to index
        %get3A_746 = arith.constant 16 : index
        %get3A_747 = tpu.vector_load %arg8[%get3A_744, %get3A_745, %get3A_746] {strides = array<i32>} : memref<8x200x32xf32, #tpu.memory_space<vmem>>, vector<1x1x16xf32>,
        %get3A_748 = vector.shape_cast %get3A_747 : vector<1x1x16xf32> to vector<16xf32>
        %add3A_749 = arith.addf %add3A_731, %get3A_748 : vector<16xf32>
        scf.yield %add3A_740, %add3A_749 : vector<16xf32>, vector<16xf32>
      }
      %scan3A_448 = arith.constant 25 : i32
      %mul3A_449 = arith.constant 16 : i32
      %mul3A_450 = arith.muli %add3A_440, %mul3A_449 : i32
      %get3A_451 = arith.index_cast %mul3A_450 : i32 to index
      %get3A_452 = tpu.vector_load %arg7[%get3A_451] {strides = array<i32>} : memref<2048xf32, #tpu.memory_space<vmem>>, vector<16xf32>,
      %get3A_453 = vector.shape_cast %get3A_452 : vector<16xf32> to vector<16xf32>
      %div3A_454 = arith.constant 1.000000e+00 : f32
      %div3A_455 = vector.broadcast %div3A_454 : f32 to vector<16xf32>
      %div3A_456 = arith.divf %div3A_455, %get3A_453 : vector<16xf32>
      %mul3A_457 = arith.mulf %scan3A_447#0, %div3A_456 : vector<16xf32>
      %mul3A_458 = arith.constant 32 : i32
      %mul3A_459 = arith.muli %add3A_440, %mul3A_458 : i32
      %swap3A_460 = arith.index_cast %mul3A_459 : i32 to index
      %swap3A_461 = tpu.vector_load %arg9[%swap3A_460] {strides = array<i32>} : memref<4096xf32, #tpu.memory_space<vmem>>, vector<16xf32>,
      %swap3A_462 = vector.shape_cast %swap3A_461 : vector<16xf32> to vector<16xf32>
      %swap3A_463 = vector.shape_cast %mul3A_457 : vector<16xf32> to vector<16xf32>
      tpu.vector_store %arg9[%swap3A_460], %swap3A_463 {strides = array<i32>} : memref<4096xf32, #tpu.memory_space<vmem>>, vector<16xf32>,
      %mul3A_464 = arith.mulf %scan3A_447#1, %div3A_456 : vector<16xf32>
      %mul3A_465 = arith.constant 32 : i32
      %mul3A_466 = arith.muli %add3A_440, %mul3A_465 : i32
      %add3A_467 = arith.constant 16 : i32
      %add3A_468 = arith.addi %mul3A_466, %add3A_467 : i32
      %swap3A_469 = arith.index_cast %add3A_468 : i32 to index
      %swap3A_470 = tpu.vector_load %arg9[%swap3A_469] {strides = array<i32>} : memref<4096xf32, #tpu.memory_space<vmem>>, vector<16xf32>,
      %swap3A_471 = vector.shape_cast %swap3A_470 : vector<16xf32> to vector<16xf32>
      %swap3A_472 = vector.shape_cast %mul3A_464 : vector<16xf32> to vector<16xf32>
      tpu.vector_store %arg9[%swap3A_469], %swap3A_472 {strides = array<i32>} : memref<4096xf32, #tpu.memory_space<vmem>>, vector<16xf32>,
      %add3A_473 = arith.constant 5 : i32
      %add3A_474 = arith.addi %mul3A_135, %add3A_473 : i32
      %add3A_475 = arith.constant 8 : i32
      %add3A_476 = arith.addi %add3A_474, %add3A_475 : i32
      %lt3A_477 = arith.constant 128 : i32
      %lt3A_478 = arith.cmpi slt, %add3A_476, %lt3A_477 : i32
      %convert_element_type3A_479 = arith.extui %lt3A_478 : i1 to i32
      %cond3A_480 = arith.constant 0 : i32
      %cond3A_481 = arith.cmpi ne, %convert_element_type3A_479, %cond3A_480 : i32
      scf.if %cond3A_481 {
        %add3A_601 = arith.constant 5 : i32
        %add3A_602 = arith.addi %mul3A_135, %add3A_601 : i32
        %add3A_603 = arith.constant 8 : i32
        %add3A_604 = arith.addi %add3A_602, %add3A_603 : i32
        %dma_start3A_605 = arith.constant 5 : i32
        %dma_start3A_606 = arith.constant 5 : i32
        %dma_start3A_607 = arith.constant 0 : i32
        %dma_start3A_608 = arith.constant 0 : i32
        %dma_start3A_609 = tpu.memref_slice %arg8[%dma_start3A_605, %dma_start3A_607, %dma_start3A_608] : memref<8x200x32xf32, #tpu.memory_space<vmem>> -> memref<1x200x32xf32, #tpu.memory_space<vmem>>
        %dma_start3A_610 = tpu.memref_squeeze %dma_start3A_609 : memref<1x200x32xf32, #tpu.memory_space<vmem>> -> memref<200x32xf32, #tpu.memory_space<vmem>>
        %dma_start3A_611 = arith.constant 0 : i32
        %dma_start3A_612 = tpu.memref_slice %arg6[%add3A_604, %dma_start3A_611] : memref<128x200xi32, #tpu.memory_space<vmem>> -> memref<1x200xi32, #tpu.memory_space<vmem>>
        %dma_start3A_613 = tpu.memref_squeeze %dma_start3A_612 : memref<1x200xi32, #tpu.memory_space<vmem>> -> memref<200xi32, #tpu.memory_space<vmem>>
        %dma_start3A_614 = arith.constant 0 : i32
        %dma_start3A_615 = arith.constant 0 : i32
        %dma_start3A_616 = tpu.memref_slice %arg4[%dma_start3A_614, %dma_start3A_615] : memref<1000000x32xf32, #tpu.memory_space<hbm>> -> memref<1000000x32xf32, #tpu.memory_space<hbm>>
        %dma_start3A_617 = tpu.memref_slice %arg10[%dma_start3A_606] : memref<8x!tpu.dma_semaphore, #tpu.memory_space<semaphore_mem>> -> memref<1x!tpu.dma_semaphore, #tpu.memory_space<semaphore_mem>>
        %dma_start3A_618 = tpu.memref_squeeze %dma_start3A_617 : memref<1x!tpu.dma_semaphore, #tpu.memory_space<semaphore_mem>> -> memref<!tpu.dma_semaphore, #tpu.memory_space<semaphore_mem>>
        tpu.enqueue_indirect_dma source(%dma_start3A_616 : memref<1000000x32xf32, #tpu.memory_space<hbm>>) target(%dma_start3A_610 : memref<200x32xf32, #tpu.memory_space<vmem>>) offsets(%dma_start3A_613 : memref<200xi32, #tpu.memory_space<vmem>>) semaphore(%dma_start3A_618 : memref<!tpu.dma_semaphore, #tpu.memory_space<semaphore_mem>>)
      } else {
      }
      %add3A_482 = arith.constant 6 : i32
      %add3A_483 = arith.addi %mul3A_135, %add3A_482 : i32
      %dma_wait3A_484 = arith.constant 6 : i32
      %dma_wait3A_485 = arith.constant 6 : i32
      %dma_wait3A_486 = arith.constant 0 : i32
      %dma_wait3A_487 = arith.constant 0 : i32
      %dma_wait3A_488 = tpu.memref_slice %arg8[%dma_wait3A_484, %dma_wait3A_486, %dma_wait3A_487] : memref<8x200x32xf32, #tpu.memory_space<vmem>> -> memref<1x200x32xf32, #tpu.memory_space<vmem>>
      %dma_wait3A_489 = tpu.memref_squeeze %dma_wait3A_488 : memref<1x200x32xf32, #tpu.memory_space<vmem>> -> memref<200x32xf32, #tpu.memory_space<vmem>>
      %dma_wait3A_490 = arith.constant 0 : i32
      %dma_wait3A_491 = tpu.memref_slice %arg6[%add3A_483, %dma_wait3A_490] : memref<128x200xi32, #tpu.memory_space<vmem>> -> memref<1x200xi32, #tpu.memory_space<vmem>>
      %dma_wait3A_492 = tpu.memref_squeeze %dma_wait3A_491 : memref<1x200xi32, #tpu.memory_space<vmem>> -> memref<200xi32, #tpu.memory_space<vmem>>
      %dma_wait3A_493 = arith.constant 0 : i32
      %dma_wait3A_494 = arith.constant 0 : i32
      %dma_wait3A_495 = tpu.memref_slice %arg4[%dma_wait3A_493, %dma_wait3A_494] : memref<1000000x32xf32, #tpu.memory_space<hbm>> -> memref<1000000x32xf32, #tpu.memory_space<hbm>>
      %dma_wait3A_496 = tpu.memref_slice %arg10[%dma_wait3A_485] : memref<8x!tpu.dma_semaphore, #tpu.memory_space<semaphore_mem>> -> memref<1x!tpu.dma_semaphore, #tpu.memory_space<semaphore_mem>>
      %dma_wait3A_497 = tpu.memref_squeeze %dma_wait3A_496 : memref<1x!tpu.dma_semaphore, #tpu.memory_space<semaphore_mem>> -> memref<!tpu.dma_semaphore, #tpu.memory_space<semaphore_mem>>
      tpu.wait_indirect_dma semaphore(%dma_wait3A_497 : memref<!tpu.dma_semaphore, #tpu.memory_space<semaphore_mem>>) src(%dma_wait3A_495 : memref<1000000x32xf32, #tpu.memory_space<hbm>>) dst(%dma_wait3A_489 : memref<200x32xf32, #tpu.memory_space<vmem>>)
      %add3A_498 = arith.constant 6 : i32
      %add3A_499 = arith.addi %mul3A_135, %add3A_498 : i32
      %broadcast_in_dim3A_500 = arith.constant 0.000000e+00 : f32
      %broadcast_in_dim3A_501 = vector.broadcast %broadcast_in_dim3A_500 : f32 to vector<16xf32>
      %scan3A_502 = arith.constant 0 : i32
      %scan3A_503 = arith.constant 25 : i32
      %scan3A_504 = arith.addi %scan3A_502, %scan3A_503 : i32
      %scan3A_505 = arith.constant 1 : i32
      %scan3A_506:2 = scf.for %scan3A_601 = %scan3A_502 to %scan3A_504 step %scan3A_505 iter_args(%scan3A_602 = %broadcast_in_dim3A_501, %scan3A_603 = %broadcast_in_dim3A_501) -> (vector<16xf32>, vector<16xf32>)  : i32 {
        %mul3A_604 = arith.constant 8 : i32
        %mul3A_605 = arith.muli %scan3A_601, %mul3A_604 : i32
        %add3A_606 = arith.constant 0 : i32
        %add3A_607 = arith.addi %mul3A_605, %add3A_606 : i32
        %get3A_608 = arith.constant 6 : i32
        %get3A_609 = arith.index_cast %get3A_608 : i32 to index
        %get3A_610 = arith.index_cast %add3A_607 : i32 to index
        %get3A_611 = arith.constant 0 : index
        %get3A_612 = tpu.vector_load %arg8[%get3A_609, %get3A_610, %get3A_611] {strides = array<i32>} : memref<8x200x32xf32, #tpu.memory_space<vmem>>, vector<1x1x16xf32>,
        %get3A_613 = vector.shape_cast %get3A_612 : vector<1x1x16xf32> to vector<16xf32>
        %add3A_614 = arith.addf %scan3A_602, %get3A_613 : vector<16xf32>
        %add3A_615 = arith.constant 0 : i32
        %add3A_616 = arith.addi %mul3A_605, %add3A_615 : i32
        %get3A_617 = arith.constant 6 : i32
        %get3A_618 = arith.index_cast %get3A_617 : i32 to index
        %get3A_619 = arith.index_cast %add3A_616 : i32 to index
        %get3A_620 = arith.constant 16 : index
        %get3A_621 = tpu.vector_load %arg8[%get3A_618, %get3A_619, %get3A_620] {strides = array<i32>} : memref<8x200x32xf32, #tpu.memory_space<vmem>>, vector<1x1x16xf32>,
        %get3A_622 = vector.shape_cast %get3A_621 : vector<1x1x16xf32> to vector<16xf32>
        %add3A_623 = arith.addf %scan3A_603, %get3A_622 : vector<16xf32>
        %add3A_624 = arith.constant 1 : i32
        %add3A_625 = arith.addi %mul3A_605, %add3A_624 : i32
        %get3A_626 = arith.constant 6 : i32
        %get3A_627 = arith.index_cast %get3A_626 : i32 to index
        %get3A_628 = arith.index_cast %add3A_625 : i32 to index
        %get3A_629 = arith.constant 0 : index
        %get3A_630 = tpu.vector_load %arg8[%get3A_627, %get3A_628, %get3A_629] {strides = array<i32>} : memref<8x200x32xf32, #tpu.memory_space<vmem>>, vector<1x1x16xf32>,
        %get3A_631 = vector.shape_cast %get3A_630 : vector<1x1x16xf32> to vector<16xf32>
        %add3A_632 = arith.addf %add3A_614, %get3A_631 : vector<16xf32>
        %add3A_633 = arith.constant 1 : i32
        %add3A_634 = arith.addi %mul3A_605, %add3A_633 : i32
        %get3A_635 = arith.constant 6 : i32
        %get3A_636 = arith.index_cast %get3A_635 : i32 to index
        %get3A_637 = arith.index_cast %add3A_634 : i32 to index
        %get3A_638 = arith.constant 16 : index
        %get3A_639 = tpu.vector_load %arg8[%get3A_636, %get3A_637, %get3A_638] {strides = array<i32>} : memref<8x200x32xf32, #tpu.memory_space<vmem>>, vector<1x1x16xf32>,
        %get3A_640 = vector.shape_cast %get3A_639 : vector<1x1x16xf32> to vector<16xf32>
        %add3A_641 = arith.addf %add3A_623, %get3A_640 : vector<16xf32>
        %add3A_642 = arith.constant 2 : i32
        %add3A_643 = arith.addi %mul3A_605, %add3A_642 : i32
        %get3A_644 = arith.constant 6 : i32
        %get3A_645 = arith.index_cast %get3A_644 : i32 to index
        %get3A_646 = arith.index_cast %add3A_643 : i32 to index
        %get3A_647 = arith.constant 0 : index
        %get3A_648 = tpu.vector_load %arg8[%get3A_645, %get3A_646, %get3A_647] {strides = array<i32>} : memref<8x200x32xf32, #tpu.memory_space<vmem>>, vector<1x1x16xf32>,
        %get3A_649 = vector.shape_cast %get3A_648 : vector<1x1x16xf32> to vector<16xf32>
        %add3A_650 = arith.addf %add3A_632, %get3A_649 : vector<16xf32>
        %add3A_651 = arith.constant 2 : i32
        %add3A_652 = arith.addi %mul3A_605, %add3A_651 : i32
        %get3A_653 = arith.constant 6 : i32
        %get3A_654 = arith.index_cast %get3A_653 : i32 to index
        %get3A_655 = arith.index_cast %add3A_652 : i32 to index
        %get3A_656 = arith.constant 16 : index
        %get3A_657 = tpu.vector_load %arg8[%get3A_654, %get3A_655, %get3A_656] {strides = array<i32>} : memref<8x200x32xf32, #tpu.memory_space<vmem>>, vector<1x1x16xf32>,
        %get3A_658 = vector.shape_cast %get3A_657 : vector<1x1x16xf32> to vector<16xf32>
        %add3A_659 = arith.addf %add3A_641, %get3A_658 : vector<16xf32>
        %add3A_660 = arith.constant 3 : i32
        %add3A_661 = arith.addi %mul3A_605, %add3A_660 : i32
        %get3A_662 = arith.constant 6 : i32
        %get3A_663 = arith.index_cast %get3A_662 : i32 to index
        %get3A_664 = arith.index_cast %add3A_661 : i32 to index
        %get3A_665 = arith.constant 0 : index
        %get3A_666 = tpu.vector_load %arg8[%get3A_663, %get3A_664, %get3A_665] {strides = array<i32>} : memref<8x200x32xf32, #tpu.memory_space<vmem>>, vector<1x1x16xf32>,
        %get3A_667 = vector.shape_cast %get3A_666 : vector<1x1x16xf32> to vector<16xf32>
        %add3A_668 = arith.addf %add3A_650, %get3A_667 : vector<16xf32>
        %add3A_669 = arith.constant 3 : i32
        %add3A_670 = arith.addi %mul3A_605, %add3A_669 : i32
        %get3A_671 = arith.constant 6 : i32
        %get3A_672 = arith.index_cast %get3A_671 : i32 to index
        %get3A_673 = arith.index_cast %add3A_670 : i32 to index
        %get3A_674 = arith.constant 16 : index
        %get3A_675 = tpu.vector_load %arg8[%get3A_672, %get3A_673, %get3A_674] {strides = array<i32>} : memref<8x200x32xf32, #tpu.memory_space<vmem>>, vector<1x1x16xf32>,
        %get3A_676 = vector.shape_cast %get3A_675 : vector<1x1x16xf32> to vector<16xf32>
        %add3A_677 = arith.addf %add3A_659, %get3A_676 : vector<16xf32>
        %add3A_678 = arith.constant 4 : i32
        %add3A_679 = arith.addi %mul3A_605, %add3A_678 : i32
        %get3A_680 = arith.constant 6 : i32
        %get3A_681 = arith.index_cast %get3A_680 : i32 to index
        %get3A_682 = arith.index_cast %add3A_679 : i32 to index
        %get3A_683 = arith.constant 0 : index
        %get3A_684 = tpu.vector_load %arg8[%get3A_681, %get3A_682, %get3A_683] {strides = array<i32>} : memref<8x200x32xf32, #tpu.memory_space<vmem>>, vector<1x1x16xf32>,
        %get3A_685 = vector.shape_cast %get3A_684 : vector<1x1x16xf32> to vector<16xf32>
        %add3A_686 = arith.addf %add3A_668, %get3A_685 : vector<16xf32>
        %add3A_687 = arith.constant 4 : i32
        %add3A_688 = arith.addi %mul3A_605, %add3A_687 : i32
        %get3A_689 = arith.constant 6 : i32
        %get3A_690 = arith.index_cast %get3A_689 : i32 to index
        %get3A_691 = arith.index_cast %add3A_688 : i32 to index
        %get3A_692 = arith.constant 16 : index
        %get3A_693 = tpu.vector_load %arg8[%get3A_690, %get3A_691, %get3A_692] {strides = array<i32>} : memref<8x200x32xf32, #tpu.memory_space<vmem>>, vector<1x1x16xf32>,
        %get3A_694 = vector.shape_cast %get3A_693 : vector<1x1x16xf32> to vector<16xf32>
        %add3A_695 = arith.addf %add3A_677, %get3A_694 : vector<16xf32>
        %add3A_696 = arith.constant 5 : i32
        %add3A_697 = arith.addi %mul3A_605, %add3A_696 : i32
        %get3A_698 = arith.constant 6 : i32
        %get3A_699 = arith.index_cast %get3A_698 : i32 to index
        %get3A_700 = arith.index_cast %add3A_697 : i32 to index
        %get3A_701 = arith.constant 0 : index
        %get3A_702 = tpu.vector_load %arg8[%get3A_699, %get3A_700, %get3A_701] {strides = array<i32>} : memref<8x200x32xf32, #tpu.memory_space<vmem>>, vector<1x1x16xf32>,
        %get3A_703 = vector.shape_cast %get3A_702 : vector<1x1x16xf32> to vector<16xf32>
        %add3A_704 = arith.addf %add3A_686, %get3A_703 : vector<16xf32>
        %add3A_705 = arith.constant 5 : i32
        %add3A_706 = arith.addi %mul3A_605, %add3A_705 : i32
        %get3A_707 = arith.constant 6 : i32
        %get3A_708 = arith.index_cast %get3A_707 : i32 to index
        %get3A_709 = arith.index_cast %add3A_706 : i32 to index
        %get3A_710 = arith.constant 16 : index
        %get3A_711 = tpu.vector_load %arg8[%get3A_708, %get3A_709, %get3A_710] {strides = array<i32>} : memref<8x200x32xf32, #tpu.memory_space<vmem>>, vector<1x1x16xf32>,
        %get3A_712 = vector.shape_cast %get3A_711 : vector<1x1x16xf32> to vector<16xf32>
        %add3A_713 = arith.addf %add3A_695, %get3A_712 : vector<16xf32>
        %add3A_714 = arith.constant 6 : i32
        %add3A_715 = arith.addi %mul3A_605, %add3A_714 : i32
        %get3A_716 = arith.constant 6 : i32
        %get3A_717 = arith.index_cast %get3A_716 : i32 to index
        %get3A_718 = arith.index_cast %add3A_715 : i32 to index
        %get3A_719 = arith.constant 0 : index
        %get3A_720 = tpu.vector_load %arg8[%get3A_717, %get3A_718, %get3A_719] {strides = array<i32>} : memref<8x200x32xf32, #tpu.memory_space<vmem>>, vector<1x1x16xf32>,
        %get3A_721 = vector.shape_cast %get3A_720 : vector<1x1x16xf32> to vector<16xf32>
        %add3A_722 = arith.addf %add3A_704, %get3A_721 : vector<16xf32>
        %add3A_723 = arith.constant 6 : i32
        %add3A_724 = arith.addi %mul3A_605, %add3A_723 : i32
        %get3A_725 = arith.constant 6 : i32
        %get3A_726 = arith.index_cast %get3A_725 : i32 to index
        %get3A_727 = arith.index_cast %add3A_724 : i32 to index
        %get3A_728 = arith.constant 16 : index
        %get3A_729 = tpu.vector_load %arg8[%get3A_726, %get3A_727, %get3A_728] {strides = array<i32>} : memref<8x200x32xf32, #tpu.memory_space<vmem>>, vector<1x1x16xf32>,
        %get3A_730 = vector.shape_cast %get3A_729 : vector<1x1x16xf32> to vector<16xf32>
        %add3A_731 = arith.addf %add3A_713, %get3A_730 : vector<16xf32>
        %add3A_732 = arith.constant 7 : i32
        %add3A_733 = arith.addi %mul3A_605, %add3A_732 : i32
        %get3A_734 = arith.constant 6 : i32
        %get3A_735 = arith.index_cast %get3A_734 : i32 to index
        %get3A_736 = arith.index_cast %add3A_733 : i32 to index
        %get3A_737 = arith.constant 0 : index
        %get3A_738 = tpu.vector_load %arg8[%get3A_735, %get3A_736, %get3A_737] {strides = array<i32>} : memref<8x200x32xf32, #tpu.memory_space<vmem>>, vector<1x1x16xf32>,
        %get3A_739 = vector.shape_cast %get3A_738 : vector<1x1x16xf32> to vector<16xf32>
        %add3A_740 = arith.addf %add3A_722, %get3A_739 : vector<16xf32>
        %add3A_741 = arith.constant 7 : i32
        %add3A_742 = arith.addi %mul3A_605, %add3A_741 : i32
        %get3A_743 = arith.constant 6 : i32
        %get3A_744 = arith.index_cast %get3A_743 : i32 to index
        %get3A_745 = arith.index_cast %add3A_742 : i32 to index
        %get3A_746 = arith.constant 16 : index
        %get3A_747 = tpu.vector_load %arg8[%get3A_744, %get3A_745, %get3A_746] {strides = array<i32>} : memref<8x200x32xf32, #tpu.memory_space<vmem>>, vector<1x1x16xf32>,
        %get3A_748 = vector.shape_cast %get3A_747 : vector<1x1x16xf32> to vector<16xf32>
        %add3A_749 = arith.addf %add3A_731, %get3A_748 : vector<16xf32>
        scf.yield %add3A_740, %add3A_749 : vector<16xf32>, vector<16xf32>
      }
      %scan3A_507 = arith.constant 25 : i32
      %mul3A_508 = arith.constant 16 : i32
      %mul3A_509 = arith.muli %add3A_499, %mul3A_508 : i32
      %get3A_510 = arith.index_cast %mul3A_509 : i32 to index
      %get3A_511 = tpu.vector_load %arg7[%get3A_510] {strides = array<i32>} : memref<2048xf32, #tpu.memory_space<vmem>>, vector<16xf32>,
      %get3A_512 = vector.shape_cast %get3A_511 : vector<16xf32> to vector<16xf32>
      %div3A_513 = arith.constant 1.000000e+00 : f32
      %div3A_514 = vector.broadcast %div3A_513 : f32 to vector<16xf32>
      %div3A_515 = arith.divf %div3A_514, %get3A_512 : vector<16xf32>
      %mul3A_516 = arith.mulf %scan3A_506#0, %div3A_515 : vector<16xf32>
      %mul3A_517 = arith.constant 32 : i32
      %mul3A_518 = arith.muli %add3A_499, %mul3A_517 : i32
      %swap3A_519 = arith.index_cast %mul3A_518 : i32 to index
      %swap3A_520 = tpu.vector_load %arg9[%swap3A_519] {strides = array<i32>} : memref<4096xf32, #tpu.memory_space<vmem>>, vector<16xf32>,
      %swap3A_521 = vector.shape_cast %swap3A_520 : vector<16xf32> to vector<16xf32>
      %swap3A_522 = vector.shape_cast %mul3A_516 : vector<16xf32> to vector<16xf32>
      tpu.vector_store %arg9[%swap3A_519], %swap3A_522 {strides = array<i32>} : memref<4096xf32, #tpu.memory_space<vmem>>, vector<16xf32>,
      %mul3A_523 = arith.mulf %scan3A_506#1, %div3A_515 : vector<16xf32>
      %mul3A_524 = arith.constant 32 : i32
      %mul3A_525 = arith.muli %add3A_499, %mul3A_524 : i32
      %add3A_526 = arith.constant 16 : i32
      %add3A_527 = arith.addi %mul3A_525, %add3A_526 : i32
      %swap3A_528 = arith.index_cast %add3A_527 : i32 to index
      %swap3A_529 = tpu.vector_load %arg9[%swap3A_528] {strides = array<i32>} : memref<4096xf32, #tpu.memory_space<vmem>>, vector<16xf32>,
      %swap3A_530 = vector.shape_cast %swap3A_529 : vector<16xf32> to vector<16xf32>
      %swap3A_531 = vector.shape_cast %mul3A_523 : vector<16xf32> to vector<16xf32>
      tpu.vector_store %arg9[%swap3A_528], %swap3A_531 {strides = array<i32>} : memref<4096xf32, #tpu.memory_space<vmem>>, vector<16xf32>,
      %add3A_532 = arith.constant 6 : i32
      %add3A_533 = arith.addi %mul3A_135, %add3A_532 : i32
      %add3A_534 = arith.constant 8 : i32
      %add3A_535 = arith.addi %add3A_533, %add3A_534 : i32
      %lt3A_536 = arith.constant 128 : i32
      %lt3A_537 = arith.cmpi slt, %add3A_535, %lt3A_536 : i32
      %convert_element_type3A_538 = arith.extui %lt3A_537 : i1 to i32
      %cond3A_539 = arith.constant 0 : i32
      %cond3A_540 = arith.cmpi ne, %convert_element_type3A_538, %cond3A_539 : i32
      scf.if %cond3A_540 {
        %add3A_601 = arith.constant 6 : i32
        %add3A_602 = arith.addi %mul3A_135, %add3A_601 : i32
        %add3A_603 = arith.constant 8 : i32
        %add3A_604 = arith.addi %add3A_602, %add3A_603 : i32
        %dma_start3A_605 = arith.constant 6 : i32
        %dma_start3A_606 = arith.constant 6 : i32
        %dma_start3A_607 = arith.constant 0 : i32
        %dma_start3A_608 = arith.constant 0 : i32
        %dma_start3A_609 = tpu.memref_slice %arg8[%dma_start3A_605, %dma_start3A_607, %dma_start3A_608] : memref<8x200x32xf32, #tpu.memory_space<vmem>> -> memref<1x200x32xf32, #tpu.memory_space<vmem>>
        %dma_start3A_610 = tpu.memref_squeeze %dma_start3A_609 : memref<1x200x32xf32, #tpu.memory_space<vmem>> -> memref<200x32xf32, #tpu.memory_space<vmem>>
        %dma_start3A_611 = arith.constant 0 : i32
        %dma_start3A_612 = tpu.memref_slice %arg6[%add3A_604, %dma_start3A_611] : memref<128x200xi32, #tpu.memory_space<vmem>> -> memref<1x200xi32, #tpu.memory_space<vmem>>
        %dma_start3A_613 = tpu.memref_squeeze %dma_start3A_612 : memref<1x200xi32, #tpu.memory_space<vmem>> -> memref<200xi32, #tpu.memory_space<vmem>>
        %dma_start3A_614 = arith.constant 0 : i32
        %dma_start3A_615 = arith.constant 0 : i32
        %dma_start3A_616 = tpu.memref_slice %arg4[%dma_start3A_614, %dma_start3A_615] : memref<1000000x32xf32, #tpu.memory_space<hbm>> -> memref<1000000x32xf32, #tpu.memory_space<hbm>>
        %dma_start3A_617 = tpu.memref_slice %arg10[%dma_start3A_606] : memref<8x!tpu.dma_semaphore, #tpu.memory_space<semaphore_mem>> -> memref<1x!tpu.dma_semaphore, #tpu.memory_space<semaphore_mem>>
        %dma_start3A_618 = tpu.memref_squeeze %dma_start3A_617 : memref<1x!tpu.dma_semaphore, #tpu.memory_space<semaphore_mem>> -> memref<!tpu.dma_semaphore, #tpu.memory_space<semaphore_mem>>
        tpu.enqueue_indirect_dma source(%dma_start3A_616 : memref<1000000x32xf32, #tpu.memory_space<hbm>>) target(%dma_start3A_610 : memref<200x32xf32, #tpu.memory_space<vmem>>) offsets(%dma_start3A_613 : memref<200xi32, #tpu.memory_space<vmem>>) semaphore(%dma_start3A_618 : memref<!tpu.dma_semaphore, #tpu.memory_space<semaphore_mem>>)
      } else {
      }
      %add3A_541 = arith.constant 7 : i32
      %add3A_542 = arith.addi %mul3A_135, %add3A_541 : i32
      %dma_wait3A_543 = arith.constant 7 : i32
      %dma_wait3A_544 = arith.constant 7 : i32
      %dma_wait3A_545 = arith.constant 0 : i32
      %dma_wait3A_546 = arith.constant 0 : i32
      %dma_wait3A_547 = tpu.memref_slice %arg8[%dma_wait3A_543, %dma_wait3A_545, %dma_wait3A_546] : memref<8x200x32xf32, #tpu.memory_space<vmem>> -> memref<1x200x32xf32, #tpu.memory_space<vmem>>
      %dma_wait3A_548 = tpu.memref_squeeze %dma_wait3A_547 : memref<1x200x32xf32, #tpu.memory_space<vmem>> -> memref<200x32xf32, #tpu.memory_space<vmem>>
      %dma_wait3A_549 = arith.constant 0 : i32
      %dma_wait3A_550 = tpu.memref_slice %arg6[%add3A_542, %dma_wait3A_549] : memref<128x200xi32, #tpu.memory_space<vmem>> -> memref<1x200xi32, #tpu.memory_space<vmem>>
      %dma_wait3A_551 = tpu.memref_squeeze %dma_wait3A_550 : memref<1x200xi32, #tpu.memory_space<vmem>> -> memref<200xi32, #tpu.memory_space<vmem>>
      %dma_wait3A_552 = arith.constant 0 : i32
      %dma_wait3A_553 = arith.constant 0 : i32
      %dma_wait3A_554 = tpu.memref_slice %arg4[%dma_wait3A_552, %dma_wait3A_553] : memref<1000000x32xf32, #tpu.memory_space<hbm>> -> memref<1000000x32xf32, #tpu.memory_space<hbm>>
      %dma_wait3A_555 = tpu.memref_slice %arg10[%dma_wait3A_544] : memref<8x!tpu.dma_semaphore, #tpu.memory_space<semaphore_mem>> -> memref<1x!tpu.dma_semaphore, #tpu.memory_space<semaphore_mem>>
      %dma_wait3A_556 = tpu.memref_squeeze %dma_wait3A_555 : memref<1x!tpu.dma_semaphore, #tpu.memory_space<semaphore_mem>> -> memref<!tpu.dma_semaphore, #tpu.memory_space<semaphore_mem>>
      tpu.wait_indirect_dma semaphore(%dma_wait3A_556 : memref<!tpu.dma_semaphore, #tpu.memory_space<semaphore_mem>>) src(%dma_wait3A_554 : memref<1000000x32xf32, #tpu.memory_space<hbm>>) dst(%dma_wait3A_548 : memref<200x32xf32, #tpu.memory_space<vmem>>)
      %add3A_557 = arith.constant 7 : i32
      %add3A_558 = arith.addi %mul3A_135, %add3A_557 : i32
      %broadcast_in_dim3A_559 = arith.constant 0.000000e+00 : f32
      %broadcast_in_dim3A_560 = vector.broadcast %broadcast_in_dim3A_559 : f32 to vector<16xf32>
      %scan3A_561 = arith.constant 0 : i32
      %scan3A_562 = arith.constant 25 : i32
      %scan3A_563 = arith.addi %scan3A_561, %scan3A_562 : i32
      %scan3A_564 = arith.constant 1 : i32
      %scan3A_565:2 = scf.for %scan3A_601 = %scan3A_561 to %scan3A_563 step %scan3A_564 iter_args(%scan3A_602 = %broadcast_in_dim3A_560, %scan3A_603 = %broadcast_in_dim3A_560) -> (vector<16xf32>, vector<16xf32>)  : i32 {
        %mul3A_604 = arith.constant 8 : i32
        %mul3A_605 = arith.muli %scan3A_601, %mul3A_604 : i32
        %add3A_606 = arith.constant 0 : i32
        %add3A_607 = arith.addi %mul3A_605, %add3A_606 : i32
        %get3A_608 = arith.constant 7 : i32
        %get3A_609 = arith.index_cast %get3A_608 : i32 to index
        %get3A_610 = arith.index_cast %add3A_607 : i32 to index
        %get3A_611 = arith.constant 0 : index
        %get3A_612 = tpu.vector_load %arg8[%get3A_609, %get3A_610, %get3A_611] {strides = array<i32>} : memref<8x200x32xf32, #tpu.memory_space<vmem>>, vector<1x1x16xf32>,
        %get3A_613 = vector.shape_cast %get3A_612 : vector<1x1x16xf32> to vector<16xf32>
        %add3A_614 = arith.addf %scan3A_602, %get3A_613 : vector<16xf32>
        %add3A_615 = arith.constant 0 : i32
        %add3A_616 = arith.addi %mul3A_605, %add3A_615 : i32
        %get3A_617 = arith.constant 7 : i32
        %get3A_618 = arith.index_cast %get3A_617 : i32 to index
        %get3A_619 = arith.index_cast %add3A_616 : i32 to index
        %get3A_620 = arith.constant 16 : index
        %get3A_621 = tpu.vector_load %arg8[%get3A_618, %get3A_619, %get3A_620] {strides = array<i32>} : memref<8x200x32xf32, #tpu.memory_space<vmem>>, vector<1x1x16xf32>,
        %get3A_622 = vector.shape_cast %get3A_621 : vector<1x1x16xf32> to vector<16xf32>
        %add3A_623 = arith.addf %scan3A_603, %get3A_622 : vector<16xf32>
        %add3A_624 = arith.constant 1 : i32
        %add3A_625 = arith.addi %mul3A_605, %add3A_624 : i32
        %get3A_626 = arith.constant 7 : i32
        %get3A_627 = arith.index_cast %get3A_626 : i32 to index
        %get3A_628 = arith.index_cast %add3A_625 : i32 to index
        %get3A_629 = arith.constant 0 : index
        %get3A_630 = tpu.vector_load %arg8[%get3A_627, %get3A_628, %get3A_629] {strides = array<i32>} : memref<8x200x32xf32, #tpu.memory_space<vmem>>, vector<1x1x16xf32>,
        %get3A_631 = vector.shape_cast %get3A_630 : vector<1x1x16xf32> to vector<16xf32>
        %add3A_632 = arith.addf %add3A_614, %get3A_631 : vector<16xf32>
        %add3A_633 = arith.constant 1 : i32
        %add3A_634 = arith.addi %mul3A_605, %add3A_633 : i32
        %get3A_635 = arith.constant 7 : i32
        %get3A_636 = arith.index_cast %get3A_635 : i32 to index
        %get3A_637 = arith.index_cast %add3A_634 : i32 to index
        %get3A_638 = arith.constant 16 : index
        %get3A_639 = tpu.vector_load %arg8[%get3A_636, %get3A_637, %get3A_638] {strides = array<i32>} : memref<8x200x32xf32, #tpu.memory_space<vmem>>, vector<1x1x16xf32>,
        %get3A_640 = vector.shape_cast %get3A_639 : vector<1x1x16xf32> to vector<16xf32>
        %add3A_641 = arith.addf %add3A_623, %get3A_640 : vector<16xf32>
        %add3A_642 = arith.constant 2 : i32
        %add3A_643 = arith.addi %mul3A_605, %add3A_642 : i32
        %get3A_644 = arith.constant 7 : i32
        %get3A_645 = arith.index_cast %get3A_644 : i32 to index
        %get3A_646 = arith.index_cast %add3A_643 : i32 to index
        %get3A_647 = arith.constant 0 : index
        %get3A_648 = tpu.vector_load %arg8[%get3A_645, %get3A_646, %get3A_647] {strides = array<i32>} : memref<8x200x32xf32, #tpu.memory_space<vmem>>, vector<1x1x16xf32>,
        %get3A_649 = vector.shape_cast %get3A_648 : vector<1x1x16xf32> to vector<16xf32>
        %add3A_650 = arith.addf %add3A_632, %get3A_649 : vector<16xf32>
        %add3A_651 = arith.constant 2 : i32
        %add3A_652 = arith.addi %mul3A_605, %add3A_651 : i32
        %get3A_653 = arith.constant 7 : i32
        %get3A_654 = arith.index_cast %get3A_653 : i32 to index
        %get3A_655 = arith.index_cast %add3A_652 : i32 to index
        %get3A_656 = arith.constant 16 : index
        %get3A_657 = tpu.vector_load %arg8[%get3A_654, %get3A_655, %get3A_656] {strides = array<i32>} : memref<8x200x32xf32, #tpu.memory_space<vmem>>, vector<1x1x16xf32>,
        %get3A_658 = vector.shape_cast %get3A_657 : vector<1x1x16xf32> to vector<16xf32>
        %add3A_659 = arith.addf %add3A_641, %get3A_658 : vector<16xf32>
        %add3A_660 = arith.constant 3 : i32
        %add3A_661 = arith.addi %mul3A_605, %add3A_660 : i32
        %get3A_662 = arith.constant 7 : i32
        %get3A_663 = arith.index_cast %get3A_662 : i32 to index
        %get3A_664 = arith.index_cast %add3A_661 : i32 to index
        %get3A_665 = arith.constant 0 : index
        %get3A_666 = tpu.vector_load %arg8[%get3A_663, %get3A_664, %get3A_665] {strides = array<i32>} : memref<8x200x32xf32, #tpu.memory_space<vmem>>, vector<1x1x16xf32>,
        %get3A_667 = vector.shape_cast %get3A_666 : vector<1x1x16xf32> to vector<16xf32>
        %add3A_668 = arith.addf %add3A_650, %get3A_667 : vector<16xf32>
        %add3A_669 = arith.constant 3 : i32
        %add3A_670 = arith.addi %mul3A_605, %add3A_669 : i32
        %get3A_671 = arith.constant 7 : i32
        %get3A_672 = arith.index_cast %get3A_671 : i32 to index
        %get3A_673 = arith.index_cast %add3A_670 : i32 to index
        %get3A_674 = arith.constant 16 : index
        %get3A_675 = tpu.vector_load %arg8[%get3A_672, %get3A_673, %get3A_674] {strides = array<i32>} : memref<8x200x32xf32, #tpu.memory_space<vmem>>, vector<1x1x16xf32>,
        %get3A_676 = vector.shape_cast %get3A_675 : vector<1x1x16xf32> to vector<16xf32>
        %add3A_677 = arith.addf %add3A_659, %get3A_676 : vector<16xf32>
        %add3A_678 = arith.constant 4 : i32
        %add3A_679 = arith.addi %mul3A_605, %add3A_678 : i32
        %get3A_680 = arith.constant 7 : i32
        %get3A_681 = arith.index_cast %get3A_680 : i32 to index
        %get3A_682 = arith.index_cast %add3A_679 : i32 to index
        %get3A_683 = arith.constant 0 : index
        %get3A_684 = tpu.vector_load %arg8[%get3A_681, %get3A_682, %get3A_683] {strides = array<i32>} : memref<8x200x32xf32, #tpu.memory_space<vmem>>, vector<1x1x16xf32>,
        %get3A_685 = vector.shape_cast %get3A_684 : vector<1x1x16xf32> to vector<16xf32>
        %add3A_686 = arith.addf %add3A_668, %get3A_685 : vector<16xf32>
        %add3A_687 = arith.constant 4 : i32
        %add3A_688 = arith.addi %mul3A_605, %add3A_687 : i32
        %get3A_689 = arith.constant 7 : i32
        %get3A_690 = arith.index_cast %get3A_689 : i32 to index
        %get3A_691 = arith.index_cast %add3A_688 : i32 to index
        %get3A_692 = arith.constant 16 : index
        %get3A_693 = tpu.vector_load %arg8[%get3A_690, %get3A_691, %get3A_692] {strides = array<i32>} : memref<8x200x32xf32, #tpu.memory_space<vmem>>, vector<1x1x16xf32>,
        %get3A_694 = vector.shape_cast %get3A_693 : vector<1x1x16xf32> to vector<16xf32>
        %add3A_695 = arith.addf %add3A_677, %get3A_694 : vector<16xf32>
        %add3A_696 = arith.constant 5 : i32
        %add3A_697 = arith.addi %mul3A_605, %add3A_696 : i32
        %get3A_698 = arith.constant 7 : i32
        %get3A_699 = arith.index_cast %get3A_698 : i32 to index
        %get3A_700 = arith.index_cast %add3A_697 : i32 to index
        %get3A_701 = arith.constant 0 : index
        %get3A_702 = tpu.vector_load %arg8[%get3A_699, %get3A_700, %get3A_701] {strides = array<i32>} : memref<8x200x32xf32, #tpu.memory_space<vmem>>, vector<1x1x16xf32>,
        %get3A_703 = vector.shape_cast %get3A_702 : vector<1x1x16xf32> to vector<16xf32>
        %add3A_704 = arith.addf %add3A_686, %get3A_703 : vector<16xf32>
        %add3A_705 = arith.constant 5 : i32
        %add3A_706 = arith.addi %mul3A_605, %add3A_705 : i32
        %get3A_707 = arith.constant 7 : i32
        %get3A_708 = arith.index_cast %get3A_707 : i32 to index
        %get3A_709 = arith.index_cast %add3A_706 : i32 to index
        %get3A_710 = arith.constant 16 : index
        %get3A_711 = tpu.vector_load %arg8[%get3A_708, %get3A_709, %get3A_710] {strides = array<i32>} : memref<8x200x32xf32, #tpu.memory_space<vmem>>, vector<1x1x16xf32>,
        %get3A_712 = vector.shape_cast %get3A_711 : vector<1x1x16xf32> to vector<16xf32>
        %add3A_713 = arith.addf %add3A_695, %get3A_712 : vector<16xf32>
        %add3A_714 = arith.constant 6 : i32
        %add3A_715 = arith.addi %mul3A_605, %add3A_714 : i32
        %get3A_716 = arith.constant 7 : i32
        %get3A_717 = arith.index_cast %get3A_716 : i32 to index
        %get3A_718 = arith.index_cast %add3A_715 : i32 to index
        %get3A_719 = arith.constant 0 : index
        %get3A_720 = tpu.vector_load %arg8[%get3A_717, %get3A_718, %get3A_719] {strides = array<i32>} : memref<8x200x32xf32, #tpu.memory_space<vmem>>, vector<1x1x16xf32>,
        %get3A_721 = vector.shape_cast %get3A_720 : vector<1x1x16xf32> to vector<16xf32>
        %add3A_722 = arith.addf %add3A_704, %get3A_721 : vector<16xf32>
        %add3A_723 = arith.constant 6 : i32
        %add3A_724 = arith.addi %mul3A_605, %add3A_723 : i32
        %get3A_725 = arith.constant 7 : i32
        %get3A_726 = arith.index_cast %get3A_725 : i32 to index
        %get3A_727 = arith.index_cast %add3A_724 : i32 to index
        %get3A_728 = arith.constant 16 : index
        %get3A_729 = tpu.vector_load %arg8[%get3A_726, %get3A_727, %get3A_728] {strides = array<i32>} : memref<8x200x32xf32, #tpu.memory_space<vmem>>, vector<1x1x16xf32>,
        %get3A_730 = vector.shape_cast %get3A_729 : vector<1x1x16xf32> to vector<16xf32>
        %add3A_731 = arith.addf %add3A_713, %get3A_730 : vector<16xf32>
        %add3A_732 = arith.constant 7 : i32
        %add3A_733 = arith.addi %mul3A_605, %add3A_732 : i32
        %get3A_734 = arith.constant 7 : i32
        %get3A_735 = arith.index_cast %get3A_734 : i32 to index
        %get3A_736 = arith.index_cast %add3A_733 : i32 to index
        %get3A_737 = arith.constant 0 : index
        %get3A_738 = tpu.vector_load %arg8[%get3A_735, %get3A_736, %get3A_737] {strides = array<i32>} : memref<8x200x32xf32, #tpu.memory_space<vmem>>, vector<1x1x16xf32>,
        %get3A_739 = vector.shape_cast %get3A_738 : vector<1x1x16xf32> to vector<16xf32>
        %add3A_740 = arith.addf %add3A_722, %get3A_739 : vector<16xf32>
        %add3A_741 = arith.constant 7 : i32
        %add3A_742 = arith.addi %mul3A_605, %add3A_741 : i32
        %get3A_743 = arith.constant 7 : i32
        %get3A_744 = arith.index_cast %get3A_743 : i32 to index
        %get3A_745 = arith.index_cast %add3A_742 : i32 to index
        %get3A_746 = arith.constant 16 : index
        %get3A_747 = tpu.vector_load %arg8[%get3A_744, %get3A_745, %get3A_746] {strides = array<i32>} : memref<8x200x32xf32, #tpu.memory_space<vmem>>, vector<1x1x16xf32>,
        %get3A_748 = vector.shape_cast %get3A_747 : vector<1x1x16xf32> to vector<16xf32>
        %add3A_749 = arith.addf %add3A_731, %get3A_748 : vector<16xf32>
        scf.yield %add3A_740, %add3A_749 : vector<16xf32>, vector<16xf32>
      }
      %scan3A_566 = arith.constant 25 : i32
      %mul3A_567 = arith.constant 16 : i32
      %mul3A_568 = arith.muli %add3A_558, %mul3A_567 : i32
      %get3A_569 = arith.index_cast %mul3A_568 : i32 to index
      %get3A_570 = tpu.vector_load %arg7[%get3A_569] {strides = array<i32>} : memref<2048xf32, #tpu.memory_space<vmem>>, vector<16xf32>,
      %get3A_571 = vector.shape_cast %get3A_570 : vector<16xf32> to vector<16xf32>
      %div3A_572 = arith.constant 1.000000e+00 : f32
      %div3A_573 = vector.broadcast %div3A_572 : f32 to vector<16xf32>
      %div3A_574 = arith.divf %div3A_573, %get3A_571 : vector<16xf32>
      %mul3A_575 = arith.mulf %scan3A_565#0, %div3A_574 : vector<16xf32>
      %mul3A_576 = arith.constant 32 : i32
      %mul3A_577 = arith.muli %add3A_558, %mul3A_576 : i32
      %swap3A_578 = arith.index_cast %mul3A_577 : i32 to index
      %swap3A_579 = tpu.vector_load %arg9[%swap3A_578] {strides = array<i32>} : memref<4096xf32, #tpu.memory_space<vmem>>, vector<16xf32>,
      %swap3A_580 = vector.shape_cast %swap3A_579 : vector<16xf32> to vector<16xf32>
      %swap3A_581 = vector.shape_cast %mul3A_575 : vector<16xf32> to vector<16xf32>
      tpu.vector_store %arg9[%swap3A_578], %swap3A_581 {strides = array<i32>} : memref<4096xf32, #tpu.memory_space<vmem>>, vector<16xf32>,
      %mul3A_582 = arith.mulf %scan3A_565#1, %div3A_574 : vector<16xf32>
      %mul3A_583 = arith.constant 32 : i32
      %mul3A_584 = arith.muli %add3A_558, %mul3A_583 : i32
      %add3A_585 = arith.constant 16 : i32
      %add3A_586 = arith.addi %mul3A_584, %add3A_585 : i32
      %swap3A_587 = arith.index_cast %add3A_586 : i32 to index
      %swap3A_588 = tpu.vector_load %arg9[%swap3A_587] {strides = array<i32>} : memref<4096xf32, #tpu.memory_space<vmem>>, vector<16xf32>,
      %swap3A_589 = vector.shape_cast %swap3A_588 : vector<16xf32> to vector<16xf32>
      %swap3A_590 = vector.shape_cast %mul3A_582 : vector<16xf32> to vector<16xf32>
      tpu.vector_store %arg9[%swap3A_587], %swap3A_590 {strides = array<i32>} : memref<4096xf32, #tpu.memory_space<vmem>>, vector<16xf32>,
      %add3A_591 = arith.constant 7 : i32
      %add3A_592 = arith.addi %mul3A_135, %add3A_591 : i32
      %add3A_593 = arith.constant 8 : i32
      %add3A_594 = arith.addi %add3A_592, %add3A_593 : i32
      %lt3A_595 = arith.constant 128 : i32
      %lt3A_596 = arith.cmpi slt, %add3A_594, %lt3A_595 : i32
      %convert_element_type3A_597 = arith.extui %lt3A_596 : i1 to i32
      %cond3A_598 = arith.constant 0 : i32
      %cond3A_599 = arith.cmpi ne, %convert_element_type3A_597, %cond3A_598 : i32
      scf.if %cond3A_599 {
        %add3A_601 = arith.constant 7 : i32
        %add3A_602 = arith.addi %mul3A_135, %add3A_601 : i32
        %add3A_603 = arith.constant 8 : i32
        %add3A_604 = arith.addi %add3A_602, %add3A_603 : i32
        %dma_start3A_605 = arith.constant 7 : i32
        %dma_start3A_606 = arith.constant 7 : i32
        %dma_start3A_607 = arith.constant 0 : i32
        %dma_start3A_608 = arith.constant 0 : i32
        %dma_start3A_609 = tpu.memref_slice %arg8[%dma_start3A_605, %dma_start3A_607, %dma_start3A_608] : memref<8x200x32xf32, #tpu.memory_space<vmem>> -> memref<1x200x32xf32, #tpu.memory_space<vmem>>
        %dma_start3A_610 = tpu.memref_squeeze %dma_start3A_609 : memref<1x200x32xf32, #tpu.memory_space<vmem>> -> memref<200x32xf32, #tpu.memory_space<vmem>>
        %dma_start3A_611 = arith.constant 0 : i32
        %dma_start3A_612 = tpu.memref_slice %arg6[%add3A_604, %dma_start3A_611] : memref<128x200xi32, #tpu.memory_space<vmem>> -> memref<1x200xi32, #tpu.memory_space<vmem>>
        %dma_start3A_613 = tpu.memref_squeeze %dma_start3A_612 : memref<1x200xi32, #tpu.memory_space<vmem>> -> memref<200xi32, #tpu.memory_space<vmem>>
        %dma_start3A_614 = arith.constant 0 : i32
        %dma_start3A_615 = arith.constant 0 : i32
        %dma_start3A_616 = tpu.memref_slice %arg4[%dma_start3A_614, %dma_start3A_615] : memref<1000000x32xf32, #tpu.memory_space<hbm>> -> memref<1000000x32xf32, #tpu.memory_space<hbm>>
        %dma_start3A_617 = tpu.memref_slice %arg10[%dma_start3A_606] : memref<8x!tpu.dma_semaphore, #tpu.memory_space<semaphore_mem>> -> memref<1x!tpu.dma_semaphore, #tpu.memory_space<semaphore_mem>>
        %dma_start3A_618 = tpu.memref_squeeze %dma_start3A_617 : memref<1x!tpu.dma_semaphore, #tpu.memory_space<semaphore_mem>> -> memref<!tpu.dma_semaphore, #tpu.memory_space<semaphore_mem>>
        tpu.enqueue_indirect_dma source(%dma_start3A_616 : memref<1000000x32xf32, #tpu.memory_space<hbm>>) target(%dma_start3A_610 : memref<200x32xf32, #tpu.memory_space<vmem>>) offsets(%dma_start3A_613 : memref<200xi32, #tpu.memory_space<vmem>>) semaphore(%dma_start3A_618 : memref<!tpu.dma_semaphore, #tpu.memory_space<semaphore_mem>>)
      } else {
      }
      %scan3A_600 = arith.constant 0 : i32
      scf.yield %scan3A_600 : i32
    }
    %scan3A_129 = arith.constant 16 : i32
    %mul3A_130 = arith.constant 32 : i32
    %mul3A_131 = arith.muli %mul3A_2, %mul3A_130 : i32
    "tpu.region"() ({
      %run_scoped3A = tpu.sem_alloc : memref<!tpu.dma_semaphore, #tpu.memory_space<semaphore_mem>>
      %dma_start3A_132 = tpu.memref_slice %arg5[%mul3A_131] : memref<131072xf32, #tpu.memory_space<hbm>> -> memref<4096xf32, #tpu.memory_space<hbm>>
      %dma_start3A_133 = tpu.memref_slice %arg5[%mul3A_131] : memref<131072xf32, #tpu.memory_space<hbm>> -> memref<4096xf32, #tpu.memory_space<hbm>>
      tpu.enqueue_dma source(%arg9 : memref<4096xf32, #tpu.memory_space<vmem>>) target(%dma_start3A_133 : memref<4096xf32, #tpu.memory_space<hbm>>) target_semaphore(%run_scoped3A : memref<!tpu.dma_semaphore, #tpu.memory_space<semaphore_mem>>)
      %dma_wait3A = tpu.memref_slice %arg5[%mul3A_131] : memref<131072xf32, #tpu.memory_space<hbm>> -> memref<4096xf32, #tpu.memory_space<hbm>>
      %dma_wait3A_134 = tpu.memref_slice %arg5[%mul3A_131] : memref<131072xf32, #tpu.memory_space<hbm>> -> memref<4096xf32, #tpu.memory_space<hbm>>
      tpu.wait_dma2 semaphore(%run_scoped3A : memref<!tpu.dma_semaphore, #tpu.memory_space<semaphore_mem>>) src(%arg9 : memref<4096xf32, #tpu.memory_space<vmem>>) dst(%dma_wait3A_134 : memref<4096xf32, #tpu.memory_space<hbm>>)
      tpu.yield
    }) : () -> ()
    return
  }
}

</mosaic_0001>

<sc_bundles>
// kernel: kernel.3.cloned.1.call-start
scs
__scs_entry_jumppad:
0x0: {  	(pc) =	sbr.rel $0x88, $3  }
0x1: {  	(tag) =	ssettag $0x0;
	lr =	simm.s32 $0x1  }
0x2: {  	[smem:$0x3F9E] =	sst lr;
	_ =	strace $0xD0000000  }
0x3: {  	_ = 	snop  }
0x4: {  	_ = 	snop  }
0x5: {  	_ = 	snop  }
0x6: {  	_ = 	snop  }
0x7: {  	_ = 	snop  }
__scs_overlays_trampoline_lowered:
0x8: {  	[smem:$0x3FAD] =	sst s0  }
0x9: {  	[smem:$0x3FAE] =	sst s1  }
0xa: {  	[smem:$0x3FAF] =	sst s2  }
0xb: {  	[smem:$0x3FB0] =	sst s3  }
0xc: {  	[smem:$0x3FB1] =	sst s4  }
0xd: {  	[smem:$0x3FB2] =	sst s5  }
0xe: {  	[smem:$0x3FB3] =	sst s6  }
0xf: {  	[smem:$0x3FB4] =	sst s7  }
0x10: {  	[smem:$0x3FB5] =	sst s8  }
0x11: {  	[smem:$0x3FB6] =	sst s9;
	s0 =	simm.s32 @!p0 $0x0  }
0x12: {  	s1 =	sld [smem:$0x3F9C];
	s0 =	simm.s32 @p0 $0x1  }
0x13: {  	[smem:$0x3FB7] =	sst s0;
	s0 =	simm.s32 @!p1 $0x0  }
0x14: {  	s2 =	sld [smem:$0x3F9B];
	s0 =	simm.s32 @p1 $0x1  }
0x15: {  	[smem:$0x3FB8] =	sst s0;
	s0 =	simm.s32 @!p2 $0x0  }
0x16: {  	s3 =	sld [smem:$0x3FDB];
	s0 =	simm.s32 @p2 $0x1  }
0x17: {  	s4 =	simm.s32 $0x1BF5;
	[smem:$0x3FBA] =	sst s0  }
0x18: {  	s0 =	sld [smem:$0x3F9D];
	_ =	swait.ge [sflag:s4], $0x0  }
0x19: {  	s7 =	sld [smem:$0x3F9E]  }
0x1a: {  	s8 =	sadd.s32 $0xFFFFE003, lr  }
0x1b: {  	s9 =	sadd.s32 $0xFFFFFEF7, lr;
	s5 =	simm.s32 $0xFFFFFFFF;
	p2 =	slt.u32 s8, $0xFFFFF086  }
0x1c: {  	p1 =	slt.u32 s9, $0xF7A;
	s5 =	simm.s32 @!p2 $0x0  }
0x1d: {  	s5 =	simm.s32 @p1 $0x1;
	p0 =	seq.s32 s7, s2  }
0x1e: {  	s7 =	smul.u32 @!p0 $0xF7A, s2;
	p2 =	seq.s32 @!p0 s5, $0x0  }
0x1f: {  	s9 =	smul.u32 $0xF7A, s1;
	s8 =	simm.s32 @!p0 $0x1BF5;
	p2 =	por !p2, p0  }
0x20: {  	[sflag:s8] =	ssyncset.s32 @!p0 $0xFFFFF086;
	s6 =	sadd.s32 @!p0 s3, s7;
	s7 =	simm.s32 @!p0 $0x108  }
0x21: {  	s3 =	sadd.s32 s3, s9;
	s6 =	sadd.s32 @!p0 $0x88, s6;
	s7 =	simm.s32 @p2 $0x1082  }
0x22: {  	[simem:s7], [sflag:s8] =	dma.local @!p0 [hbm:s6], $0xF7A  }
0x23: {  	s9 =	sor.u32 $0xD0000000, s2;
	s6 =	simm.s32 $0x108;
	_ =	swait.ge @!p0 [sflag:s8], $0x0  }
0x24: {  	s3 =	sadd.s32 $0x88, s3;
	s6 =	simm.s32 @!p1 $0x1082;
	[sflag:s4] =	ssyncset.s32 $0xFFFFF086  }
0x25: {  	[simem:s6], [sflag:s4] =	dma.local [hbm:s3], $0xF7A  }
0x26: {  	[smem:$0x3F9E] =	sst s1;
	(tag) =	ssettag s2;
	_ =	strace s9  }
0x27: {  	s1 =	sld [smem:$0x3FAE]  }
0x28: {  	s2 =	sld [smem:$0x3FAF]  }
0x29: {  	s4 =	sld [smem:$0x3FB1]  }
0x2a: {  	p0 =	seq.s32 s5, $0x0;
	s5 =	sld [smem:$0x3FB2]  }
0x2b: {  	s6 =	sld [smem:$0x3FB3]  }
0x2c: {  	s7 =	sld [smem:$0x3FB4]  }
0x2d: {  	s3 =	simm.s32 $0x108;
	s8 =	sld [smem:$0x3FB5]  }
0x2e: {  	s3 =	simm.s32 @!p0 $0x1082;
	s9 =	sld [smem:$0x3FB6]  }
0x2f: {  	lr =	sadd.s32 s0, s3;
	s0 =	sld [smem:$0x3FAD]  }
0x30: {  	s3 =	sld [smem:$0x3FB0]  }
0x31: {  	[smem:$0x3FB9] =	sst s10  }
0x32: {  	s10 =	sld [smem:$0x3FB7];
	_ =	sdelay $0x3  }
0x33: {  	p0 =	seq.s32 s10, $0x1;
	s10 =	sld [smem:$0x3FB9];
	_ =	sdelay $0x3  }
0x34: {  	[smem:$0x3FB9] =	sst s10  }
0x35: {  	s10 =	sld [smem:$0x3FB8];
	_ =	sdelay $0x3  }
0x36: {  	p1 =	seq.s32 s10, $0x1;
	s10 =	sld [smem:$0x3FB9];
	_ =	sdelay $0x3  }
0x37: {  	[smem:$0x3FB9] =	sst s10  }
0x38: {  	s10 =	sld [smem:$0x3FBA]  }
0x39: {  	_ = 	snop;
	(pc) =	sbr.ind lr, $3  }
0x3a: {  	_ = 	snop  }
0x3b: {  	_ = 	snop  }
0x3c: {  	p2 =	seq.s32 s10, $0x1;
	s10 =	sld [smem:$0x3FB9]  }
0x3d: {  	_ =	shalt  }
0x3e: {  	_ =	shalt  }
0x3f: {  	_ =	shalt  }
0x40: {  	_ =	shalt  }
0x41: {  	_ =	shalt  }
0x42: {  	_ =	shalt  }
0x43: {  	_ =	shalt  }
0x44: {  	_ =	shalt  }
0x45: {  	_ =	shalt  }
0x46: {  	_ =	shalt  }
0x47: {  	_ =	shalt  }
0x48: {  	_ =	shalt  }
0x49: {  	_ =	shalt  }
0x4a: {  	_ =	shalt  }
0x4b: {  	_ =	shalt  }
0x4c: {  	_ =	shalt  }
0x4d: {  	_ =	shalt  }
0x4e: {  	_ =	shalt  }
0x4f: {  	_ =	shalt  }
0x50: {  	_ =	shalt  }
0x51: {  	_ =	shalt  }
0x52: {  	_ =	shalt  }
0x53: {  	_ =	shalt  }
0x54: {  	_ =	shalt  }
0x55: {  	_ =	shalt  }
0x56: {  	_ =	shalt  }
0x57: {  	_ =	shalt  }
0x58: {  	_ =	shalt  }
0x59: {  	_ =	shalt  }
0x5a: {  	_ =	shalt  }
0x5b: {  	_ =	shalt  }
0x5c: {  	_ =	shalt  }
0x5d: {  	_ =	shalt  }
0x5e: {  	_ =	shalt  }
0x5f: {  	_ =	shalt  }
0x60: {  	_ =	shalt  }
0x61: {  	_ =	shalt  }
0x62: {  	_ =	shalt  }
0x63: {  	_ =	shalt  }
0x64: {  	_ =	shalt  }
0x65: {  	_ =	shalt  }
0x66: {  	_ =	shalt  }
0x67: {  	_ =	shalt  }
0x68: {  	_ =	shalt  }
0x69: {  	_ =	shalt  }
0x6a: {  	_ =	shalt  }
0x6b: {  	_ =	shalt  }
0x6c: {  	_ =	shalt  }
0x6d: {  	_ =	shalt  }
0x6e: {  	_ =	shalt  }
0x6f: {  	_ =	shalt  }
0x70: {  	_ =	shalt  }
0x71: {  	_ =	shalt  }
0x72: {  	_ =	shalt  }
0x73: {  	_ =	shalt  }
0x74: {  	_ =	shalt  }
0x75: {  	_ =	shalt  }
0x76: {  	_ =	shalt  }
0x77: {  	_ =	shalt  }
0x78: {  	_ =	shalt  }
0x79: {  	_ =	shalt  }
0x7a: {  	_ =	shalt  }
0x7b: {  	_ =	shalt  }
0x7c: {  	_ =	shalt  }
0x7d: {  	_ =	shalt  }
0x7e: {  	_ =	shalt  }
0x7f: {  	_ =	shalt  }
0x80: {  	_ =	shalt  }
0x81: {  	_ =	shalt  }
0x82: {  	_ =	shalt  }
0x83: {  	_ =	shalt  }
0x84: {  	_ =	shalt  }
0x85: {  	_ =	shalt  }
0x86: {  	_ =	shalt  }
0x87: {  	_ =	shalt  }
.Lfunc_end0:
.L_simem_size_0:
called_computation_lowered:
.L_overlay_start_0:
0x88: {  	s2 =	sld [smem:$0x3FD9]  }
0x89: {  	s3 =	sld [smem:$0x3FFE];
	_ =	sdelay $0x1  }
0x8a: {  	s1 =	srdreg.scid  }
0x8b: {  	s0 =	sand.u32 $0x1, s1  }
0x8c: {  	s17 =	sshll.u32 s0, $0xA;
	s2 =	sadd.s32 s3, s2  }
0x8d: {  	s2 =	sadd.s32 s2, s17  }
0x8e: {  	[smem:$0x3FC5] =	sst s2  }
0x8f: {  	_ = 	snop  }
0x90: {  	s2 =	sld [smem:$0x3FD0];
	(tm) =	ssettm $0x1  }
0x91: {  	s18 =	sld [smem:$0x3FFB];
	_ =	sdelay $0x3  }
0x92: {  	_ =	strace s18  }
0x93: {  	s3 =	sld [smem:$0x3FFC];
	_ =	sdelay $0x3  }
0x94: {  	_ =	strace s3  }
0x95: {  	s3 =	sld [smem:$0x3FFD];
	_ =	sdelay $0x3  }
0x96: {  	_ =	strace s3  }
0x97: {  	_ =	strace $0x8FFFFFFF  }
0x98: {  	s19 =	sld [smem:$0x3FDB];
	_ =	sdelay $0x1  }
0x99: {  	s4 =	simm.s32 $_scs_section_size  }
0x9a: {  	s5 =	simm.s32 $_size__tile_overlayer_lowered;
	s6 =	simm.s32 $_tile_overlayer_lowered  }
0x9b: {  	s22 =	simm.s32 $0x1BFF;
	s21 =	sshll.u32 s6, $0x1;
	s3 =	sadd.s32 s4, s19  }
0x9c: {  	s7 =	simm.s32 $0x0;
	s20 =	sshll.u32 s5, $0x1;
	s5 =	sadd.s32 s21, s3  }
0x9d: {  	[timem:s7], [sflag:s22] =	dma.local [hbm:s5], s20  }
0x9e: {  	_ =	swait.ge [sflag:s22], s20  }
0x9f: {  	s4 =	ssub.s32 $0x0, s20;
	[sflag:s22] =	ssyncset.done $0x0  }
0xa0: {  	[sflag:s22] =	ssyncadd.s32 s4;
	_ =	sdelay $0x1  }
0xa1: {  	s23 =	simm.s32 $0x1B8B  }
0xa2: {  	_ =	swait.ge [sflag:s23], $0x1  }
0xa3: {  	[sflag:s23] =	ssyncset.done $0x0  }
0xa4: {  	s25 =	simm.s32 $0x1B8E;
	s24 =	sld [smem:$0x3FFE];
	[sflag:s23] =	ssyncadd.s32 $0xFFFFFFFF  }
0xa5: {  	s26 =	simm.s32 $execute0_lowered;
	[smem:$0x3FD2] =	sst s25  }
0xa6: {  	s5 =	sshll.u32 s26, $0x1;
	_ =	strace $0x80000046;
	[dreg:$0x1] =	wrdreg $0xFFFFFFFF  }
0xa7: {  	s28 =	simm.s32 $_size_execute0_lowered;
	s3 =	sadd.s32 s3, s5;
	[dreg:$0x0] =	wrdreg $0x0  }
0xa8: {  	s5 =	sshll.u32 s28, $0x1;
	[dreg:$0x2] =	wrdreg s3  }
0xa9: {  	[dreg:$0x3] =	wrdreg s5  }
0xaa: {  	[dreg:$0x4] =	wrdreg $0xC0  }
0xab: {  	_ =	task [dreg:s7], $0x5FFFF  }
0xac: {  	[dreg:$0x1] =	wrdreg $0xFFFFFFFF  }
0xad: {  	[dreg:$0x0] =	wrdreg $0x60  }
0xae: {  	[dreg:$0x2] =	wrdreg s24  }
0xaf: {  	[dreg:$0x3] =	wrdreg s2  }
0xb0: {  	[dreg:$0x4] =	wrdreg $0x9  }
0xb1: {  	_ =	task.clear_ibuf [dreg:s7], $0x5FFFF;
	_ =	strace $0x90000046  }
0xb2: {  	s29 =	simm.s32 $0x9;
	_ =	strace $0x80000048  }
0xb3: {  	_ =	swait.ge [sflag:s29], $0x1  }
0xb4: {  	[sflag:s29] =	ssyncadd.s32 $0xFFFFFFFF  }
0xb5: {  	_ =	strace $0x90000048  }
0xb6: {  	_ =	sfence  }
0xb7: {  	s30 =	sld [smem:$0x0];
	_ =	sdelay $0x2  }
0xb8: {  	s31 =	sshll.u32 s1, $0xD;
	s1 =	sshrl.u32 s1, $0x2  }
0xb9: {  	s3 =	sand.u32 $0x4000, s31;
	s1 =	sadd.s32 s1, s30  }
0xba: {  	s0 =	sor.u32 s3, s0;
	s1 =	sshll.u32 s1, $0x11  }
0xbb: {  	s0 =	sor.u32 s1, s0  }
0xbc: {  	s0 =	sadd.s32 $0x8F2B, s0  }
0xbd: {  	[sflag:s0] =	ssyncadd.remote.s32 $0x1  }
0xbe: {  	_ =	sfence.sel $0xFFFF  }
0xbf: {  	[dreg:$0x0] =	wrdreg $0xFFFFFFFF;
	(pc) =	sbr.abs _section_cstart, $3  }
0xc0: {  	[dreg:$0x1] =	wrdreg $0xFFFFFFFF  }
0xc1: {  	_ =	task.clear_ibuf [dreg:s7], $0x2FFFF;
	_ =	strace $0x9FFFFFFF  }
0xc2: {  	(tm) =	ssettm $0x7FFFFFFF  }
0xc3: {  	_ =	shalt  }
tec
execute0_lowered:
.L_overlay_start_1:
0x0: {  	(tag) =	ssettag $0x1  }
0x1: {  	s0 =	rddreg [dreg:$0x0];
	s1 =	srdreg.scid  }
0x2: {  	s2 =	stileid.u32;
	s6 =	rddreg [dreg:$0x1]  }
0x3: {  	s8 =	simm.s32 $0x9;
	s10 =	simm.s32 $0xC8;
	s18 =	simm.s32 $0xD000  }
0x4: {  	s19 =	simm.s32 $0x3E8;
	s20 =	simm.s32 $0xE900;
	s21 =	simm.s32 $0x4B0  }
0x5: {  	s22 =	simm.s32 $0x10200;
	s23 =	simm.s32 $0x578;
	s28 =	simm.s32 $0x3  }
0x6: {  	s29 =	simm.s32 $0x4;
	s30 =	simm.s32 $0x5;
	s31 =	simm.s32 $0x6  }
0x7: {  	s9 =	simm.s32 $0x13400;
	s1 =	sand.u32 $0x1, s1;
	s3 =	sshll.u32 s2, $0x1  }
0x8: {  	s11 =	simm.s32 $0x0;
	s2 =	simm.s32 $0x0;
	s5 =	sor.u32 s1, s3  }
0x9: {  	[smem:$0x7FF] =	sst s2;
	s1 =	ssub.s32 $0x2, s1;
	s3 =	smul.u32 $0xC80, s5  }
0xa: {  	_ =	strace $0x80000047;
	s24 =	sshll.u32 s5, $0x8;
	s25 =	sshrl.u32 s1, $0x1  }
.Ltmp0:
0xb: {  	s26 =	sshll.u32 s5, $0x9;
	s7 =	sadd.s32 s24, s0;
	(pc) =	sbr.rel .LBB2_1-.Ltmp0, $4  }
0xc: {  	s6 =	sadd.s32 s6, s26;
	s24 =	simm.s32 $0x11B00;
	s26 =	simm.s32 $0x2  }
0xd: {  	s4 =	sadd.s32 s3, s0;
	s3 =	sadd.s32 $0xF42C00, s0;
	s0 =	ssub.s32 s1, s25  }
0xe: {  	s5 =	sadd.s32 $0x19800, s7;
	s25 =	simm.s32 $0x1;
	s1 =	simm.s32 $0x7  }
0xf: {  	s4 =	sadd.s32 $0x800, s4;
	s7 =	smax.u32 s0, $0x1;
	s0 =	simm.s32 $0x8  }
.LBB2_20:
0x10: {  	s11 =	sadd.s32 $0x1, s11  }
0x11: {  	p0 =	sne.s32 s11, s7  }
.Ltmp1:
0x12: {  	_ = 	snop;
	(pc) =	sbr.rel @!p0 .LBB2_21-.Ltmp1, $4  }
0x13: {  	[hbm4b:s6+s2] =	stream.linear.scatter [tilespmem:s9], [sflag:$0x9], $0x1000, $0x38;
	[tilespmem:$0x14400] =	vst v63  }
0x14: {  	_ =	swait.ge [sflag:s8], $0x1000  }
0x15: {  	[sflag:s8] =	ssyncset.done $0x0  }
0x16: {  	[sflag:s8] =	ssyncadd.s32 $0xFFFFF000  }
.LBB2_1:
0x17: {  	[tilespmem:s2], [sflag:$0x9] =	stream.linear.gather [hbm4b:s4+s2], $0x6400, $0x38;
	[tilespmem:$0x14400] =	vst v63  }
0x18: {  	_ =	swait.ge [sflag:s8], $0x6400  }
0x19: {  	[sflag:s8] =	ssyncset.done $0x0  }
0x1a: {  	s12 =	simm.s32 $0x6400;
	[sflag:s8] =	ssyncadd.s32 $0xFFFF9C00  }
0x1b: {  	[tilespmem:s12], [sflag:$0x9] =	stream.linear.gather [hbm4b:s5+s2], $0x800, $0x38;
	[tilespmem:$0x14400] =	vst v63  }
0x1c: {  	_ =	swait.ge [sflag:s8], $0x800  }
0x1d: {  	[sflag:s8] =	ssyncset.done $0x0  }
0x1e: {  	s17 =	simm.s32 $0x6C00;
	[sflag:s8] =	ssyncadd.s32 $0xFFFFF800  }
0x1f: {  	[tilespmem:s17], [sflag:$0x1] =	stream.indirect.gather [hbm4b:s3+s10], $0x20, s2, s10, $0xb8;
	[tilespmem:$0x14400] =	vst v63  }
0x20: {  	s13 =	simm.s32 $0x8500  }
0x21: {  	[tilespmem:s13], [sflag:$0x2] =	stream.indirect.gather [hbm4b:s3+s10], $0x20, s10, s10, $0xb8;
	[tilespmem:$0x14400] =	vst v63  }
0x22: {  	s14 =	simm.s32 $0x190;
	s13 =	simm.s32 $0x9E00  }
0x23: {  	[tilespmem:s13], [sflag:$0x3] =	stream.indirect.gather [hbm4b:s3+s10], $0x20, s14, s10, $0xb8;
	[tilespmem:$0x14400] =	vst v63  }
0x24: {  	s15 =	simm.s32 $0x258;
	s16 =	simm.s32 $0xB700  }
0x25: {  	[tilespmem:s16], [sflag:$0x4] =	stream.indirect.gather [hbm4b:s3+s10], $0x20, s15, s10, $0xb8;
	[tilespmem:$0x14400] =	vst v63  }
0x26: {  	s17 =	simm.s32 $0x320  }
0x27: {  	[tilespmem:s18], [sflag:$0x5] =	stream.indirect.gather [hbm4b:s3+s10], $0x20, s17, s10, $0xb8;
	[tilespmem:$0x14400] =	vst v63  }
0x28: {  	_ = 	snop  }
0x29: {  	[tilespmem:s20], [sflag:$0x6] =	stream.indirect.gather [hbm4b:s3+s10], $0x20, s19, s10, $0xb8;
	[tilespmem:$0x14400] =	vst v63  }
0x2a: {  	_ = 	snop  }
0x2b: {  	[tilespmem:s22], [sflag:$0x7] =	stream.indirect.gather [hbm4b:s3+s10], $0x20, s21, s10, $0xb8;
	[tilespmem:$0x14400] =	vst v63  }
0x2c: {  	s12 =	simm.s32 $0x0  }
0x2d: {  	[tilespmem:s24], [sflag:$0x8] =	stream.indirect.gather [hbm4b:s3+s10], $0x20, s23, s10, $0xb8;
	[tilespmem:$0x14400] =	vst v63  }
.LBB2_2:
0x2e: {  	_ =	swait.ge [sflag:s25], $0x1900  }
0x2f: {  	[sflag:s25] =	ssyncset.done $0x0  }
0x30: {  	s14 =	simm.s32 $0x0;
	[sflag:s25] =	ssyncadd.s32 $0xFFFFE700  }
0x31: {  	v0 =	vld [tilespmem:s14+$0x6C00]  }
0x32: {  	v1 =	vld [tilespmem:s14+$0x6C10]  }
0x33: {  	v2 =	vld [tilespmem:s14+$0x6C20]  }
0x34: {  	v3 =	vld [tilespmem:s14+$0x6C30]  }
0x35: {  	v4 =	vld [tilespmem:s14+$0x6C40]  }
0x36: {  	v5 =	vimm.f32 $0.0e+00;
	v6 =	vld [tilespmem:s14+$0x6C50]  }
0x37: {  	v7 =	vld [tilespmem:s14+$0x6C70];
	v0 =	vadd.f32 v0, v5;
	v1 =	vadd.f32 v1, v5  }
0x38: {  	v5 =	vld [tilespmem:s14+$0x6C60]  }
0x39: {  	v8 =	vld [tilespmem:s14+$0x6C90];
	v0 =	vadd.f32 v2, v0;
	v1 =	vadd.f32 v3, v1  }
0x3a: {  	v2 =	vld [tilespmem:s14+$0x6C80]  }
0x3b: {  	v9 =	vld [tilespmem:s14+$0x6CB0];
	v0 =	vadd.f32 v4, v0;
	v1 =	vadd.f32 v6, v1  }
0x3c: {  	v6 =	vld [tilespmem:s14+$0x6CA0]  }
0x3d: {  	v3 =	vld [tilespmem:s14+$0x6CD0];
	v0 =	vadd.f32 v5, v0;
	v4 =	vadd.f32 v7, v1  }
0x3e: {  	v1 =	vld [tilespmem:s14+$0x6CC0]  }
0x3f: {  	v5 =	vadd.f32 v2, v0;
	v7 =	vadd.f32 v8, v4;
	v2 =	vld [tilespmem:s14+$0x6CE0]  }
0x40: {  	s13 =	simm.s32 $0x100;
	v4 =	vld [tilespmem:s14+$0x6CF0]  }
0x41: {  	v0 =	vld [tilespmem:s13+$0x6C00];
	s14 =	simm.s32 $0x800;
	v5 =	vadd.f32 v6, v5;
	v6 =	vadd.f32 v9, v7  }
.LBB2_3:
0x42: {  	p0 =	sne.s32 s14, $0x6000;
	v7 =	vld [tilespmem:s13+$0x6C10]  }
0x43: {  	v8 =	vld [tilespmem:s13+$0x6C20];
	v1 =	vadd.f32 v1, v5;
	v3 =	vadd.f32 v3, v6  }
0x44: {  	v5 =	vld [tilespmem:s13+$0x6C30]  }
0x45: {  	v6 =	vld [tilespmem:s13+$0x6C40];
	v1 =	vadd.f32 v2, v1;
	v2 =	vadd.f32 v4, v3  }
0x46: {  	v3 =	vld [tilespmem:s13+$0x6C50]  }
0x47: {  	v0 =	vadd.f32 v0, v1;
	v1 =	vadd.f32 v7, v2;
	v2 =	vld [tilespmem:s13+$0x6C60]  }
0x48: {  	v4 =	vld [tilespmem:s13+$0x6C70]  }
0x49: {  	v0 =	vadd.f32 v8, v0;
	v1 =	vadd.f32 v5, v1;
	v5 =	vld [tilespmem:s13+$0x6C80]  }
0x4a: {  	v7 =	vld [tilespmem:s13+$0x6C90]  }
0x4b: {  	v0 =	vadd.f32 v6, v0;
	v1 =	vadd.f32 v3, v1;
	v6 =	vld [tilespmem:s13+$0x6CA0]  }
0x4c: {  	v8 =	vld [tilespmem:s13+$0x6CB0]  }
.Ltmp2:
0x4d: {  	v0 =	vadd.f32 v2, v0;
	v2 =	vadd.f32 v4, v1;
	v1 =	vld [tilespmem:s13+$0x6CC0];
	(pc) =	sbr.rel @p0 .LBB2_3-.Ltmp2, $4  }
0x4e: {  	v3 =	vld [tilespmem:s13+$0x6CD0]  }
0x4f: {  	v5 =	vadd.f32 v5, v0;
	v7 =	vadd.f32 v7, v2;
	v2 =	vld [tilespmem:s13+$0x6CE0]  }
0x50: {  	v4 =	vld [tilespmem:s13+$0x6CF0];
	s13 =	sshra.s32 s14, $0x2  }
0x51: {  	s14 =	sadd.s32 $0x400, s14;
	v0 =	vld [tilespmem:s13+$0x6C00];
	v5 =	vadd.f32 v6, v5;
	v6 =	vadd.f32 v8, v7  }
0x52: {  	v7 =	vld [tilespmem:s13+$0x6C10]  }
0x53: {  	v8 =	vld [tilespmem:s13+$0x6C20];
	v1 =	vadd.f32 v1, v5  }
0x54: {  	v3 =	vadd.f32 v3, v6;
	v5 =	vld [tilespmem:s13+$0x6C30]  }
0x55: {  	s14 =	sshll.u32 s12, $0x7;
	v6 =	vld [tilespmem:s13+$0x6C40];
	v1 =	vadd.f32 v2, v1  }
0x56: {  	s14 =	sand.u32 $0x3FFFFF80, s14;
	v2 =	vadd.f32 v4, v3;
	v3 =	vld [tilespmem:s13+$0x6C50]  }
0x57: {  	v4 =	vld [tilespmem:s14+$0x6400];
	v0 =	vadd.f32 v0, v1  }
0x58: {  	v1 =	vld [tilespmem:s13+$0x6C60];
	v2 =	vadd.f32 v7, v2  }
0x59: {  	v7 =	vld [tilespmem:s13+$0x6C70];
	v0 =	vadd.f32 v8, v0  }
0x5a: {  	v2 =	vadd.f32 v5, v2;
	v5 =	vld [tilespmem:s13+$0x6C80]  }
0x5b: {  	v8 =	vld [tilespmem:s13+$0x6C90];
	v0 =	vadd.f32 v6, v0  }
0x5c: {  	v2 =	vadd.f32 v3, v2;
	v3 =	vld [tilespmem:s13+$0x6CA0]  }
0x5d: {  	(erf) = vrcp.f32 v4;
	v6 =	vld [tilespmem:s13+$0x6CB0];
	v0 =	vadd.f32 v1, v0  }
0x5e: {  	v1 =	vadd.f32 v7, v2;
	v2 =	vld [tilespmem:s13+$0x6CC0]  }
0x5f: {  	v4 =	vld [tilespmem:s13+$0x6CD0];
	v0 =	vadd.f32 v5, v0  }
0x60: {  	v1 =	vadd.f32 v8, v1;
	v5 =	vld [tilespmem:s13+$0x6CE0]  }
0x61: {  	v7 =	vld [tilespmem:s13+$0x6CF0];
	v0 =	vadd.f32 v3, v0  }
0x62: {  	v1 =	vadd.f32 v6, v1  }
0x63: {  	v0 =	vadd.f32 v2, v0  }
0x64: {  	v1 =	vadd.f32 v4, v1  }
0x65: {  	v0 =	vadd.f32 v5, v0  }
0x66: {  	p0 =	seq.s32 s12, $0xF;
	v2 =	vpop (erf);
	v1 =	vadd.f32 v7, v1  }
0x67: {  	s16 =	sshll.u32 s12, $0x8;
	s14 =	smul.u32 @!p0 $0x1900, s12;
	v0 =	vmul.f32 v2, v0  }
0x68: {  	s13 =	sand.u32 $0x3FFFFF00, s16;
	v1 =	vmul.f32 v2, v1  }
0x69: {  	s14 =	sshra.s32 @!p0 s14, $0x2;
	[tilespmem:s13+$0x13400] =	vst v0  }
0x6a: {  	s15 =	simm.s32 @!p0 $0xC8;
	s16 =	simm.s32 @!p0 $0x6C00;
	[tilespmem:s13+$0x13410] =	vst v1;
	s13 =	sadd.s32 @!p0 $0x640, s14  }
0x6b: {  	[tilespmem:s16], [sflag:$0x1] =	stream.indirect.gather @!p0 [hbm4b:s3+s15], $0x20, s13, s15, $0xb8;
	[tilespmem:$0x14400] =	vst v63  }
0x6c: {  	_ =	swait.ge [sflag:s26], $0x1900  }
0x6d: {  	[sflag:s26] =	ssyncset.done $0x0  }
0x6e: {  	s17 =	simm.s32 $0x0;
	[sflag:s26] =	ssyncadd.s32 $0xFFFFE700  }
0x6f: {  	v0 =	vld [tilespmem:s17+$0x8500]  }
0x70: {  	v1 =	vld [tilespmem:s17+$0x8510]  }
0x71: {  	v2 =	vld [tilespmem:s17+$0x8520]  }
0x72: {  	v3 =	vld [tilespmem:s17+$0x8530]  }
0x73: {  	v4 =	vld [tilespmem:s17+$0x8540]  }
0x74: {  	v5 =	vimm.f32 $0.0e+00;
	v6 =	vld [tilespmem:s17+$0x8550]  }
0x75: {  	v7 =	vld [tilespmem:s17+$0x8570];
	v0 =	vadd.f32 v0, v5;
	v1 =	vadd.f32 v1, v5  }
0x76: {  	v5 =	vld [tilespmem:s17+$0x8560]  }
0x77: {  	v8 =	vld [tilespmem:s17+$0x8590];
	v0 =	vadd.f32 v2, v0;
	v1 =	vadd.f32 v3, v1  }
0x78: {  	v2 =	vld [tilespmem:s17+$0x8580]  }
0x79: {  	v9 =	vld [tilespmem:s17+$0x85B0];
	v0 =	vadd.f32 v4, v0;
	v1 =	vadd.f32 v6, v1  }
0x7a: {  	v6 =	vld [tilespmem:s17+$0x85A0]  }
0x7b: {  	v3 =	vld [tilespmem:s17+$0x85D0];
	v0 =	vadd.f32 v5, v0;
	v4 =	vadd.f32 v7, v1  }
0x7c: {  	v1 =	vld [tilespmem:s17+$0x85C0]  }
0x7d: {  	v5 =	vadd.f32 v2, v0;
	v7 =	vadd.f32 v8, v4;
	v2 =	vld [tilespmem:s17+$0x85E0]  }
0x7e: {  	s15 =	simm.s32 $0x100;
	v4 =	vld [tilespmem:s17+$0x85F0]  }
0x7f: {  	s13 =	sshll.u32 s12, $0x3;
	s16 =	simm.s32 $0x800;
	v0 =	vld [tilespmem:s15+$0x8500];
	v5 =	vadd.f32 v6, v5;
	v6 =	vadd.f32 v9, v7  }
.LBB2_5:
0x80: {  	p1 =	sne.s32 s16, $0x6000;
	v7 =	vld [tilespmem:s15+$0x8510]  }
0x81: {  	v8 =	vld [tilespmem:s15+$0x8520];
	v1 =	vadd.f32 v1, v5;
	v3 =	vadd.f32 v3, v6  }
0x82: {  	v5 =	vld [tilespmem:s15+$0x8530]  }
0x83: {  	v6 =	vld [tilespmem:s15+$0x8540];
	v1 =	vadd.f32 v2, v1;
	v2 =	vadd.f32 v4, v3  }
0x84: {  	v3 =	vld [tilespmem:s15+$0x8550]  }
0x85: {  	v0 =	vadd.f32 v0, v1;
	v1 =	vadd.f32 v7, v2;
	v2 =	vld [tilespmem:s15+$0x8560]  }
0x86: {  	v4 =	vld [tilespmem:s15+$0x8570]  }
0x87: {  	v0 =	vadd.f32 v8, v0;
	v1 =	vadd.f32 v5, v1;
	v5 =	vld [tilespmem:s15+$0x8580]  }
0x88: {  	v7 =	vld [tilespmem:s15+$0x8590]  }
0x89: {  	v0 =	vadd.f32 v6, v0;
	v1 =	vadd.f32 v3, v1;
	v6 =	vld [tilespmem:s15+$0x85A0]  }
0x8a: {  	v8 =	vld [tilespmem:s15+$0x85B0]  }
.Ltmp3:
0x8b: {  	v0 =	vadd.f32 v2, v0;
	v2 =	vadd.f32 v4, v1;
	v1 =	vld [tilespmem:s15+$0x85C0];
	(pc) =	sbr.rel @p1 .LBB2_5-.Ltmp3, $4  }
0x8c: {  	v3 =	vld [tilespmem:s15+$0x85D0]  }
0x8d: {  	v5 =	vadd.f32 v5, v0;
	v7 =	vadd.f32 v7, v2;
	v2 =	vld [tilespmem:s15+$0x85E0]  }
0x8e: {  	v4 =	vld [tilespmem:s15+$0x85F0];
	s15 =	sshra.s32 s16, $0x2  }
0x8f: {  	s16 =	sadd.s32 $0x400, s16;
	v0 =	vld [tilespmem:s15+$0x8500];
	v5 =	vadd.f32 v6, v5;
	v6 =	vadd.f32 v8, v7  }
0x90: {  	v7 =	vld [tilespmem:s15+$0x8510]  }
0x91: {  	v8 =	vld [tilespmem:s15+$0x8520];
	v1 =	vadd.f32 v1, v5  }
0x92: {  	s16 =	sor.u32 $0x1, s13;
	v3 =	vadd.f32 v3, v6;
	v5 =	vld [tilespmem:s15+$0x8530]  }
0x93: {  	v6 =	vld [tilespmem:s15+$0x8540];
	s17 =	sshll.u32 s16, $0x4;
	v1 =	vadd.f32 v2, v1  }
0x94: {  	s17 =	sand.u32 $0x3FFFFFF0, s17;
	v2 =	vadd.f32 v4, v3;
	v3 =	vld [tilespmem:s15+$0x8550]  }
0x95: {  	v4 =	vld [tilespmem:s17+$0x6400];
	v0 =	vadd.f32 v0, v1  }
0x96: {  	v1 =	vld [tilespmem:s15+$0x8560];
	v2 =	vadd.f32 v7, v2  }
0x97: {  	v7 =	vld [tilespmem:s15+$0x8570];
	v0 =	vadd.f32 v8, v0  }
0x98: {  	v2 =	vadd.f32 v5, v2;
	v5 =	vld [tilespmem:s15+$0x8580]  }
0x99: {  	v8 =	vld [tilespmem:s15+$0x8590];
	v0 =	vadd.f32 v6, v0  }
0x9a: {  	v2 =	vadd.f32 v3, v2;
	v3 =	vld [tilespmem:s15+$0x85A0]  }
0x9b: {  	(erf) = vrcp.f32 v4;
	v6 =	vld [tilespmem:s15+$0x85B0];
	v0 =	vadd.f32 v1, v0  }
0x9c: {  	v1 =	vadd.f32 v7, v2;
	v2 =	vld [tilespmem:s15+$0x85C0]  }
0x9d: {  	v4 =	vld [tilespmem:s15+$0x85D0];
	v0 =	vadd.f32 v5, v0  }
0x9e: {  	v1 =	vadd.f32 v8, v1;
	v5 =	vld [tilespmem:s15+$0x85E0]  }
0x9f: {  	v7 =	vld [tilespmem:s15+$0x85F0];
	v0 =	vadd.f32 v3, v0  }
0xa0: {  	v1 =	vadd.f32 v6, v1  }
0xa1: {  	v0 =	vadd.f32 v2, v0  }
0xa2: {  	v1 =	vadd.f32 v4, v1  }
0xa3: {  	v0 =	vadd.f32 v5, v0  }
0xa4: {  	v2 =	vpop (erf);
	v1 =	vadd.f32 v7, v1  }
0xa5: {  	s16 =	sshll.u32 s16, $0x5;
	v0 =	vmul.f32 v2, v0  }
0xa6: {  	s15 =	sand.u32 $0x3FFFFFE0, s16;
	v1 =	vmul.f32 v2, v1  }
0xa7: {  	[tilespmem:s15+$0x13400] =	vst v0  }
0xa8: {  	s17 =	simm.s32 @!p0 $0x8500;
	s16 =	simm.s32 @!p0 $0xC8;
	[tilespmem:s15+$0x13410] =	vst v1;
	s15 =	sadd.s32 @!p0 $0x708, s14  }
0xa9: {  	[tilespmem:s17], [sflag:$0x2] =	stream.indirect.gather @!p0 [hbm4b:s3+s16], $0x20, s15, s16, $0xb8;
	[tilespmem:$0x14400] =	vst v63  }
0xaa: {  	_ =	swait.ge [sflag:s28], $0x1900  }
0xab: {  	[sflag:s28] =	ssyncset.done $0x0  }
0xac: {  	s17 =	simm.s32 $0x0;
	[sflag:s28] =	ssyncadd.s32 $0xFFFFE700  }
0xad: {  	v0 =	vld [tilespmem:s17+$0x9E00]  }
0xae: {  	v1 =	vld [tilespmem:s17+$0x9E10]  }
0xaf: {  	v2 =	vld [tilespmem:s17+$0x9E20]  }
0xb0: {  	v3 =	vld [tilespmem:s17+$0x9E30]  }
0xb1: {  	v4 =	vld [tilespmem:s17+$0x9E40]  }
0xb2: {  	v5 =	vimm.f32 $0.0e+00;
	v6 =	vld [tilespmem:s17+$0x9E50]  }
0xb3: {  	v7 =	vld [tilespmem:s17+$0x9E70];
	v0 =	vadd.f32 v0, v5;
	v1 =	vadd.f32 v1, v5  }
0xb4: {  	v5 =	vld [tilespmem:s17+$0x9E60]  }
0xb5: {  	v8 =	vld [tilespmem:s17+$0x9E90];
	v0 =	vadd.f32 v2, v0;
	v1 =	vadd.f32 v3, v1  }
0xb6: {  	v2 =	vld [tilespmem:s17+$0x9E80]  }
0xb7: {  	v9 =	vld [tilespmem:s17+$0x9EB0];
	v0 =	vadd.f32 v4, v0;
	v1 =	vadd.f32 v6, v1  }
0xb8: {  	v6 =	vld [tilespmem:s17+$0x9EA0]  }
0xb9: {  	v3 =	vld [tilespmem:s17+$0x9ED0];
	v0 =	vadd.f32 v5, v0;
	v4 =	vadd.f32 v7, v1  }
0xba: {  	v1 =	vld [tilespmem:s17+$0x9EC0]  }
0xbb: {  	v5 =	vadd.f32 v2, v0;
	v7 =	vadd.f32 v8, v4;
	v2 =	vld [tilespmem:s17+$0x9EE0]  }
0xbc: {  	s15 =	simm.s32 $0x100;
	v4 =	vld [tilespmem:s17+$0x9EF0]  }
0xbd: {  	s16 =	simm.s32 $0x800;
	v0 =	vld [tilespmem:s15+$0x9E00];
	v5 =	vadd.f32 v6, v5;
	v6 =	vadd.f32 v9, v7  }
.LBB2_7:
0xbe: {  	p1 =	sne.s32 s16, $0x6000;
	v7 =	vld [tilespmem:s15+$0x9E10]  }
0xbf: {  	v8 =	vld [tilespmem:s15+$0x9E20];
	v1 =	vadd.f32 v1, v5;
	v3 =	vadd.f32 v3, v6  }
0xc0: {  	v5 =	vld [tilespmem:s15+$0x9E30]  }
0xc1: {  	v6 =	vld [tilespmem:s15+$0x9E40];
	v1 =	vadd.f32 v2, v1;
	v2 =	vadd.f32 v4, v3  }
0xc2: {  	v3 =	vld [tilespmem:s15+$0x9E50]  }
0xc3: {  	v0 =	vadd.f32 v0, v1;
	v1 =	vadd.f32 v7, v2;
	v2 =	vld [tilespmem:s15+$0x9E60]  }
0xc4: {  	v4 =	vld [tilespmem:s15+$0x9E70]  }
0xc5: {  	v0 =	vadd.f32 v8, v0;
	v1 =	vadd.f32 v5, v1;
	v5 =	vld [tilespmem:s15+$0x9E80]  }
0xc6: {  	v7 =	vld [tilespmem:s15+$0x9E90]  }
0xc7: {  	v0 =	vadd.f32 v6, v0;
	v1 =	vadd.f32 v3, v1;
	v6 =	vld [tilespmem:s15+$0x9EA0]  }
0xc8: {  	v8 =	vld [tilespmem:s15+$0x9EB0]  }
.Ltmp4:
0xc9: {  	v0 =	vadd.f32 v2, v0;
	v2 =	vadd.f32 v4, v1;
	v1 =	vld [tilespmem:s15+$0x9EC0];
	(pc) =	sbr.rel @p1 .LBB2_7-.Ltmp4, $4  }
0xca: {  	v3 =	vld [tilespmem:s15+$0x9ED0]  }
0xcb: {  	v5 =	vadd.f32 v5, v0;
	v7 =	vadd.f32 v7, v2;
	v2 =	vld [tilespmem:s15+$0x9EE0]  }
0xcc: {  	v4 =	vld [tilespmem:s15+$0x9EF0];
	s15 =	sshra.s32 s16, $0x2  }
0xcd: {  	s16 =	sadd.s32 $0x400, s16;
	v0 =	vld [tilespmem:s15+$0x9E00];
	v5 =	vadd.f32 v6, v5;
	v6 =	vadd.f32 v8, v7  }
0xce: {  	v7 =	vld [tilespmem:s15+$0x9E10]  }
0xcf: {  	v8 =	vld [tilespmem:s15+$0x9E20];
	v1 =	vadd.f32 v1, v5  }
0xd0: {  	s16 =	sor.u32 $0x2, s13;
	v3 =	vadd.f32 v3, v6;
	v5 =	vld [tilespmem:s15+$0x9E30]  }
0xd1: {  	v6 =	vld [tilespmem:s15+$0x9E40];
	s17 =	sshll.u32 s16, $0x4;
	v1 =	vadd.f32 v2, v1  }
0xd2: {  	s17 =	sand.u32 $0x3FFFFFF0, s17;
	v2 =	vadd.f32 v4, v3;
	v3 =	vld [tilespmem:s15+$0x9E50]  }
0xd3: {  	v4 =	vld [tilespmem:s17+$0x6400];
	v0 =	vadd.f32 v0, v1  }
0xd4: {  	v1 =	vld [tilespmem:s15+$0x9E60];
	v2 =	vadd.f32 v7, v2  }
0xd5: {  	v7 =	vld [tilespmem:s15+$0x9E70];
	v0 =	vadd.f32 v8, v0  }
0xd6: {  	v2 =	vadd.f32 v5, v2;
	v5 =	vld [tilespmem:s15+$0x9E80]  }
0xd7: {  	v8 =	vld [tilespmem:s15+$0x9E90];
	v0 =	vadd.f32 v6, v0  }
0xd8: {  	v2 =	vadd.f32 v3, v2;
	v3 =	vld [tilespmem:s15+$0x9EA0]  }
0xd9: {  	(erf) = vrcp.f32 v4;
	v6 =	vld [tilespmem:s15+$0x9EB0];
	v0 =	vadd.f32 v1, v0  }
0xda: {  	v1 =	vadd.f32 v7, v2;
	v2 =	vld [tilespmem:s15+$0x9EC0]  }
0xdb: {  	v4 =	vld [tilespmem:s15+$0x9ED0];
	v0 =	vadd.f32 v5, v0  }
0xdc: {  	v1 =	vadd.f32 v8, v1;
	v5 =	vld [tilespmem:s15+$0x9EE0]  }
0xdd: {  	v7 =	vld [tilespmem:s15+$0x9EF0];
	v0 =	vadd.f32 v3, v0  }
0xde: {  	v1 =	vadd.f32 v6, v1  }
0xdf: {  	v0 =	vadd.f32 v2, v0  }
0xe0: {  	v1 =	vadd.f32 v4, v1  }
0xe1: {  	v0 =	vadd.f32 v5, v0  }
0xe2: {  	v2 =	vpop (erf);
	v1 =	vadd.f32 v7, v1  }
0xe3: {  	s16 =	sshll.u32 s16, $0x5;
	v0 =	vmul.f32 v2, v0  }
0xe4: {  	s15 =	sand.u32 $0x3FFFFFE0, s16;
	v1 =	vmul.f32 v2, v1  }
0xe5: {  	[tilespmem:s15+$0x13400] =	vst v0  }
0xe6: {  	s17 =	simm.s32 @!p0 $0x9E00;
	s16 =	simm.s32 @!p0 $0xC8;
	[tilespmem:s15+$0x13410] =	vst v1;
	s15 =	sadd.s32 @!p0 $0x7D0, s14  }
0xe7: {  	[tilespmem:s17], [sflag:$0x3] =	stream.indirect.gather @!p0 [hbm4b:s3+s16], $0x20, s15, s16, $0xb8;
	[tilespmem:$0x14400] =	vst v63  }
0xe8: {  	_ =	swait.ge [sflag:s29], $0x1900  }
0xe9: {  	[sflag:s29] =	ssyncset.done $0x0  }
0xea: {  	s17 =	simm.s32 $0x0;
	[sflag:s29] =	ssyncadd.s32 $0xFFFFE700  }
0xeb: {  	v0 =	vld [tilespmem:s17+$0xB700]  }
0xec: {  	v1 =	vld [tilespmem:s17+$0xB710]  }
0xed: {  	v2 =	vld [tilespmem:s17+$0xB720]  }
0xee: {  	v3 =	vld [tilespmem:s17+$0xB730]  }
0xef: {  	v4 =	vld [tilespmem:s17+$0xB740]  }
0xf0: {  	v5 =	vimm.f32 $0.0e+00;
	v6 =	vld [tilespmem:s17+$0xB750]  }
0xf1: {  	v7 =	vld [tilespmem:s17+$0xB770];
	v0 =	vadd.f32 v0, v5;
	v1 =	vadd.f32 v1, v5  }
0xf2: {  	v5 =	vld [tilespmem:s17+$0xB760]  }
0xf3: {  	v8 =	vld [tilespmem:s17+$0xB790];
	v0 =	vadd.f32 v2, v0;
	v1 =	vadd.f32 v3, v1  }
0xf4: {  	v2 =	vld [tilespmem:s17+$0xB780]  }
0xf5: {  	v9 =	vld [tilespmem:s17+$0xB7B0];
	v0 =	vadd.f32 v4, v0;
	v1 =	vadd.f32 v6, v1  }
0xf6: {  	v6 =	vld [tilespmem:s17+$0xB7A0]  }
0xf7: {  	v3 =	vld [tilespmem:s17+$0xB7D0];
	v0 =	vadd.f32 v5, v0;
	v4 =	vadd.f32 v7, v1  }
0xf8: {  	v1 =	vld [tilespmem:s17+$0xB7C0]  }
0xf9: {  	v5 =	vadd.f32 v2, v0;
	v7 =	vadd.f32 v8, v4;
	v2 =	vld [tilespmem:s17+$0xB7E0]  }
0xfa: {  	s15 =	simm.s32 $0x100;
	v4 =	vld [tilespmem:s17+$0xB7F0]  }
0xfb: {  	s16 =	simm.s32 $0x800;
	v0 =	vld [tilespmem:s15+$0xB700];
	v5 =	vadd.f32 v6, v5;
	v6 =	vadd.f32 v9, v7  }
.LBB2_9:
0xfc: {  	p1 =	sne.s32 s16, $0x6000;
	v7 =	vld [tilespmem:s15+$0xB710]  }
0xfd: {  	v8 =	vld [tilespmem:s15+$0xB720];
	v1 =	vadd.f32 v1, v5;
	v3 =	vadd.f32 v3, v6  }
0xfe: {  	v5 =	vld [tilespmem:s15+$0xB730]  }
0xff: {  	v6 =	vld [tilespmem:s15+$0xB740];
	v1 =	vadd.f32 v2, v1;
	v2 =	vadd.f32 v4, v3  }
0x100: {  	v3 =	vld [tilespmem:s15+$0xB750]  }
0x101: {  	v0 =	vadd.f32 v0, v1;
	v1 =	vadd.f32 v7, v2;
	v2 =	vld [tilespmem:s15+$0xB760]  }
0x102: {  	v4 =	vld [tilespmem:s15+$0xB770]  }
0x103: {  	v0 =	vadd.f32 v8, v0;
	v1 =	vadd.f32 v5, v1;
	v5 =	vld [tilespmem:s15+$0xB780]  }
0x104: {  	v7 =	vld [tilespmem:s15+$0xB790]  }
0x105: {  	v0 =	vadd.f32 v6, v0;
	v1 =	vadd.f32 v3, v1;
	v6 =	vld [tilespmem:s15+$0xB7A0]  }
0x106: {  	v8 =	vld [tilespmem:s15+$0xB7B0]  }
.Ltmp5:
0x107: {  	v0 =	vadd.f32 v2, v0;
	v2 =	vadd.f32 v4, v1;
	v1 =	vld [tilespmem:s15+$0xB7C0];
	(pc) =	sbr.rel @p1 .LBB2_9-.Ltmp5, $4  }
0x108: {  	v3 =	vld [tilespmem:s15+$0xB7D0]  }
0x109: {  	v5 =	vadd.f32 v5, v0;
	v7 =	vadd.f32 v7, v2;
	v2 =	vld [tilespmem:s15+$0xB7E0]  }
0x10a: {  	v4 =	vld [tilespmem:s15+$0xB7F0];
	s15 =	sshra.s32 s16, $0x2  }
0x10b: {  	s16 =	sadd.s32 $0x400, s16;
	v0 =	vld [tilespmem:s15+$0xB700];
	v5 =	vadd.f32 v6, v5;
	v6 =	vadd.f32 v8, v7  }
0x10c: {  	v7 =	vld [tilespmem:s15+$0xB710]  }
0x10d: {  	v8 =	vld [tilespmem:s15+$0xB720];
	v1 =	vadd.f32 v1, v5  }
0x10e: {  	s16 =	sor.u32 $0x3, s13;
	v3 =	vadd.f32 v3, v6;
	v5 =	vld [tilespmem:s15+$0xB730]  }
0x10f: {  	v6 =	vld [tilespmem:s15+$0xB740];
	s17 =	sshll.u32 s16, $0x4;
	v1 =	vadd.f32 v2, v1  }
0x110: {  	s17 =	sand.u32 $0x3FFFFFF0, s17;
	v2 =	vadd.f32 v4, v3;
	v3 =	vld [tilespmem:s15+$0xB750]  }
0x111: {  	v4 =	vld [tilespmem:s17+$0x6400];
	v0 =	vadd.f32 v0, v1  }
0x112: {  	v1 =	vld [tilespmem:s15+$0xB760];
	v2 =	vadd.f32 v7, v2  }
0x113: {  	v7 =	vld [tilespmem:s15+$0xB770];
	v0 =	vadd.f32 v8, v0  }
0x114: {  	v2 =	vadd.f32 v5, v2;
	v5 =	vld [tilespmem:s15+$0xB780]  }
0x115: {  	v8 =	vld [tilespmem:s15+$0xB790];
	v0 =	vadd.f32 v6, v0  }
0x116: {  	v2 =	vadd.f32 v3, v2;
	v3 =	vld [tilespmem:s15+$0xB7A0]  }
0x117: {  	(erf) = vrcp.f32 v4;
	v6 =	vld [tilespmem:s15+$0xB7B0];
	v0 =	vadd.f32 v1, v0  }
0x118: {  	v1 =	vadd.f32 v7, v2;
	v2 =	vld [tilespmem:s15+$0xB7C0]  }
0x119: {  	v4 =	vld [tilespmem:s15+$0xB7D0];
	v0 =	vadd.f32 v5, v0  }
0x11a: {  	v1 =	vadd.f32 v8, v1;
	v5 =	vld [tilespmem:s15+$0xB7E0]  }
0x11b: {  	v7 =	vld [tilespmem:s15+$0xB7F0];
	v0 =	vadd.f32 v3, v0  }
0x11c: {  	v1 =	vadd.f32 v6, v1  }
0x11d: {  	v0 =	vadd.f32 v2, v0  }
0x11e: {  	v1 =	vadd.f32 v4, v1  }
0x11f: {  	v0 =	vadd.f32 v5, v0  }
0x120: {  	v2 =	vpop (erf);
	v1 =	vadd.f32 v7, v1  }
0x121: {  	s16 =	sshll.u32 s16, $0x5;
	v0 =	vmul.f32 v2, v0  }
0x122: {  	s15 =	sand.u32 $0x3FFFFFE0, s16;
	v1 =	vmul.f32 v2, v1  }
0x123: {  	[tilespmem:s15+$0x13400] =	vst v0  }
0x124: {  	s17 =	simm.s32 @!p0 $0xB700;
	s16 =	simm.s32 @!p0 $0xC8;
	[tilespmem:s15+$0x13410] =	vst v1;
	s15 =	sadd.s32 @!p0 $0x898, s14  }
0x125: {  	[tilespmem:s17], [sflag:$0x4] =	stream.indirect.gather @!p0 [hbm4b:s3+s16], $0x20, s15, s16, $0xb8;
	[tilespmem:$0x14400] =	vst v63  }
0x126: {  	_ =	swait.ge [sflag:s30], $0x1900  }
0x127: {  	[sflag:s30] =	ssyncset.done $0x0  }
0x128: {  	s17 =	simm.s32 $0x0;
	[sflag:s30] =	ssyncadd.s32 $0xFFFFE700  }
0x129: {  	v0 =	vld [tilespmem:s17+$0xD000]  }
0x12a: {  	v1 =	vld [tilespmem:s17+$0xD010]  }
0x12b: {  	v2 =	vld [tilespmem:s17+$0xD020]  }
0x12c: {  	v3 =	vld [tilespmem:s17+$0xD030]  }
0x12d: {  	v4 =	vld [tilespmem:s17+$0xD040]  }
0x12e: {  	v5 =	vimm.f32 $0.0e+00;
	v6 =	vld [tilespmem:s17+$0xD050]  }
0x12f: {  	v7 =	vld [tilespmem:s17+$0xD070];
	v0 =	vadd.f32 v0, v5;
	v1 =	vadd.f32 v1, v5  }
0x130: {  	v5 =	vld [tilespmem:s17+$0xD060]  }
0x131: {  	v8 =	vld [tilespmem:s17+$0xD090];
	v0 =	vadd.f32 v2, v0;
	v1 =	vadd.f32 v3, v1  }
0x132: {  	v2 =	vld [tilespmem:s17+$0xD080]  }
0x133: {  	v9 =	vld [tilespmem:s17+$0xD0B0];
	v0 =	vadd.f32 v4, v0;
	v1 =	vadd.f32 v6, v1  }
0x134: {  	v6 =	vld [tilespmem:s17+$0xD0A0]  }
0x135: {  	v3 =	vld [tilespmem:s17+$0xD0D0];
	v0 =	vadd.f32 v5, v0;
	v4 =	vadd.f32 v7, v1  }
0x136: {  	v1 =	vld [tilespmem:s17+$0xD0C0]  }
0x137: {  	v5 =	vadd.f32 v2, v0;
	v7 =	vadd.f32 v8, v4;
	v2 =	vld [tilespmem:s17+$0xD0E0]  }
0x138: {  	s15 =	simm.s32 $0x100;
	v4 =	vld [tilespmem:s17+$0xD0F0]  }
0x139: {  	s16 =	simm.s32 $0x800;
	v0 =	vld [tilespmem:s15+$0xD000];
	v5 =	vadd.f32 v6, v5;
	v6 =	vadd.f32 v9, v7  }
.LBB2_11:
0x13a: {  	p1 =	sne.s32 s16, $0x6000;
	v7 =	vld [tilespmem:s15+$0xD010]  }
0x13b: {  	v8 =	vld [tilespmem:s15+$0xD020];
	v1 =	vadd.f32 v1, v5;
	v3 =	vadd.f32 v3, v6  }
0x13c: {  	v5 =	vld [tilespmem:s15+$0xD030]  }
0x13d: {  	v6 =	vld [tilespmem:s15+$0xD040];
	v1 =	vadd.f32 v2, v1;
	v2 =	vadd.f32 v4, v3  }
0x13e: {  	v3 =	vld [tilespmem:s15+$0xD050]  }
0x13f: {  	v0 =	vadd.f32 v0, v1;
	v1 =	vadd.f32 v7, v2;
	v2 =	vld [tilespmem:s15+$0xD060]  }
0x140: {  	v4 =	vld [tilespmem:s15+$0xD070]  }
0x141: {  	v0 =	vadd.f32 v8, v0;
	v1 =	vadd.f32 v5, v1;
	v5 =	vld [tilespmem:s15+$0xD080]  }
0x142: {  	v7 =	vld [tilespmem:s15+$0xD090]  }
0x143: {  	v0 =	vadd.f32 v6, v0;
	v1 =	vadd.f32 v3, v1;
	v6 =	vld [tilespmem:s15+$0xD0A0]  }
0x144: {  	v8 =	vld [tilespmem:s15+$0xD0B0]  }
.Ltmp6:
0x145: {  	v0 =	vadd.f32 v2, v0;
	v2 =	vadd.f32 v4, v1;
	v1 =	vld [tilespmem:s15+$0xD0C0];
	(pc) =	sbr.rel @p1 .LBB2_11-.Ltmp6, $4  }
0x146: {  	v3 =	vld [tilespmem:s15+$0xD0D0]  }
0x147: {  	v5 =	vadd.f32 v5, v0;
	v7 =	vadd.f32 v7, v2;
	v2 =	vld [tilespmem:s15+$0xD0E0]  }
0x148: {  	v4 =	vld [tilespmem:s15+$0xD0F0];
	s15 =	sshra.s32 s16, $0x2  }
0x149: {  	s16 =	sadd.s32 $0x400, s16;
	v0 =	vld [tilespmem:s15+$0xD000];
	v5 =	vadd.f32 v6, v5;
	v6 =	vadd.f32 v8, v7  }
0x14a: {  	v7 =	vld [tilespmem:s15+$0xD010]  }
0x14b: {  	v8 =	vld [tilespmem:s15+$0xD020];
	v1 =	vadd.f32 v1, v5  }
0x14c: {  	s16 =	sor.u32 $0x4, s13;
	v3 =	vadd.f32 v3, v6;
	v5 =	vld [tilespmem:s15+$0xD030]  }
0x14d: {  	v6 =	vld [tilespmem:s15+$0xD040];
	s17 =	sshll.u32 s16, $0x4;
	v1 =	vadd.f32 v2, v1  }
0x14e: {  	s17 =	sand.u32 $0x3FFFFFF0, s17;
	v2 =	vadd.f32 v4, v3;
	v3 =	vld [tilespmem:s15+$0xD050]  }
0x14f: {  	v4 =	vld [tilespmem:s17+$0x6400];
	v0 =	vadd.f32 v0, v1  }
0x150: {  	v1 =	vld [tilespmem:s15+$0xD060];
	v2 =	vadd.f32 v7, v2  }
0x151: {  	v7 =	vld [tilespmem:s15+$0xD070];
	v0 =	vadd.f32 v8, v0  }
0x152: {  	v2 =	vadd.f32 v5, v2;
	v5 =	vld [tilespmem:s15+$0xD080]  }
0x153: {  	v8 =	vld [tilespmem:s15+$0xD090];
	v0 =	vadd.f32 v6, v0  }
0x154: {  	v2 =	vadd.f32 v3, v2;
	v3 =	vld [tilespmem:s15+$0xD0A0]  }
0x155: {  	(erf) = vrcp.f32 v4;
	v6 =	vld [tilespmem:s15+$0xD0B0];
	v0 =	vadd.f32 v1, v0  }
0x156: {  	v1 =	vadd.f32 v7, v2;
	v2 =	vld [tilespmem:s15+$0xD0C0]  }
0x157: {  	v4 =	vld [tilespmem:s15+$0xD0D0];
	v0 =	vadd.f32 v5, v0  }
0x158: {  	v1 =	vadd.f32 v8, v1;
	v5 =	vld [tilespmem:s15+$0xD0E0]  }
0x159: {  	v7 =	vld [tilespmem:s15+$0xD0F0];
	v0 =	vadd.f32 v3, v0  }
0x15a: {  	v1 =	vadd.f32 v6, v1  }
0x15b: {  	v0 =	vadd.f32 v2, v0  }
0x15c: {  	v1 =	vadd.f32 v4, v1  }
0x15d: {  	v0 =	vadd.f32 v5, v0  }
0x15e: {  	v2 =	vpop (erf);
	v1 =	vadd.f32 v7, v1  }
0x15f: {  	s16 =	sshll.u32 s16, $0x5;
	v0 =	vmul.f32 v2, v0  }
0x160: {  	s15 =	sand.u32 $0x3FFFFFE0, s16;
	v1 =	vmul.f32 v2, v1  }
0x161: {  	[tilespmem:s15+$0x13400] =	vst v0  }
0x162: {  	s17 =	simm.s32 @!p0 $0xD000;
	s16 =	simm.s32 @!p0 $0xC8;
	[tilespmem:s15+$0x13410] =	vst v1;
	s15 =	sadd.s32 @!p0 $0x960, s14  }
0x163: {  	[tilespmem:s17], [sflag:$0x5] =	stream.indirect.gather @!p0 [hbm4b:s3+s16], $0x20, s15, s16, $0xb8;
	[tilespmem:$0x14400] =	vst v63  }
0x164: {  	_ =	swait.ge [sflag:s31], $0x1900  }
0x165: {  	[sflag:s31] =	ssyncset.done $0x0  }
0x166: {  	s17 =	simm.s32 $0x0;
	[sflag:s31] =	ssyncadd.s32 $0xFFFFE700  }
0x167: {  	v0 =	vld [tilespmem:s17+$0xE900]  }
0x168: {  	v1 =	vld [tilespmem:s17+$0xE910]  }
0x169: {  	v2 =	vld [tilespmem:s17+$0xE920]  }
0x16a: {  	v3 =	vld [tilespmem:s17+$0xE930]  }
0x16b: {  	v4 =	vld [tilespmem:s17+$0xE940]  }
0x16c: {  	v5 =	vimm.f32 $0.0e+00;
	v6 =	vld [tilespmem:s17+$0xE950]  }
0x16d: {  	v7 =	vld [tilespmem:s17+$0xE970];
	v0 =	vadd.f32 v0, v5;
	v1 =	vadd.f32 v1, v5  }
0x16e: {  	v5 =	vld [tilespmem:s17+$0xE960]  }
0x16f: {  	v8 =	vld [tilespmem:s17+$0xE990];
	v0 =	vadd.f32 v2, v0;
	v1 =	vadd.f32 v3, v1  }
0x170: {  	v2 =	vld [tilespmem:s17+$0xE980]  }
0x171: {  	v9 =	vld [tilespmem:s17+$0xE9B0];
	v0 =	vadd.f32 v4, v0;
	v1 =	vadd.f32 v6, v1  }
0x172: {  	v6 =	vld [tilespmem:s17+$0xE9A0]  }
0x173: {  	v3 =	vld [tilespmem:s17+$0xE9D0];
	v0 =	vadd.f32 v5, v0;
	v4 =	vadd.f32 v7, v1  }
0x174: {  	v1 =	vld [tilespmem:s17+$0xE9C0]  }
0x175: {  	v5 =	vadd.f32 v2, v0;
	v7 =	vadd.f32 v8, v4;
	v2 =	vld [tilespmem:s17+$0xE9E0]  }
0x176: {  	s15 =	simm.s32 $0x100;
	v4 =	vld [tilespmem:s17+$0xE9F0]  }
0x177: {  	s16 =	simm.s32 $0x800;
	v0 =	vld [tilespmem:s15+$0xE900];
	v5 =	vadd.f32 v6, v5;
	v6 =	vadd.f32 v9, v7  }
.LBB2_13:
0x178: {  	p1 =	sne.s32 s16, $0x6000;
	v7 =	vld [tilespmem:s15+$0xE910]  }
0x179: {  	v8 =	vld [tilespmem:s15+$0xE920];
	v1 =	vadd.f32 v1, v5;
	v3 =	vadd.f32 v3, v6  }
0x17a: {  	v5 =	vld [tilespmem:s15+$0xE930]  }
0x17b: {  	v6 =	vld [tilespmem:s15+$0xE940];
	v1 =	vadd.f32 v2, v1;
	v2 =	vadd.f32 v4, v3  }
0x17c: {  	v3 =	vld [tilespmem:s15+$0xE950]  }
0x17d: {  	v0 =	vadd.f32 v0, v1;
	v1 =	vadd.f32 v7, v2;
	v2 =	vld [tilespmem:s15+$0xE960]  }
0x17e: {  	v4 =	vld [tilespmem:s15+$0xE970]  }
0x17f: {  	v0 =	vadd.f32 v8, v0;
	v1 =	vadd.f32 v5, v1;
	v5 =	vld [tilespmem:s15+$0xE980]  }
0x180: {  	v7 =	vld [tilespmem:s15+$0xE990]  }
0x181: {  	v0 =	vadd.f32 v6, v0;
	v1 =	vadd.f32 v3, v1;
	v6 =	vld [tilespmem:s15+$0xE9A0]  }
0x182: {  	v8 =	vld [tilespmem:s15+$0xE9B0]  }
.Ltmp7:
0x183: {  	v0 =	vadd.f32 v2, v0;
	v2 =	vadd.f32 v4, v1;
	v1 =	vld [tilespmem:s15+$0xE9C0];
	(pc) =	sbr.rel @p1 .LBB2_13-.Ltmp7, $4  }
0x184: {  	v3 =	vld [tilespmem:s15+$0xE9D0]  }
0x185: {  	v5 =	vadd.f32 v5, v0;
	v7 =	vadd.f32 v7, v2;
	v2 =	vld [tilespmem:s15+$0xE9E0]  }
0x186: {  	v4 =	vld [tilespmem:s15+$0xE9F0];
	s15 =	sshra.s32 s16, $0x2  }
0x187: {  	s16 =	sadd.s32 $0x400, s16;
	v0 =	vld [tilespmem:s15+$0xE900];
	v5 =	vadd.f32 v6, v5;
	v6 =	vadd.f32 v8, v7  }
0x188: {  	v7 =	vld [tilespmem:s15+$0xE910]  }
0x189: {  	v8 =	vld [tilespmem:s15+$0xE920];
	v1 =	vadd.f32 v1, v5  }
0x18a: {  	s16 =	sor.u32 $0x5, s13;
	v3 =	vadd.f32 v3, v6;
	v5 =	vld [tilespmem:s15+$0xE930]  }
0x18b: {  	v6 =	vld [tilespmem:s15+$0xE940];
	s17 =	sshll.u32 s16, $0x4;
	v1 =	vadd.f32 v2, v1  }
0x18c: {  	s17 =	sand.u32 $0x3FFFFFF0, s17;
	v2 =	vadd.f32 v4, v3;
	v3 =	vld [tilespmem:s15+$0xE950]  }
0x18d: {  	v4 =	vld [tilespmem:s17+$0x6400];
	v0 =	vadd.f32 v0, v1  }
0x18e: {  	v1 =	vld [tilespmem:s15+$0xE960];
	v2 =	vadd.f32 v7, v2  }
0x18f: {  	v7 =	vld [tilespmem:s15+$0xE970];
	v0 =	vadd.f32 v8, v0  }
0x190: {  	v2 =	vadd.f32 v5, v2;
	v5 =	vld [tilespmem:s15+$0xE980]  }
0x191: {  	v8 =	vld [tilespmem:s15+$0xE990];
	v0 =	vadd.f32 v6, v0  }
0x192: {  	v2 =	vadd.f32 v3, v2;
	v3 =	vld [tilespmem:s15+$0xE9A0]  }
0x193: {  	(erf) = vrcp.f32 v4;
	v6 =	vld [tilespmem:s15+$0xE9B0];
	v0 =	vadd.f32 v1, v0  }
0x194: {  	v1 =	vadd.f32 v7, v2;
	v2 =	vld [tilespmem:s15+$0xE9C0]  }
0x195: {  	v4 =	vld [tilespmem:s15+$0xE9D0];
	v0 =	vadd.f32 v5, v0  }
0x196: {  	v1 =	vadd.f32 v8, v1;
	v5 =	vld [tilespmem:s15+$0xE9E0]  }
0x197: {  	v7 =	vld [tilespmem:s15+$0xE9F0];
	v0 =	vadd.f32 v3, v0  }
0x198: {  	v1 =	vadd.f32 v6, v1  }
0x199: {  	v0 =	vadd.f32 v2, v0  }
0x19a: {  	v1 =	vadd.f32 v4, v1  }
0x19b: {  	v0 =	vadd.f32 v5, v0  }
0x19c: {  	v2 =	vpop (erf);
	v1 =	vadd.f32 v7, v1  }
0x19d: {  	s16 =	sshll.u32 s16, $0x5;
	v0 =	vmul.f32 v2, v0  }
0x19e: {  	s15 =	sand.u32 $0x3FFFFFE0, s16;
	v1 =	vmul.f32 v2, v1  }
0x19f: {  	[tilespmem:s15+$0x13400] =	vst v0  }
0x1a0: {  	s17 =	simm.s32 @!p0 $0xE900;
	s16 =	simm.s32 @!p0 $0xC8;
	[tilespmem:s15+$0x13410] =	vst v1;
	s15 =	sadd.s32 @!p0 $0xA28, s14  }
0x1a1: {  	[tilespmem:s17], [sflag:$0x6] =	stream.indirect.gather @!p0 [hbm4b:s3+s16], $0x20, s15, s16, $0xb8;
	[tilespmem:$0x14400] =	vst v63  }
0x1a2: {  	_ =	swait.ge [sflag:s1], $0x1900  }
0x1a3: {  	[sflag:s1] =	ssyncset.done $0x0  }
0x1a4: {  	s17 =	simm.s32 $0x0;
	[sflag:s1] =	ssyncadd.s32 $0xFFFFE700  }
0x1a5: {  	v0 =	vld [tilespmem:s17+$0x10200]  }
0x1a6: {  	v1 =	vld [tilespmem:s17+$0x10210]  }
0x1a7: {  	v2 =	vld [tilespmem:s17+$0x10220]  }
0x1a8: {  	v3 =	vld [tilespmem:s17+$0x10230]  }
0x1a9: {  	v4 =	vld [tilespmem:s17+$0x10240]  }
0x1aa: {  	v5 =	vimm.f32 $0.0e+00;
	v6 =	vld [tilespmem:s17+$0x10250]  }
0x1ab: {  	v7 =	vld [tilespmem:s17+$0x10270];
	v0 =	vadd.f32 v0, v5;
	v1 =	vadd.f32 v1, v5  }
0x1ac: {  	v5 =	vld [tilespmem:s17+$0x10260]  }
0x1ad: {  	v8 =	vld [tilespmem:s17+$0x10290];
	v0 =	vadd.f32 v2, v0;
	v1 =	vadd.f32 v3, v1  }
0x1ae: {  	v3 =	vld [tilespmem:s17+$0x10280]  }
0x1af: {  	v9 =	vld [tilespmem:s17+$0x102B0];
	v0 =	vadd.f32 v4, v0;
	v1 =	vadd.f32 v6, v1  }
0x1b0: {  	v6 =	vld [tilespmem:s17+$0x102A0]  }
0x1b1: {  	v2 =	vld [tilespmem:s17+$0x102D0];
	v0 =	vadd.f32 v5, v0;
	v4 =	vadd.f32 v7, v1  }
0x1b2: {  	v1 =	vld [tilespmem:s17+$0x102C0]  }
0x1b3: {  	v5 =	vadd.f32 v3, v0;
	v7 =	vadd.f32 v8, v4;
	v3 =	vld [tilespmem:s17+$0x102E0]  }
0x1b4: {  	s15 =	simm.s32 $0x100;
	v4 =	vld [tilespmem:s17+$0x102F0]  }
0x1b5: {  	s16 =	simm.s32 $0x800;
	v0 =	vld [tilespmem:s15+$0x10200];
	v6 =	vadd.f32 v6, v5;
	v5 =	vadd.f32 v9, v7  }
.LBB2_15:
0x1b6: {  	p1 =	sne.s32 s16, $0x6000;
	v7 =	vld [tilespmem:s15+$0x10210]  }
0x1b7: {  	v8 =	vld [tilespmem:s15+$0x10220];
	v1 =	vadd.f32 v1, v6;
	v2 =	vadd.f32 v2, v5  }
0x1b8: {  	v5 =	vld [tilespmem:s15+$0x10230]  }
0x1b9: {  	v6 =	vld [tilespmem:s15+$0x10240];
	v1 =	vadd.f32 v3, v1;
	v2 =	vadd.f32 v4, v2  }
0x1ba: {  	v3 =	vld [tilespmem:s15+$0x10250]  }
0x1bb: {  	v0 =	vadd.f32 v0, v1;
	v1 =	vadd.f32 v7, v2;
	v2 =	vld [tilespmem:s15+$0x10260]  }
0x1bc: {  	v4 =	vld [tilespmem:s15+$0x10270]  }
0x1bd: {  	v0 =	vadd.f32 v8, v0;
	v1 =	vadd.f32 v5, v1;
	v5 =	vld [tilespmem:s15+$0x10280]  }
0x1be: {  	v7 =	vld [tilespmem:s15+$0x10290]  }
0x1bf: {  	v0 =	vadd.f32 v6, v0;
	v1 =	vadd.f32 v3, v1;
	v6 =	vld [tilespmem:s15+$0x102A0]  }
0x1c0: {  	v8 =	vld [tilespmem:s15+$0x102B0]  }
.Ltmp8:
0x1c1: {  	v0 =	vadd.f32 v2, v0;
	v3 =	vadd.f32 v4, v1;
	v1 =	vld [tilespmem:s15+$0x102C0];
	(pc) =	sbr.rel @p1 .LBB2_15-.Ltmp8, $4  }
0x1c2: {  	v2 =	vld [tilespmem:s15+$0x102D0]  }
0x1c3: {  	v5 =	vadd.f32 v5, v0;
	v7 =	vadd.f32 v7, v3;
	v3 =	vld [tilespmem:s15+$0x102E0]  }
0x1c4: {  	v4 =	vld [tilespmem:s15+$0x102F0];
	s15 =	sshra.s32 s16, $0x2  }
0x1c5: {  	s16 =	sadd.s32 $0x400, s16;
	v0 =	vld [tilespmem:s15+$0x10200];
	v6 =	vadd.f32 v6, v5;
	v5 =	vadd.f32 v8, v7  }
0x1c6: {  	s16 =	sor.u32 $0x6, s13;
	v8 =	vld [tilespmem:s15+$0x10210]  }
0x1c7: {  	s17 =	sshll.u32 s16, $0x4;
	v1 =	vadd.f32 v1, v6;
	v6 =	vld [tilespmem:s15+$0x10220]  }
0x1c8: {  	v2 =	vadd.f32 v2, v5;
	v5 =	vld [tilespmem:s15+$0x10230];
	s17 =	sand.u32 $0x3FFFFFF0, s17  }
0x1c9: {  	v7 =	vld [tilespmem:s17+$0x6400];
	v1 =	vadd.f32 v3, v1  }
0x1ca: {  	v3 =	vld [tilespmem:s15+$0x10240];
	v2 =	vadd.f32 v4, v2  }
0x1cb: {  	v4 =	vld [tilespmem:s15+$0x10250];
	v0 =	vadd.f32 v0, v1  }
0x1cc: {  	v1 =	vadd.f32 v8, v2;
	v2 =	vld [tilespmem:s15+$0x10260]  }
0x1cd: {  	v8 =	vld [tilespmem:s15+$0x10270];
	v0 =	vadd.f32 v6, v0  }
0x1ce: {  	v1 =	vadd.f32 v5, v1;
	v5 =	vld [tilespmem:s15+$0x10280]  }
0x1cf: {  	v6 =	vld [tilespmem:s15+$0x10290];
	v0 =	vadd.f32 v3, v0  }
0x1d0: {  	v1 =	vadd.f32 v4, v1;
	v3 =	vld [tilespmem:s15+$0x102A0]  }
0x1d1: {  	(erf) = vrcp.f32 v7;
	v4 =	vld [tilespmem:s15+$0x102B0];
	v0 =	vadd.f32 v2, v0  }
0x1d2: {  	v1 =	vadd.f32 v8, v1;
	v2 =	vld [tilespmem:s15+$0x102C0]  }
0x1d3: {  	v7 =	vld [tilespmem:s15+$0x102D0];
	v0 =	vadd.f32 v5, v0  }
0x1d4: {  	v1 =	vadd.f32 v6, v1;
	v5 =	vld [tilespmem:s15+$0x102E0]  }
0x1d5: {  	v6 =	vld [tilespmem:s15+$0x102F0];
	v0 =	vadd.f32 v3, v0  }
0x1d6: {  	v1 =	vadd.f32 v4, v1  }
0x1d7: {  	v0 =	vadd.f32 v2, v0  }
0x1d8: {  	v1 =	vadd.f32 v7, v1  }
0x1d9: {  	v0 =	vadd.f32 v5, v0  }
0x1da: {  	v2 =	vpop (erf);
	v1 =	vadd.f32 v6, v1  }
0x1db: {  	s16 =	sshll.u32 s16, $0x5;
	v0 =	vmul.f32 v2, v0  }
0x1dc: {  	s15 =	sand.u32 $0x3FFFFFE0, s16;
	v1 =	vmul.f32 v2, v1  }
0x1dd: {  	[tilespmem:s15+$0x13400] =	vst v0  }
0x1de: {  	s14 =	sadd.s32 @!p0 $0xAF0, s14;
	s16 =	simm.s32 @!p0 $0x10200;
	[tilespmem:s15+$0x13410] =	vst v1;
	s15 =	simm.s32 @!p0 $0xC8  }
0x1df: {  	[tilespmem:s16], [sflag:$0x7] =	stream.indirect.gather @!p0 [hbm4b:s3+s15], $0x20, s14, s15, $0xb8;
	[tilespmem:$0x14400] =	vst v63  }
0x1e0: {  	_ =	swait.ge [sflag:s0], $0x1900  }
0x1e1: {  	[sflag:s0] =	ssyncset.done $0x0  }
0x1e2: {  	s17 =	simm.s32 $0x0;
	[sflag:s0] =	ssyncadd.s32 $0xFFFFE700  }
0x1e3: {  	v0 =	vld [tilespmem:s17+$0x11B00]  }
0x1e4: {  	v1 =	vld [tilespmem:s17+$0x11B10]  }
0x1e5: {  	v2 =	vld [tilespmem:s17+$0x11B20]  }
0x1e6: {  	v3 =	vld [tilespmem:s17+$0x11B30]  }
0x1e7: {  	v4 =	vld [tilespmem:s17+$0x11B40]  }
0x1e8: {  	v5 =	vimm.f32 $0.0e+00;
	v6 =	vld [tilespmem:s17+$0x11B50]  }
0x1e9: {  	v7 =	vld [tilespmem:s17+$0x11B70];
	v0 =	vadd.f32 v0, v5;
	v1 =	vadd.f32 v1, v5  }
0x1ea: {  	v5 =	vld [tilespmem:s17+$0x11B60]  }
0x1eb: {  	v8 =	vld [tilespmem:s17+$0x11B90];
	v0 =	vadd.f32 v2, v0;
	v1 =	vadd.f32 v3, v1  }
0x1ec: {  	v3 =	vld [tilespmem:s17+$0x11B80]  }
0x1ed: {  	v9 =	vld [tilespmem:s17+$0x11BB0];
	v0 =	vadd.f32 v4, v0;
	v1 =	vadd.f32 v6, v1  }
0x1ee: {  	v6 =	vld [tilespmem:s17+$0x11BA0]  }
0x1ef: {  	v2 =	vld [tilespmem:s17+$0x11BD0];
	v0 =	vadd.f32 v5, v0;
	v4 =	vadd.f32 v7, v1  }
0x1f0: {  	v1 =	vld [tilespmem:s17+$0x11BC0]  }
0x1f1: {  	v5 =	vadd.f32 v3, v0;
	v7 =	vadd.f32 v8, v4;
	v3 =	vld [tilespmem:s17+$0x11BE0]  }
0x1f2: {  	s14 =	simm.s32 $0x100;
	v4 =	vld [tilespmem:s17+$0x11BF0]  }
0x1f3: {  	s15 =	simm.s32 $0x800;
	v0 =	vld [tilespmem:s14+$0x11B00];
	v6 =	vadd.f32 v6, v5;
	v5 =	vadd.f32 v9, v7  }
.LBB2_17:
0x1f4: {  	p1 =	sne.s32 s15, $0x6000;
	v7 =	vld [tilespmem:s14+$0x11B10]  }
0x1f5: {  	v8 =	vld [tilespmem:s14+$0x11B20];
	v1 =	vadd.f32 v1, v6;
	v2 =	vadd.f32 v2, v5  }
0x1f6: {  	v5 =	vld [tilespmem:s14+$0x11B30]  }
0x1f7: {  	v6 =	vld [tilespmem:s14+$0x11B40];
	v1 =	vadd.f32 v3, v1;
	v2 =	vadd.f32 v4, v2  }
0x1f8: {  	v3 =	vld [tilespmem:s14+$0x11B50]  }
0x1f9: {  	v0 =	vadd.f32 v0, v1;
	v1 =	vadd.f32 v7, v2;
	v2 =	vld [tilespmem:s14+$0x11B60]  }
0x1fa: {  	v4 =	vld [tilespmem:s14+$0x11B70]  }
0x1fb: {  	v0 =	vadd.f32 v8, v0;
	v1 =	vadd.f32 v5, v1;
	v5 =	vld [tilespmem:s14+$0x11B80]  }
0x1fc: {  	v7 =	vld [tilespmem:s14+$0x11B90]  }
0x1fd: {  	v0 =	vadd.f32 v6, v0;
	v1 =	vadd.f32 v3, v1;
	v6 =	vld [tilespmem:s14+$0x11BA0]  }
0x1fe: {  	v8 =	vld [tilespmem:s14+$0x11BB0]  }
.Ltmp9:
0x1ff: {  	v0 =	vadd.f32 v2, v0;
	v3 =	vadd.f32 v4, v1;
	v1 =	vld [tilespmem:s14+$0x11BC0];
	(pc) =	sbr.rel @p1 .LBB2_17-.Ltmp9, $4  }
0x200: {  	v2 =	vld [tilespmem:s14+$0x11BD0]  }
0x201: {  	v5 =	vadd.f32 v5, v0;
	v7 =	vadd.f32 v7, v3;
	v3 =	vld [tilespmem:s14+$0x11BE0]  }
0x202: {  	v4 =	vld [tilespmem:s14+$0x11BF0];
	s14 =	sshra.s32 s15, $0x2  }
0x203: {  	s15 =	sadd.s32 $0x400, s15;
	v0 =	vld [tilespmem:s14+$0x11B00];
	v6 =	vadd.f32 v6, v5;
	v5 =	vadd.f32 v8, v7  }
0x204: {  	v8 =	vld [tilespmem:s14+$0x11B10]  }
0x205: {  	v48 =	vld [tilespmem:s14+$0x11B20];
	v1 =	vadd.f32 v1, v6  }
0x206: {  	v49 =	vld [tilespmem:s14+$0x11B30];
	v2 =	vadd.f32 v2, v5  }
0x207: {  	s13 =	sor.u32 $0x7, s13;
	v50 =	vld [tilespmem:s14+$0x11B40];
	v1 =	vadd.f32 v3, v1  }
0x208: {  	v51 =	vld [tilespmem:s14+$0x11B50];
	s15 =	sshll.u32 s13, $0x4;
	v2 =	vadd.f32 v4, v2  }
0x209: {  	v53 =	vld [tilespmem:s14+$0x11B60];
	s15 =	sand.u32 $0x3FFFFFF0, s15;
	v0 =	vadd.f32 v0, v1  }
0x20a: {  	v7 =	vld [tilespmem:s15+$0x6400];
	v52 =	vadd.f32 v8, v2  }
0x20b: {  	v54 =	vld [tilespmem:s14+$0x11B70];
	v0 =	vadd.f32 v48, v0  }
0x20c: {  	v55 =	vld [tilespmem:s14+$0x11B80];
	v1 =	vadd.f32 v49, v52  }
0x20d: {  	v56 =	vld [tilespmem:s14+$0x11B90];
	v0 =	vadd.f32 v50, v0  }
0x20e: {  	v57 =	vld [tilespmem:s14+$0x11BA0];
	v1 =	vadd.f32 v51, v1  }
0x20f: {  	v58 =	vld [tilespmem:s14+$0x11BB0];
	(erf) = vrcp.f32 v7;
	v0 =	vadd.f32 v53, v0  }
0x210: {  	v59 =	vld [tilespmem:s14+$0x11BC0];
	v1 =	vadd.f32 v54, v1  }
0x211: {  	v60 =	vld [tilespmem:s14+$0x11BD0];
	v0 =	vadd.f32 v55, v0  }
0x212: {  	v61 =	vld [tilespmem:s14+$0x11BE0];
	v1 =	vadd.f32 v56, v1  }
0x213: {  	v62 =	vld [tilespmem:s14+$0x11BF0];
	v0 =	vadd.f32 v57, v0  }
0x214: {  	v1 =	vadd.f32 v58, v1  }
0x215: {  	v0 =	vadd.f32 v59, v0  }
0x216: {  	v1 =	vadd.f32 v60, v1  }
0x217: {  	v0 =	vadd.f32 v61, v0  }
.Ltmp10:
0x218: {  	v63 =	vpop (erf);
	v1 =	vadd.f32 v62, v1;
	(pc) =	sbr.rel @p0 .LBB2_20-.Ltmp10, $4  }
0x219: {  	s13 =	sshll.u32 s13, $0x5;
	v0 =	vmul.f32 v63, v0  }
0x21a: {  	s13 =	sand.u32 $0x3FFFFFE0, s13;
	v1 =	vmul.f32 v63, v1  }
0x21b: {  	[tilespmem:s13+$0x13400] =	vst v0  }
0x21c: {  	[tilespmem:s13+$0x13410] =	vst v1  }
0x21d: {  	s13 =	smul.u32 $0x1900, s12  }
.Ltmp11:
0x21e: {  	_ = 	snop;
	(pc) =	sbr.rel .LBB2_2-.Ltmp11, $4  }
0x21f: {  	_ = 	snop  }
0x220: {  	s13 =	sshra.s32 s13, $0x2  }
0x221: {  	s12 =	sadd.s32 $0x1, s12;
	s13 =	sadd.s32 $0xBB8, s13  }
0x222: {  	[tilespmem:s24], [sflag:$0x8] =	stream.indirect.gather [hbm4b:s3+s10], $0x20, s13, s10, $0xb8;
	[tilespmem:$0x14400] =	vst v63  }
.LBB2_21:
0x223: {  	_ =	sfence.sel $0x180000  }
0x224: {  	[bflag:$0x0] =	sbarrier.arrive $0xFFFF  }
0x225: {  	_ =	strace $0x90000047  }
0x226: {  	s0 =	stileid.u32;
	[bflag:$0x2] =	sbarrier.arrive $0xFFFF  }
0x227: {  	p0 =	sne.s32 s0, $0x0;
	s0 =	rddreg [dreg:$0x2]  }
0x228: {  	s0 =	sadd.s32 @!p0 $0x100000, s0  }
0x229: {  	[sflag:s0] =	ssyncadd.tile.s32 @!p0 $0x1;
	_ =	shalt  }
.Lfunc_end2:
_tile_overlayer_lowered:
.L_overlay_start_2:
0x22a: {  	(tag) =	ssettag $0x2  }
0x22b: {  	s0 =	rddreg [dreg:$0x0];
	s2 =	stileid.u32  }
0x22c: {  	s1 =	rddreg [dreg:$0x1];
	p0 =	sne.s32 s2, $0x0  }
0x22d: {  	s3 =	rddreg [dreg:$0x2];
	[bflag:$0x3] =	sbarrier.arrive $0xFFFF;
	s2 =	simm.s32 @!p0 $0x1C09  }
0x22e: {  	[timem:s3], [sflag:s2] =	dma.local @!p0 [hbm:s0], s1  }
0x22f: {  	s0 =	simm.s32 @!p0 $0x9  }
0x230: {  	_ =	swait.ge @!p0 [sflag:s0], s1  }
0x231: {  	s1 =	ssub.s32 @!p0 $0x0, s1;
	[sflag:s0] =	ssyncset.done @!p0 $0x0  }
0x232: {  	[sflag:s0] =	ssyncadd.s32 @!p0 s1  }
0x233: {  	[bflag:$0x3] =	sbarrier.arrive $0xFFFF  }
0x234: {  	_ =	shalt  }

</sc_bundles>
